<compile_context>
chip_gen: v7x
topology: tpu7x:2x2x1
jax: 0.10.2.dev20260603
libtpu: 0.0.44.dev20260713+nightly
codegen_flags: <defaults>
</compile_context>

<pallas_src>
import functools

import jax
import jax.numpy as jnp
from jax import lax
from jax.experimental import pallas as pl
from jax.experimental.pallas import tpu as pltpu
from jax.experimental.pallas import tpu_sc as plsc

NC = 2
NS = 16
NW = NC * NS
L = 16
CHUNK = 64


@functools.partial(jax.jit, static_argnames=("epw", "d"))
def _decode(src_idx, dst_idx, z_src, z_dst, *, epw, d):
    e_pad = src_idx.shape[0]
    n_chunks = epw // CHUNK
    mesh = plsc.VectorSubcoreMesh(
        core_axis_name="c", subcore_axis_name="s", num_cores=NC,
        num_subcores=NS)

    @functools.partial(
        pl.kernel,
        out_type=jax.ShapeDtypeStruct((e_pad,), jnp.float32),
        mesh=mesh,
        compiler_params=pltpu.CompilerParams(needs_layout_passes=False),
        scratch_types=[
            pltpu.VMEM((epw,), jnp.int32),
            pltpu.VMEM((epw,), jnp.int32),
            pltpu.VMEM((2 * CHUNK, d), jnp.float32),
            pltpu.VMEM((2 * CHUNK, d), jnp.float32),
            pltpu.VMEM((epw + L * L,), jnp.float32),
            pltpu.SemaphoreType.DMA,
            pltpu.SemaphoreType.DMA,
        ],
    )
    def sc_decode(src_hbm, dst_hbm, zsrc_hbm, zdst_hbm, out_hbm,
                  sidx_v, didx_v, srows, drows, outv, sem_s, sem_d):
        wid = lax.axis_index("s") * NC + lax.axis_index("c")
        base = wid * epw
        pltpu.sync_copy(src_hbm.at[pl.ds(base, epw)], sidx_v)
        pltpu.sync_copy(dst_hbm.at[pl.ds(base, epw)], didx_v)
        tb = lax.iota(jnp.int32, L) * L + epw

        def gathers(ci):
            cb = ci * CHUNK
            half = (ci % 2) * CHUNK
            cp_s = pltpu.make_async_copy(
                zsrc_hbm.at[sidx_v.at[pl.ds(cb, CHUNK)]],
                srows.at[pl.ds(half, CHUNK), :], sem_s)
            cp_d = pltpu.make_async_copy(
                zdst_hbm.at[didx_v.at[pl.ds(cb, CHUNK)]],
                drows.at[pl.ds(half, CHUNK), :], sem_d)
            return cp_s, cp_d

        def prime(ci):
            cp_s, cp_d = gathers(ci)
            cp_s.start()
            cp_d.start()

        prime(0)

        def chunk_body(ci, carry):
            @pl.when(ci + 1 < n_chunks)
            def _():
                prime(ci + 1)

            cp_s, cp_d = gathers(ci)
            cp_s.wait()
            cp_d.wait()
            half = (ci % 2) * CHUNK

            def group_body(g, carry2):
                gb = ci * CHUNK + g * L
                for e16 in range(L):
                    e = half + g * L + e16
                    acc = srows[e, pl.ds(0, L)] * drows[e, pl.ds(0, L)]
                    for j in range(1, d // L):
                        acc = acc + (srows[e, pl.ds(j * L, L)]
                                     * drows[e, pl.ds(j * L, L)])
                    plsc.store_scatter(outv, [tb + e16], acc)
                dots = outv[pl.ds(epw, L)]
                for l in range(1, L):
                    dots = dots + outv[pl.ds(epw + l * L, L)]
                outv[pl.ds(gb, L)] = dots
                return carry2

            lax.fori_loop(0, CHUNK // L, group_body, 0)
            return carry

        lax.fori_loop(0, n_chunks, chunk_body, 0)
        pltpu.sync_copy(outv.at[pl.ds(0, epw)], out_hbm.at[pl.ds(base, epw)])

    return sc_decode(src_idx, dst_idx, z_src, z_dst)


def kernel(z_src, z_dst, edge_label_index):
    src = edge_label_index[0].astype(jnp.int32)
    dst = edge_label_index[1].astype(jnp.int32)
    e = src.shape[0]
    d = z_src.shape[1]
    grain = NW * CHUNK
    e_pad = -(-e // grain) * grain
    if e_pad != e:
        src = jnp.concatenate([src, jnp.zeros((e_pad - e,), jnp.int32)])
        dst = jnp.concatenate([dst, jnp.zeros((e_pad - e,), jnp.int32)])
    out = _decode(src, dst, z_src, z_dst, epw=e_pad // NW, d=d)
    return out[:e]

# --- scband reference (transcript-rebuilt; emitter-appended) ---
"""Pipeline reference for scband-dot-product-decoder-3083786519225 (READ-ONLY COPY).

The authoritative reference and input builder live on the scoring server;
editing this copy changes nothing except your own understanding.
"""

import jax, jax.numpy as jnp
import numpy as np


def setup_inputs(seed: int = 0) -> dict:
    key = jax.random.key(seed)
    k1, k2, k3 = jax.random.split(key, 3)
    z_src = jax.random.normal(k1, (10000, 256), dtype=jnp.float32)
    z_dst = jax.random.normal(k2, (10000, 256), dtype=jnp.float32)
    edge_label_index = jax.random.randint(k3, (2, 160000), 0, 10000, dtype=jnp.int64 if jax.config.jax_enable_x64 else jnp.int32)
    return {"z_src": z_src, "z_dst": z_dst, "edge_label_index": edge_label_index}


def reference(z_src, z_dst, edge_label_index):
    src = edge_label_index[0]
    dst = edge_label_index[1]
    gathered_src = jnp.take(z_src, src, axis=0)
    gathered_dst = jnp.take(z_dst, dst, axis=0)
    return (gathered_src * gathered_dst).sum(axis=-1)

if __name__ == "__main__":
    import jax
    _d = setup_inputs()
    print(jax.jit(kernel)(*tuple(_d.values())))

</pallas_src>

<mosaic_0001>
#map = affine_map<(d0, d1) -> (0)>
#map1 = affine_map<(d0, d1) -> (0, 0)>
module attributes {stable_mosaic.version = 14 : i64} {
  func.func @sc_decode(%arg0: i32, %arg1: i32, %arg2: memref<161792xi32, #tpu.memory_space<hbm>>, %arg3: memref<161792xi32, #tpu.memory_space<hbm>>, %arg4: memref<10000x256xf32, #tpu.memory_space<hbm>>, %arg5: memref<10000x256xf32, #tpu.memory_space<hbm>>, %arg6: memref<161792xf32, #tpu.memory_space<hbm>>, %arg7: memref<5056xi32, #tpu.memory_space<vmem>>, %arg8: memref<5056xi32, #tpu.memory_space<vmem>>, %arg9: memref<128x256xf32, #tpu.memory_space<vmem>>, %arg10: memref<128x256xf32, #tpu.memory_space<vmem>>, %arg11: memref<5312xf32, #tpu.memory_space<vmem>>, %arg12: memref<!tpu.dma_semaphore, #tpu.memory_space<semaphore_mem>>, %arg13: memref<!tpu.dma_semaphore, #tpu.memory_space<semaphore_mem>>) attributes {dimension_semantics = [#tpu.dimension_semantics<core_parallel>, #tpu.dimension_semantics<subcore_parallel>], iteration_bounds = array<i64: 2, 16>, scalar_prefetch = 0 : i64, scratch_operands = 7 : i64, tpu.core_type = #tpu.core_type<sc_vector_subcore>, window_params = [{transform_indices = #map}, {transform_indices = #map}, {transform_indices = #map1}, {transform_indices = #map1}, {transform_indices = #map}]} {
    %mul3A = arith.constant 2 : i32
    %mul3A_0 = arith.muli %arg1, %mul3A : i32
    %add3A = arith.addi %mul3A_0, %arg0 : i32
    %mul3A_1 = arith.constant 5056 : i32
    %mul3A_2 = arith.muli %add3A, %mul3A_1 : i32
    "tpu.region"() ({
      %run_scoped3A = tpu.sem_alloc : memref<!tpu.dma_semaphore, #tpu.memory_space<semaphore_mem>>
      %dma_start3A_29 = tpu.memref_slice %arg2[%mul3A_2] : memref<161792xi32, #tpu.memory_space<hbm>> -> memref<5056xi32, #tpu.memory_space<hbm>>
      %dma_start3A_30 = tpu.memref_slice %arg2[%mul3A_2] : memref<161792xi32, #tpu.memory_space<hbm>> -> memref<5056xi32, #tpu.memory_space<hbm>>
      tpu.enqueue_dma source(%dma_start3A_30 : memref<5056xi32, #tpu.memory_space<hbm>>) target(%arg7 : memref<5056xi32, #tpu.memory_space<vmem>>) target_semaphore(%run_scoped3A : memref<!tpu.dma_semaphore, #tpu.memory_space<semaphore_mem>>)
      %dma_wait3A = tpu.memref_slice %arg2[%mul3A_2] : memref<161792xi32, #tpu.memory_space<hbm>> -> memref<5056xi32, #tpu.memory_space<hbm>>
      %dma_wait3A_31 = tpu.memref_slice %arg2[%mul3A_2] : memref<161792xi32, #tpu.memory_space<hbm>> -> memref<5056xi32, #tpu.memory_space<hbm>>
      tpu.wait_dma2 semaphore(%run_scoped3A : memref<!tpu.dma_semaphore, #tpu.memory_space<semaphore_mem>>) src(%dma_wait3A_31 : memref<5056xi32, #tpu.memory_space<hbm>>) dst(%arg7 : memref<5056xi32, #tpu.memory_space<vmem>>)
      tpu.yield
    }) : () -> ()
    "tpu.region"() ({
      %run_scoped3A = tpu.sem_alloc : memref<!tpu.dma_semaphore, #tpu.memory_space<semaphore_mem>>
      %dma_start3A_29 = tpu.memref_slice %arg3[%mul3A_2] : memref<161792xi32, #tpu.memory_space<hbm>> -> memref<5056xi32, #tpu.memory_space<hbm>>
      %dma_start3A_30 = tpu.memref_slice %arg3[%mul3A_2] : memref<161792xi32, #tpu.memory_space<hbm>> -> memref<5056xi32, #tpu.memory_space<hbm>>
      tpu.enqueue_dma source(%dma_start3A_30 : memref<5056xi32, #tpu.memory_space<hbm>>) target(%arg8 : memref<5056xi32, #tpu.memory_space<vmem>>) target_semaphore(%run_scoped3A : memref<!tpu.dma_semaphore, #tpu.memory_space<semaphore_mem>>)
      %dma_wait3A = tpu.memref_slice %arg3[%mul3A_2] : memref<161792xi32, #tpu.memory_space<hbm>> -> memref<5056xi32, #tpu.memory_space<hbm>>
      %dma_wait3A_31 = tpu.memref_slice %arg3[%mul3A_2] : memref<161792xi32, #tpu.memory_space<hbm>> -> memref<5056xi32, #tpu.memory_space<hbm>>
      tpu.wait_dma2 semaphore(%run_scoped3A : memref<!tpu.dma_semaphore, #tpu.memory_space<semaphore_mem>>) src(%dma_wait3A_31 : memref<5056xi32, #tpu.memory_space<hbm>>) dst(%arg8 : memref<5056xi32, #tpu.memory_space<vmem>>)
      tpu.yield
    }) : () -> ()
    %iota3A = tpu.iota {dimensions = array<i32: 0>} : vector<16xi32>
    %mul3A_3 = arith.constant 16 : i32
    %mul3A_4 = vector.broadcast %mul3A_3 : i32 to vector<16xi32>
    %mul3A_5 = arith.muli %iota3A, %mul3A_4 : vector<16xi32>
    %add3A_6 = arith.constant 5056 : i32
    %add3A_7 = vector.broadcast %add3A_6 : i32 to vector<16xi32>
    %add3A_8 = arith.addi %mul3A_5, %add3A_7 : vector<16xi32>
    %dma_start3A = arith.constant 0 : i32
    %dma_start3A_9 = arith.constant 0 : i32
    %dma_start3A_10 = tpu.memref_slice %arg9[%dma_start3A, %dma_start3A_9] : memref<128x256xf32, #tpu.memory_space<vmem>> -> memref<64x256xf32, #tpu.memory_space<vmem>>
    %dma_start3A_11 = arith.constant 0 : i32
    %dma_start3A_12 = tpu.memref_slice %arg7[%dma_start3A_11] : memref<5056xi32, #tpu.memory_space<vmem>> -> memref<64xi32, #tpu.memory_space<vmem>>
    %dma_start3A_13 = arith.constant 0 : i32
    %dma_start3A_14 = arith.constant 0 : i32
    %dma_start3A_15 = tpu.memref_slice %arg4[%dma_start3A_13, %dma_start3A_14] : memref<10000x256xf32, #tpu.memory_space<hbm>> -> memref<10000x256xf32, #tpu.memory_space<hbm>>
    tpu.enqueue_indirect_dma source(%dma_start3A_15 : memref<10000x256xf32, #tpu.memory_space<hbm>>) target(%dma_start3A_10 : memref<64x256xf32, #tpu.memory_space<vmem>>) offsets(%dma_start3A_12 : memref<64xi32, #tpu.memory_space<vmem>>) semaphore(%arg12 : memref<!tpu.dma_semaphore, #tpu.memory_space<semaphore_mem>>)
    %dma_start3A_16 = arith.constant 0 : i32
    %dma_start3A_17 = arith.constant 0 : i32
    %dma_start3A_18 = tpu.memref_slice %arg10[%dma_start3A_16, %dma_start3A_17] : memref<128x256xf32, #tpu.memory_space<vmem>> -> memref<64x256xf32, #tpu.memory_space<vmem>>
    %dma_start3A_19 = arith.constant 0 : i32
    %dma_start3A_20 = tpu.memref_slice %arg8[%dma_start3A_19] : memref<5056xi32, #tpu.memory_space<vmem>> -> memref<64xi32, #tpu.memory_space<vmem>>
    %dma_start3A_21 = arith.constant 0 : i32
    %dma_start3A_22 = arith.constant 0 : i32
    %dma_start3A_23 = tpu.memref_slice %arg5[%dma_start3A_21, %dma_start3A_22] : memref<10000x256xf32, #tpu.memory_space<hbm>> -> memref<10000x256xf32, #tpu.memory_space<hbm>>
    tpu.enqueue_indirect_dma source(%dma_start3A_23 : memref<10000x256xf32, #tpu.memory_space<hbm>>) target(%dma_start3A_18 : memref<64x256xf32, #tpu.memory_space<vmem>>) offsets(%dma_start3A_20 : memref<64xi32, #tpu.memory_space<vmem>>) semaphore(%arg13 : memref<!tpu.dma_semaphore, #tpu.memory_space<semaphore_mem>>)
    %scan3A = arith.constant 0 : i32
    %scan3A_24 = arith.constant 0 : i32
    %scan3A_25 = arith.constant 79 : i32
    %scan3A_26 = arith.addi %scan3A_24, %scan3A_25 : i32
    %scan3A_27 = arith.constant 1 : i32
    scf.for %scan3A_29 = %scan3A_24 to %scan3A_26 step %scan3A_27  : i32 {
      %add3A_30 = arith.constant 1 : i32
      %add3A_31 = arith.addi %scan3A_29, %add3A_30 : i32
      %lt3A = arith.constant 79 : i32
      %lt3A_32 = arith.cmpi slt, %add3A_31, %lt3A : i32
      %convert_element_type3A = arith.extui %lt3A_32 : i1 to i32
      %cond3A = arith.constant 0 : i32
      %cond3A_33 = arith.cmpi ne, %convert_element_type3A, %cond3A : i32
      scf.if %cond3A_33 {
        %add3A_83 = arith.constant 1 : i32
        %add3A_84 = arith.addi %scan3A_29, %add3A_83 : i32
        %mul3A_85 = arith.constant 64 : i32
        %mul3A_86 = arith.muli %add3A_84, %mul3A_85 : i32
        %jit3A_87 = arith.constant 2 : i32
        %eq3A_88 = arith.constant 0 : i32
        %eq3A_89 = arith.cmpi eq, %jit3A_87, %eq3A_88 : i32
        %jit3A_90 = arith.constant 1 : i32
        %select_n3A_91 = arith.select %eq3A_89, %jit3A_90, %jit3A_87 : i32
        %rem3A_92 = arith.remsi %add3A_84, %select_n3A_91 : i32
        %ne3A_93 = arith.constant 0 : i32
        %ne3A_94 = arith.cmpi ne, %rem3A_92, %ne3A_93 : i32
        %lt3A_95 = arith.constant 0 : i32
        %lt3A_96 = arith.cmpi slt, %rem3A_92, %lt3A_95 : i32
        %lt3A_97 = arith.constant 0 : i32
        %lt3A_98 = arith.cmpi slt, %select_n3A_91, %lt3A_97 : i32
        %ne3A_99 = arith.xori %lt3A_96, %lt3A_98 : i1
        %and3A_100 = arith.andi %ne3A_99, %ne3A_94 : i1
        %add3A_101 = arith.addi %rem3A_92, %select_n3A_91 : i32
        %select_n3A_102 = arith.select %and3A_100, %add3A_101, %rem3A_92 : i32
        %mul3A_103 = arith.constant 64 : i32
        %mul3A_104 = arith.muli %select_n3A_102, %mul3A_103 : i32
        %dma_start3A_105 = arith.constant 0 : i32
        %dma_start3A_106 = tpu.memref_slice %arg9[%mul3A_104, %dma_start3A_105] : memref<128x256xf32, #tpu.memory_space<vmem>> -> memref<64x256xf32, #tpu.memory_space<vmem>>
        %dma_start3A_107 = tpu.memref_slice %arg7[%mul3A_86] : memref<5056xi32, #tpu.memory_space<vmem>> -> memref<64xi32, #tpu.memory_space<vmem>>
        %dma_start3A_108 = arith.constant 0 : i32
        %dma_start3A_109 = arith.constant 0 : i32
        %dma_start3A_110 = tpu.memref_slice %arg4[%dma_start3A_108, %dma_start3A_109] : memref<10000x256xf32, #tpu.memory_space<hbm>> -> memref<10000x256xf32, #tpu.memory_space<hbm>>
        tpu.enqueue_indirect_dma source(%dma_start3A_110 : memref<10000x256xf32, #tpu.memory_space<hbm>>) target(%dma_start3A_106 : memref<64x256xf32, #tpu.memory_space<vmem>>) offsets(%dma_start3A_107 : memref<64xi32, #tpu.memory_space<vmem>>) semaphore(%arg12 : memref<!tpu.dma_semaphore, #tpu.memory_space<semaphore_mem>>)
        %dma_start3A_111 = arith.constant 0 : i32
        %dma_start3A_112 = tpu.memref_slice %arg10[%mul3A_104, %dma_start3A_111] : memref<128x256xf32, #tpu.memory_space<vmem>> -> memref<64x256xf32, #tpu.memory_space<vmem>>
        %dma_start3A_113 = tpu.memref_slice %arg8[%mul3A_86] : memref<5056xi32, #tpu.memory_space<vmem>> -> memref<64xi32, #tpu.memory_space<vmem>>
        %dma_start3A_114 = arith.constant 0 : i32
        %dma_start3A_115 = arith.constant 0 : i32
        %dma_start3A_116 = tpu.memref_slice %arg5[%dma_start3A_114, %dma_start3A_115] : memref<10000x256xf32, #tpu.memory_space<hbm>> -> memref<10000x256xf32, #tpu.memory_space<hbm>>
        tpu.enqueue_indirect_dma source(%dma_start3A_116 : memref<10000x256xf32, #tpu.memory_space<hbm>>) target(%dma_start3A_112 : memref<64x256xf32, #tpu.memory_space<vmem>>) offsets(%dma_start3A_113 : memref<64xi32, #tpu.memory_space<vmem>>) semaphore(%arg13 : memref<!tpu.dma_semaphore, #tpu.memory_space<semaphore_mem>>)
      } else {
      }
      %mul3A_34 = arith.constant 64 : i32
      %mul3A_35 = arith.muli %scan3A_29, %mul3A_34 : i32
      %jit3A = arith.constant 2 : i32
      %eq3A = arith.constant 0 : i32
      %eq3A_36 = arith.cmpi eq, %jit3A, %eq3A : i32
      %jit3A_37 = arith.constant 1 : i32
      %select_n3A = arith.select %eq3A_36, %jit3A_37, %jit3A : i32
      %rem3A = arith.remsi %scan3A_29, %select_n3A : i32
      %ne3A = arith.constant 0 : i32
      %ne3A_38 = arith.cmpi ne, %rem3A, %ne3A : i32
      %lt3A_39 = arith.constant 0 : i32
      %lt3A_40 = arith.cmpi slt, %rem3A, %lt3A_39 : i32
      %lt3A_41 = arith.constant 0 : i32
      %lt3A_42 = arith.cmpi slt, %select_n3A, %lt3A_41 : i32
      %ne3A_43 = arith.xori %lt3A_40, %lt3A_42 : i1
      %and3A = arith.andi %ne3A_43, %ne3A_38 : i1
      %add3A_44 = arith.addi %rem3A, %select_n3A : i32
      %select_n3A_45 = arith.select %and3A, %add3A_44, %rem3A : i32
      %mul3A_46 = arith.constant 64 : i32
      %mul3A_47 = arith.muli %select_n3A_45, %mul3A_46 : i32
      %dma_wait3A = arith.constant 0 : i32
      %dma_wait3A_48 = tpu.memref_slice %arg9[%mul3A_47, %dma_wait3A] : memref<128x256xf32, #tpu.memory_space<vmem>> -> memref<64x256xf32, #tpu.memory_space<vmem>>
      %dma_wait3A_49 = tpu.memref_slice %arg7[%mul3A_35] : memref<5056xi32, #tpu.memory_space<vmem>> -> memref<64xi32, #tpu.memory_space<vmem>>
      %dma_wait3A_50 = arith.constant 0 : i32
      %dma_wait3A_51 = arith.constant 0 : i32
      %dma_wait3A_52 = tpu.memref_slice %arg4[%dma_wait3A_50, %dma_wait3A_51] : memref<10000x256xf32, #tpu.memory_space<hbm>> -> memref<10000x256xf32, #tpu.memory_space<hbm>>
      tpu.wait_indirect_dma semaphore(%arg12 : memref<!tpu.dma_semaphore, #tpu.memory_space<semaphore_mem>>) src(%dma_wait3A_52 : memref<10000x256xf32, #tpu.memory_space<hbm>>) dst(%dma_wait3A_48 : memref<64x256xf32, #tpu.memory_space<vmem>>)
      %dma_wait3A_53 = arith.constant 0 : i32
      %dma_wait3A_54 = tpu.memref_slice %arg10[%mul3A_47, %dma_wait3A_53] : memref<128x256xf32, #tpu.memory_space<vmem>> -> memref<64x256xf32, #tpu.memory_space<vmem>>
      %dma_wait3A_55 = tpu.memref_slice %arg8[%mul3A_35] : memref<5056xi32, #tpu.memory_space<vmem>> -> memref<64xi32, #tpu.memory_space<vmem>>
      %dma_wait3A_56 = arith.constant 0 : i32
      %dma_wait3A_57 = arith.constant 0 : i32
      %dma_wait3A_58 = tpu.memref_slice %arg5[%dma_wait3A_56, %dma_wait3A_57] : memref<10000x256xf32, #tpu.memory_space<hbm>> -> memref<10000x256xf32, #tpu.memory_space<hbm>>
      tpu.wait_indirect_dma semaphore(%arg13 : memref<!tpu.dma_semaphore, #tpu.memory_space<semaphore_mem>>) src(%dma_wait3A_58 : memref<10000x256xf32, #tpu.memory_space<hbm>>) dst(%dma_wait3A_54 : memref<64x256xf32, #tpu.memory_space<vmem>>)
      %jit3A_59 = arith.constant 2 : i32
      %eq3A_60 = arith.constant 0 : i32
      %eq3A_61 = arith.cmpi eq, %jit3A_59, %eq3A_60 : i32
      %jit3A_62 = arith.constant 1 : i32
      %select_n3A_63 = arith.select %eq3A_61, %jit3A_62, %jit3A_59 : i32
      %rem3A_64 = arith.remsi %scan3A_29, %select_n3A_63 : i32
      %ne3A_65 = arith.constant 0 : i32
      %ne3A_66 = arith.cmpi ne, %rem3A_64, %ne3A_65 : i32
      %lt3A_67 = arith.constant 0 : i32
      %lt3A_68 = arith.cmpi slt, %rem3A_64, %lt3A_67 : i32
      %lt3A_69 = arith.constant 0 : i32
      %lt3A_70 = arith.cmpi slt, %select_n3A_63, %lt3A_69 : i32
      %ne3A_71 = arith.xori %lt3A_68, %lt3A_70 : i1
      %and3A_72 = arith.andi %ne3A_71, %ne3A_66 : i1
      %add3A_73 = arith.addi %rem3A_64, %select_n3A_63 : i32
      %select_n3A_74 = arith.select %and3A_72, %add3A_73, %rem3A_64 : i32
      %mul3A_75 = arith.constant 64 : i32
      %mul3A_76 = arith.muli %select_n3A_74, %mul3A_75 : i32
      %scan3A_77 = arith.constant 0 : i32
      %scan3A_78 = arith.constant 0 : i32
      %scan3A_79 = arith.constant 4 : i32
      %scan3A_80 = arith.addi %scan3A_78, %scan3A_79 : i32
      %scan3A_81 = arith.constant 1 : i32
      scf.for %scan3A_83 = %scan3A_78 to %scan3A_80 step %scan3A_81  : i32 {
        %mul3A_84 = arith.constant 64 : i32
        %mul3A_85 = arith.muli %scan3A_29, %mul3A_84 : i32
        %mul3A_86 = arith.constant 16 : i32
        %mul3A_87 = arith.muli %scan3A_83, %mul3A_86 : i32
        %add3A_88 = arith.addi %mul3A_85, %mul3A_87 : i32
        %mul3A_89 = arith.constant 16 : i32
        %mul3A_90 = arith.muli %scan3A_83, %mul3A_89 : i32
        %add3A_91 = arith.addi %mul3A_76, %mul3A_90 : i32
        %add3A_92 = arith.constant 0 : i32
        %add3A_93 = arith.addi %add3A_91, %add3A_92 : i32
        %get3A = arith.index_cast %add3A_93 : i32 to index
        %get3A_94 = arith.constant 0 : index
        %get3A_95 = tpu.vector_load %arg9[%get3A, %get3A_94] {strides = array<i32>} : memref<128x256xf32, #tpu.memory_space<vmem>>, vector<16xf32>,
        %get3A_96 = arith.index_cast %add3A_93 : i32 to index
        %get3A_97 = arith.constant 0 : index
        %get3A_98 = tpu.vector_load %arg10[%get3A_96, %get3A_97] {strides = array<i32>} : memref<128x256xf32, #tpu.memory_space<vmem>>, vector<16xf32>,
        %mul3A_99 = arith.mulf %get3A_95, %get3A_98 : vector<16xf32>
        %get3A_100 = arith.index_cast %add3A_93 : i32 to index
        %get3A_101 = arith.constant 16 : index
        %get3A_102 = tpu.vector_load %arg9[%get3A_100, %get3A_101] {strides = array<i32>} : memref<128x256xf32, #tpu.memory_space<vmem>>, vector<16xf32>,
        %get3A_103 = arith.index_cast %add3A_93 : i32 to index
        %get3A_104 = arith.constant 16 : index
        %get3A_105 = tpu.vector_load %arg10[%get3A_103, %get3A_104] {strides = array<i32>} : memref<128x256xf32, #tpu.memory_space<vmem>>, vector<16xf32>,
        %mul3A_106 = arith.mulf %get3A_102, %get3A_105 : vector<16xf32>
        %add3A_107 = arith.addf %mul3A_99, %mul3A_106 : vector<16xf32>
        %get3A_108 = arith.index_cast %add3A_93 : i32 to index
        %get3A_109 = arith.constant 32 : index
        %get3A_110 = tpu.vector_load %arg9[%get3A_108, %get3A_109] {strides = array<i32>} : memref<128x256xf32, #tpu.memory_space<vmem>>, vector<16xf32>,
        %get3A_111 = arith.index_cast %add3A_93 : i32 to index
        %get3A_112 = arith.constant 32 : index
        %get3A_113 = tpu.vector_load %arg10[%get3A_111, %get3A_112] {strides = array<i32>} : memref<128x256xf32, #tpu.memory_space<vmem>>, vector<16xf32>,
        %mul3A_114 = arith.mulf %get3A_110, %get3A_113 : vector<16xf32>
        %add3A_115 = arith.addf %add3A_107, %mul3A_114 : vector<16xf32>
        %get3A_116 = arith.index_cast %add3A_93 : i32 to index
        %get3A_117 = arith.constant 48 : index
        %get3A_118 = tpu.vector_load %arg9[%get3A_116, %get3A_117] {strides = array<i32>} : memref<128x256xf32, #tpu.memory_space<vmem>>, vector<16xf32>,
        %get3A_119 = arith.index_cast %add3A_93 : i32 to index
        %get3A_120 = arith.constant 48 : index
        %get3A_121 = tpu.vector_load %arg10[%get3A_119, %get3A_120] {strides = array<i32>} : memref<128x256xf32, #tpu.memory_space<vmem>>, vector<16xf32>,
        %mul3A_122 = arith.mulf %get3A_118, %get3A_121 : vector<16xf32>
        %add3A_123 = arith.addf %add3A_115, %mul3A_122 : vector<16xf32>
        %get3A_124 = arith.index_cast %add3A_93 : i32 to index
        %get3A_125 = arith.constant 64 : index
        %get3A_126 = tpu.vector_load %arg9[%get3A_124, %get3A_125] {strides = array<i32>} : memref<128x256xf32, #tpu.memory_space<vmem>>, vector<16xf32>,
        %get3A_127 = arith.index_cast %add3A_93 : i32 to index
        %get3A_128 = arith.constant 64 : index
        %get3A_129 = tpu.vector_load %arg10[%get3A_127, %get3A_128] {strides = array<i32>} : memref<128x256xf32, #tpu.memory_space<vmem>>, vector<16xf32>,
        %mul3A_130 = arith.mulf %get3A_126, %get3A_129 : vector<16xf32>
        %add3A_131 = arith.addf %add3A_123, %mul3A_130 : vector<16xf32>
        %get3A_132 = arith.index_cast %add3A_93 : i32 to index
        %get3A_133 = arith.constant 80 : index
        %get3A_134 = tpu.vector_load %arg9[%get3A_132, %get3A_133] {strides = array<i32>} : memref<128x256xf32, #tpu.memory_space<vmem>>, vector<16xf32>,
        %get3A_135 = arith.index_cast %add3A_93 : i32 to index
        %get3A_136 = arith.constant 80 : index
        %get3A_137 = tpu.vector_load %arg10[%get3A_135, %get3A_136] {strides = array<i32>} : memref<128x256xf32, #tpu.memory_space<vmem>>, vector<16xf32>,
        %mul3A_138 = arith.mulf %get3A_134, %get3A_137 : vector<16xf32>
        %add3A_139 = arith.addf %add3A_131, %mul3A_138 : vector<16xf32>
        %get3A_140 = arith.index_cast %add3A_93 : i32 to index
        %get3A_141 = arith.constant 96 : index
        %get3A_142 = tpu.vector_load %arg9[%get3A_140, %get3A_141] {strides = array<i32>} : memref<128x256xf32, #tpu.memory_space<vmem>>, vector<16xf32>,
        %get3A_143 = arith.index_cast %add3A_93 : i32 to index
        %get3A_144 = arith.constant 96 : index
        %get3A_145 = tpu.vector_load %arg10[%get3A_143, %get3A_144] {strides = array<i32>} : memref<128x256xf32, #tpu.memory_space<vmem>>, vector<16xf32>,
        %mul3A_146 = arith.mulf %get3A_142, %get3A_145 : vector<16xf32>
        %add3A_147 = arith.addf %add3A_139, %mul3A_146 : vector<16xf32>
        %get3A_148 = arith.index_cast %add3A_93 : i32 to index
        %get3A_149 = arith.constant 112 : index
        %get3A_150 = tpu.vector_load %arg9[%get3A_148, %get3A_149] {strides = array<i32>} : memref<128x256xf32, #tpu.memory_space<vmem>>, vector<16xf32>,
        %get3A_151 = arith.index_cast %add3A_93 : i32 to index
        %get3A_152 = arith.constant 112 : index
        %get3A_153 = tpu.vector_load %arg10[%get3A_151, %get3A_152] {strides = array<i32>} : memref<128x256xf32, #tpu.memory_space<vmem>>, vector<16xf32>,
        %mul3A_154 = arith.mulf %get3A_150, %get3A_153 : vector<16xf32>
        %add3A_155 = arith.addf %add3A_147, %mul3A_154 : vector<16xf32>
        %get3A_156 = arith.index_cast %add3A_93 : i32 to index
        %get3A_157 = arith.constant 128 : index
        %get3A_158 = tpu.vector_load %arg9[%get3A_156, %get3A_157] {strides = array<i32>} : memref<128x256xf32, #tpu.memory_space<vmem>>, vector<16xf32>,
        %get3A_159 = arith.index_cast %add3A_93 : i32 to index
        %get3A_160 = arith.constant 128 : index
        %get3A_161 = tpu.vector_load %arg10[%get3A_159, %get3A_160] {strides = array<i32>} : memref<128x256xf32, #tpu.memory_space<vmem>>, vector<16xf32>,
        %mul3A_162 = arith.mulf %get3A_158, %get3A_161 : vector<16xf32>
        %add3A_163 = arith.addf %add3A_155, %mul3A_162 : vector<16xf32>
        %get3A_164 = arith.index_cast %add3A_93 : i32 to index
        %get3A_165 = arith.constant 144 : index
        %get3A_166 = tpu.vector_load %arg9[%get3A_164, %get3A_165] {strides = array<i32>} : memref<128x256xf32, #tpu.memory_space<vmem>>, vector<16xf32>,
        %get3A_167 = arith.index_cast %add3A_93 : i32 to index
        %get3A_168 = arith.constant 144 : index
        %get3A_169 = tpu.vector_load %arg10[%get3A_167, %get3A_168] {strides = array<i32>} : memref<128x256xf32, #tpu.memory_space<vmem>>, vector<16xf32>,
        %mul3A_170 = arith.mulf %get3A_166, %get3A_169 : vector<16xf32>
        %add3A_171 = arith.addf %add3A_163, %mul3A_170 : vector<16xf32>
        %get3A_172 = arith.index_cast %add3A_93 : i32 to index
        %get3A_173 = arith.constant 160 : index
        %get3A_174 = tpu.vector_load %arg9[%get3A_172, %get3A_173] {strides = array<i32>} : memref<128x256xf32, #tpu.memory_space<vmem>>, vector<16xf32>,
        %get3A_175 = arith.index_cast %add3A_93 : i32 to index
        %get3A_176 = arith.constant 160 : index
        %get3A_177 = tpu.vector_load %arg10[%get3A_175, %get3A_176] {strides = array<i32>} : memref<128x256xf32, #tpu.memory_space<vmem>>, vector<16xf32>,
        %mul3A_178 = arith.mulf %get3A_174, %get3A_177 : vector<16xf32>
        %add3A_179 = arith.addf %add3A_171, %mul3A_178 : vector<16xf32>
        %get3A_180 = arith.index_cast %add3A_93 : i32 to index
        %get3A_181 = arith.constant 176 : index
        %get3A_182 = tpu.vector_load %arg9[%get3A_180, %get3A_181] {strides = array<i32>} : memref<128x256xf32, #tpu.memory_space<vmem>>, vector<16xf32>,
        %get3A_183 = arith.index_cast %add3A_93 : i32 to index
        %get3A_184 = arith.constant 176 : index
        %get3A_185 = tpu.vector_load %arg10[%get3A_183, %get3A_184] {strides = array<i32>} : memref<128x256xf32, #tpu.memory_space<vmem>>, vector<16xf32>,
        %mul3A_186 = arith.mulf %get3A_182, %get3A_185 : vector<16xf32>
        %add3A_187 = arith.addf %add3A_179, %mul3A_186 : vector<16xf32>
        %get3A_188 = arith.index_cast %add3A_93 : i32 to index
        %get3A_189 = arith.constant 192 : index
        %get3A_190 = tpu.vector_load %arg9[%get3A_188, %get3A_189] {strides = array<i32>} : memref<128x256xf32, #tpu.memory_space<vmem>>, vector<16xf32>,
        %get3A_191 = arith.index_cast %add3A_93 : i32 to index
        %get3A_192 = arith.constant 192 : index
        %get3A_193 = tpu.vector_load %arg10[%get3A_191, %get3A_192] {strides = array<i32>} : memref<128x256xf32, #tpu.memory_space<vmem>>, vector<16xf32>,
        %mul3A_194 = arith.mulf %get3A_190, %get3A_193 : vector<16xf32>
        %add3A_195 = arith.addf %add3A_187, %mul3A_194 : vector<16xf32>
        %get3A_196 = arith.index_cast %add3A_93 : i32 to index
        %get3A_197 = arith.constant 208 : index
        %get3A_198 = tpu.vector_load %arg9[%get3A_196, %get3A_197] {strides = array<i32>} : memref<128x256xf32, #tpu.memory_space<vmem>>, vector<16xf32>,
        %get3A_199 = arith.index_cast %add3A_93 : i32 to index
        %get3A_200 = arith.constant 208 : index
        %get3A_201 = tpu.vector_load %arg10[%get3A_199, %get3A_200] {strides = array<i32>} : memref<128x256xf32, #tpu.memory_space<vmem>>, vector<16xf32>,
        %mul3A_202 = arith.mulf %get3A_198, %get3A_201 : vector<16xf32>
        %add3A_203 = arith.addf %add3A_195, %mul3A_202 : vector<16xf32>
        %get3A_204 = arith.index_cast %add3A_93 : i32 to index
        %get3A_205 = arith.constant 224 : index
        %get3A_206 = tpu.vector_load %arg9[%get3A_204, %get3A_205] {strides = array<i32>} : memref<128x256xf32, #tpu.memory_space<vmem>>, vector<16xf32>,
        %get3A_207 = arith.index_cast %add3A_93 : i32 to index
        %get3A_208 = arith.constant 224 : index
        %get3A_209 = tpu.vector_load %arg10[%get3A_207, %get3A_208] {strides = array<i32>} : memref<128x256xf32, #tpu.memory_space<vmem>>, vector<16xf32>,
        %mul3A_210 = arith.mulf %get3A_206, %get3A_209 : vector<16xf32>
        %add3A_211 = arith.addf %add3A_203, %mul3A_210 : vector<16xf32>
        %get3A_212 = arith.index_cast %add3A_93 : i32 to index
        %get3A_213 = arith.constant 240 : index
        %get3A_214 = tpu.vector_load %arg9[%get3A_212, %get3A_213] {strides = array<i32>} : memref<128x256xf32, #tpu.memory_space<vmem>>, vector<16xf32>,
        %get3A_215 = arith.index_cast %add3A_93 : i32 to index
        %get3A_216 = arith.constant 240 : index
        %get3A_217 = tpu.vector_load %arg10[%get3A_215, %get3A_216] {strides = array<i32>} : memref<128x256xf32, #tpu.memory_space<vmem>>, vector<16xf32>,
        %mul3A_218 = arith.mulf %get3A_214, %get3A_217 : vector<16xf32>
        %add3A_219 = arith.addf %add3A_211, %mul3A_218 : vector<16xf32>
        %add3A_220 = arith.constant 0 : i32
        %add3A_221 = vector.broadcast %add3A_220 : i32 to vector<16xi32>
        %add3A_222 = arith.addi %add3A_8, %add3A_221 : vector<16xi32>
        tpu.vector_store_idx %arg11[%add3A_222], %add3A_219 : memref<5312xf32, #tpu.memory_space<vmem>>[vector<16xi32>], vector<16xf32>,
        %mul3A_223 = arith.constant 16 : i32
        %mul3A_224 = arith.muli %scan3A_83, %mul3A_223 : i32
        %add3A_225 = arith.addi %mul3A_76, %mul3A_224 : i32
        %add3A_226 = arith.constant 1 : i32
        %add3A_227 = arith.addi %add3A_225, %add3A_226 : i32
        %get3A_228 = arith.index_cast %add3A_227 : i32 to index
        %get3A_229 = arith.constant 0 : index
        %get3A_230 = tpu.vector_load %arg9[%get3A_228, %get3A_229] {strides = array<i32>} : memref<128x256xf32, #tpu.memory_space<vmem>>, vector<16xf32>,
        %get3A_231 = arith.index_cast %add3A_227 : i32 to index
        %get3A_232 = arith.constant 0 : index
        %get3A_233 = tpu.vector_load %arg10[%get3A_231, %get3A_232] {strides = array<i32>} : memref<128x256xf32, #tpu.memory_space<vmem>>, vector<16xf32>,
        %mul3A_234 = arith.mulf %get3A_230, %get3A_233 : vector<16xf32>
        %get3A_235 = arith.index_cast %add3A_227 : i32 to index
        %get3A_236 = arith.constant 16 : index
        %get3A_237 = tpu.vector_load %arg9[%get3A_235, %get3A_236] {strides = array<i32>} : memref<128x256xf32, #tpu.memory_space<vmem>>, vector<16xf32>,
        %get3A_238 = arith.index_cast %add3A_227 : i32 to index
        %get3A_239 = arith.constant 16 : index
        %get3A_240 = tpu.vector_load %arg10[%get3A_238, %get3A_239] {strides = array<i32>} : memref<128x256xf32, #tpu.memory_space<vmem>>, vector<16xf32>,
        %mul3A_241 = arith.mulf %get3A_237, %get3A_240 : vector<16xf32>
        %add3A_242 = arith.addf %mul3A_234, %mul3A_241 : vector<16xf32>
        %get3A_243 = arith.index_cast %add3A_227 : i32 to index
        %get3A_244 = arith.constant 32 : index
        %get3A_245 = tpu.vector_load %arg9[%get3A_243, %get3A_244] {strides = array<i32>} : memref<128x256xf32, #tpu.memory_space<vmem>>, vector<16xf32>,
        %get3A_246 = arith.index_cast %add3A_227 : i32 to index
        %get3A_247 = arith.constant 32 : index
        %get3A_248 = tpu.vector_load %arg10[%get3A_246, %get3A_247] {strides = array<i32>} : memref<128x256xf32, #tpu.memory_space<vmem>>, vector<16xf32>,
        %mul3A_249 = arith.mulf %get3A_245, %get3A_248 : vector<16xf32>
        %add3A_250 = arith.addf %add3A_242, %mul3A_249 : vector<16xf32>
        %get3A_251 = arith.index_cast %add3A_227 : i32 to index
        %get3A_252 = arith.constant 48 : index
        %get3A_253 = tpu.vector_load %arg9[%get3A_251, %get3A_252] {strides = array<i32>} : memref<128x256xf32, #tpu.memory_space<vmem>>, vector<16xf32>,
        %get3A_254 = arith.index_cast %add3A_227 : i32 to index
        %get3A_255 = arith.constant 48 : index
        %get3A_256 = tpu.vector_load %arg10[%get3A_254, %get3A_255] {strides = array<i32>} : memref<128x256xf32, #tpu.memory_space<vmem>>, vector<16xf32>,
        %mul3A_257 = arith.mulf %get3A_253, %get3A_256 : vector<16xf32>
        %add3A_258 = arith.addf %add3A_250, %mul3A_257 : vector<16xf32>
        %get3A_259 = arith.index_cast %add3A_227 : i32 to index
        %get3A_260 = arith.constant 64 : index
        %get3A_261 = tpu.vector_load %arg9[%get3A_259, %get3A_260] {strides = array<i32>} : memref<128x256xf32, #tpu.memory_space<vmem>>, vector<16xf32>,
        %get3A_262 = arith.index_cast %add3A_227 : i32 to index
        %get3A_263 = arith.constant 64 : index
        %get3A_264 = tpu.vector_load %arg10[%get3A_262, %get3A_263] {strides = array<i32>} : memref<128x256xf32, #tpu.memory_space<vmem>>, vector<16xf32>,
        %mul3A_265 = arith.mulf %get3A_261, %get3A_264 : vector<16xf32>
        %add3A_266 = arith.addf %add3A_258, %mul3A_265 : vector<16xf32>
        %get3A_267 = arith.index_cast %add3A_227 : i32 to index
        %get3A_268 = arith.constant 80 : index
        %get3A_269 = tpu.vector_load %arg9[%get3A_267, %get3A_268] {strides = array<i32>} : memref<128x256xf32, #tpu.memory_space<vmem>>, vector<16xf32>,
        %get3A_270 = arith.index_cast %add3A_227 : i32 to index
        %get3A_271 = arith.constant 80 : index
        %get3A_272 = tpu.vector_load %arg10[%get3A_270, %get3A_271] {strides = array<i32>} : memref<128x256xf32, #tpu.memory_space<vmem>>, vector<16xf32>,
        %mul3A_273 = arith.mulf %get3A_269, %get3A_272 : vector<16xf32>
        %add3A_274 = arith.addf %add3A_266, %mul3A_273 : vector<16xf32>
        %get3A_275 = arith.index_cast %add3A_227 : i32 to index
        %get3A_276 = arith.constant 96 : index
        %get3A_277 = tpu.vector_load %arg9[%get3A_275, %get3A_276] {strides = array<i32>} : memref<128x256xf32, #tpu.memory_space<vmem>>, vector<16xf32>,
        %get3A_278 = arith.index_cast %add3A_227 : i32 to index
        %get3A_279 = arith.constant 96 : index
        %get3A_280 = tpu.vector_load %arg10[%get3A_278, %get3A_279] {strides = array<i32>} : memref<128x256xf32, #tpu.memory_space<vmem>>, vector<16xf32>,
        %mul3A_281 = arith.mulf %get3A_277, %get3A_280 : vector<16xf32>
        %add3A_282 = arith.addf %add3A_274, %mul3A_281 : vector<16xf32>
        %get3A_283 = arith.index_cast %add3A_227 : i32 to index
        %get3A_284 = arith.constant 112 : index
        %get3A_285 = tpu.vector_load %arg9[%get3A_283, %get3A_284] {strides = array<i32>} : memref<128x256xf32, #tpu.memory_space<vmem>>, vector<16xf32>,
        %get3A_286 = arith.index_cast %add3A_227 : i32 to index
        %get3A_287 = arith.constant 112 : index
        %get3A_288 = tpu.vector_load %arg10[%get3A_286, %get3A_287] {strides = array<i32>} : memref<128x256xf32, #tpu.memory_space<vmem>>, vector<16xf32>,
        %mul3A_289 = arith.mulf %get3A_285, %get3A_288 : vector<16xf32>
        %add3A_290 = arith.addf %add3A_282, %mul3A_289 : vector<16xf32>
        %get3A_291 = arith.index_cast %add3A_227 : i32 to index
        %get3A_292 = arith.constant 128 : index
        %get3A_293 = tpu.vector_load %arg9[%get3A_291, %get3A_292] {strides = array<i32>} : memref<128x256xf32, #tpu.memory_space<vmem>>, vector<16xf32>,
        %get3A_294 = arith.index_cast %add3A_227 : i32 to index
        %get3A_295 = arith.constant 128 : index
        %get3A_296 = tpu.vector_load %arg10[%get3A_294, %get3A_295] {strides = array<i32>} : memref<128x256xf32, #tpu.memory_space<vmem>>, vector<16xf32>,
        %mul3A_297 = arith.mulf %get3A_293, %get3A_296 : vector<16xf32>
        %add3A_298 = arith.addf %add3A_290, %mul3A_297 : vector<16xf32>
        %get3A_299 = arith.index_cast %add3A_227 : i32 to index
        %get3A_300 = arith.constant 144 : index
        %get3A_301 = tpu.vector_load %arg9[%get3A_299, %get3A_300] {strides = array<i32>} : memref<128x256xf32, #tpu.memory_space<vmem>>, vector<16xf32>,
        %get3A_302 = arith.index_cast %add3A_227 : i32 to index
        %get3A_303 = arith.constant 144 : index
        %get3A_304 = tpu.vector_load %arg10[%get3A_302, %get3A_303] {strides = array<i32>} : memref<128x256xf32, #tpu.memory_space<vmem>>, vector<16xf32>,
        %mul3A_305 = arith.mulf %get3A_301, %get3A_304 : vector<16xf32>
        %add3A_306 = arith.addf %add3A_298, %mul3A_305 : vector<16xf32>
        %get3A_307 = arith.index_cast %add3A_227 : i32 to index
        %get3A_308 = arith.constant 160 : index
        %get3A_309 = tpu.vector_load %arg9[%get3A_307, %get3A_308] {strides = array<i32>} : memref<128x256xf32, #tpu.memory_space<vmem>>, vector<16xf32>,
        %get3A_310 = arith.index_cast %add3A_227 : i32 to index
        %get3A_311 = arith.constant 160 : index
        %get3A_312 = tpu.vector_load %arg10[%get3A_310, %get3A_311] {strides = array<i32>} : memref<128x256xf32, #tpu.memory_space<vmem>>, vector<16xf32>,
        %mul3A_313 = arith.mulf %get3A_309, %get3A_312 : vector<16xf32>
        %add3A_314 = arith.addf %add3A_306, %mul3A_313 : vector<16xf32>
        %get3A_315 = arith.index_cast %add3A_227 : i32 to index
        %get3A_316 = arith.constant 176 : index
        %get3A_317 = tpu.vector_load %arg9[%get3A_315, %get3A_316] {strides = array<i32>} : memref<128x256xf32, #tpu.memory_space<vmem>>, vector<16xf32>,
        %get3A_318 = arith.index_cast %add3A_227 : i32 to index
        %get3A_319 = arith.constant 176 : index
        %get3A_320 = tpu.vector_load %arg10[%get3A_318, %get3A_319] {strides = array<i32>} : memref<128x256xf32, #tpu.memory_space<vmem>>, vector<16xf32>,
        %mul3A_321 = arith.mulf %get3A_317, %get3A_320 : vector<16xf32>
        %add3A_322 = arith.addf %add3A_314, %mul3A_321 : vector<16xf32>
        %get3A_323 = arith.index_cast %add3A_227 : i32 to index
        %get3A_324 = arith.constant 192 : index
        %get3A_325 = tpu.vector_load %arg9[%get3A_323, %get3A_324] {strides = array<i32>} : memref<128x256xf32, #tpu.memory_space<vmem>>, vector<16xf32>,
        %get3A_326 = arith.index_cast %add3A_227 : i32 to index
        %get3A_327 = arith.constant 192 : index
        %get3A_328 = tpu.vector_load %arg10[%get3A_326, %get3A_327] {strides = array<i32>} : memref<128x256xf32, #tpu.memory_space<vmem>>, vector<16xf32>,
        %mul3A_329 = arith.mulf %get3A_325, %get3A_328 : vector<16xf32>
        %add3A_330 = arith.addf %add3A_322, %mul3A_329 : vector<16xf32>
        %get3A_331 = arith.index_cast %add3A_227 : i32 to index
        %get3A_332 = arith.constant 208 : index
        %get3A_333 = tpu.vector_load %arg9[%get3A_331, %get3A_332] {strides = array<i32>} : memref<128x256xf32, #tpu.memory_space<vmem>>, vector<16xf32>,
        %get3A_334 = arith.index_cast %add3A_227 : i32 to index
        %get3A_335 = arith.constant 208 : index
        %get3A_336 = tpu.vector_load %arg10[%get3A_334, %get3A_335] {strides = array<i32>} : memref<128x256xf32, #tpu.memory_space<vmem>>, vector<16xf32>,
        %mul3A_337 = arith.mulf %get3A_333, %get3A_336 : vector<16xf32>
        %add3A_338 = arith.addf %add3A_330, %mul3A_337 : vector<16xf32>
        %get3A_339 = arith.index_cast %add3A_227 : i32 to index
        %get3A_340 = arith.constant 224 : index
        %get3A_341 = tpu.vector_load %arg9[%get3A_339, %get3A_340] {strides = array<i32>} : memref<128x256xf32, #tpu.memory_space<vmem>>, vector<16xf32>,
        %get3A_342 = arith.index_cast %add3A_227 : i32 to index
        %get3A_343 = arith.constant 224 : index
        %get3A_344 = tpu.vector_load %arg10[%get3A_342, %get3A_343] {strides = array<i32>} : memref<128x256xf32, #tpu.memory_space<vmem>>, vector<16xf32>,
        %mul3A_345 = arith.mulf %get3A_341, %get3A_344 : vector<16xf32>
        %add3A_346 = arith.addf %add3A_338, %mul3A_345 : vector<16xf32>
        %get3A_347 = arith.index_cast %add3A_227 : i32 to index
        %get3A_348 = arith.constant 240 : index
        %get3A_349 = tpu.vector_load %arg9[%get3A_347, %get3A_348] {strides = array<i32>} : memref<128x256xf32, #tpu.memory_space<vmem>>, vector<16xf32>,
        %get3A_350 = arith.index_cast %add3A_227 : i32 to index
        %get3A_351 = arith.constant 240 : index
        %get3A_352 = tpu.vector_load %arg10[%get3A_350, %get3A_351] {strides = array<i32>} : memref<128x256xf32, #tpu.memory_space<vmem>>, vector<16xf32>,
        %mul3A_353 = arith.mulf %get3A_349, %get3A_352 : vector<16xf32>
        %add3A_354 = arith.addf %add3A_346, %mul3A_353 : vector<16xf32>
        %add3A_355 = arith.constant 1 : i32
        %add3A_356 = vector.broadcast %add3A_355 : i32 to vector<16xi32>
        %add3A_357 = arith.addi %add3A_8, %add3A_356 : vector<16xi32>
        tpu.vector_store_idx %arg11[%add3A_357], %add3A_354 : memref<5312xf32, #tpu.memory_space<vmem>>[vector<16xi32>], vector<16xf32>,
        %mul3A_358 = arith.constant 16 : i32
        %mul3A_359 = arith.muli %scan3A_83, %mul3A_358 : i32
        %add3A_360 = arith.addi %mul3A_76, %mul3A_359 : i32
        %add3A_361 = arith.constant 2 : i32
        %add3A_362 = arith.addi %add3A_360, %add3A_361 : i32
        %get3A_363 = arith.index_cast %add3A_362 : i32 to index
        %get3A_364 = arith.constant 0 : index
        %get3A_365 = tpu.vector_load %arg9[%get3A_363, %get3A_364] {strides = array<i32>} : memref<128x256xf32, #tpu.memory_space<vmem>>, vector<16xf32>,
        %get3A_366 = arith.index_cast %add3A_362 : i32 to index
        %get3A_367 = arith.constant 0 : index
        %get3A_368 = tpu.vector_load %arg10[%get3A_366, %get3A_367] {strides = array<i32>} : memref<128x256xf32, #tpu.memory_space<vmem>>, vector<16xf32>,
        %mul3A_369 = arith.mulf %get3A_365, %get3A_368 : vector<16xf32>
        %get3A_370 = arith.index_cast %add3A_362 : i32 to index
        %get3A_371 = arith.constant 16 : index
        %get3A_372 = tpu.vector_load %arg9[%get3A_370, %get3A_371] {strides = array<i32>} : memref<128x256xf32, #tpu.memory_space<vmem>>, vector<16xf32>,
        %get3A_373 = arith.index_cast %add3A_362 : i32 to index
        %get3A_374 = arith.constant 16 : index
        %get3A_375 = tpu.vector_load %arg10[%get3A_373, %get3A_374] {strides = array<i32>} : memref<128x256xf32, #tpu.memory_space<vmem>>, vector<16xf32>,
        %mul3A_376 = arith.mulf %get3A_372, %get3A_375 : vector<16xf32>
        %add3A_377 = arith.addf %mul3A_369, %mul3A_376 : vector<16xf32>
        %get3A_378 = arith.index_cast %add3A_362 : i32 to index
        %get3A_379 = arith.constant 32 : index
        %get3A_380 = tpu.vector_load %arg9[%get3A_378, %get3A_379] {strides = array<i32>} : memref<128x256xf32, #tpu.memory_space<vmem>>, vector<16xf32>,
        %get3A_381 = arith.index_cast %add3A_362 : i32 to index
        %get3A_382 = arith.constant 32 : index
        %get3A_383 = tpu.vector_load %arg10[%get3A_381, %get3A_382] {strides = array<i32>} : memref<128x256xf32, #tpu.memory_space<vmem>>, vector<16xf32>,
        %mul3A_384 = arith.mulf %get3A_380, %get3A_383 : vector<16xf32>
        %add3A_385 = arith.addf %add3A_377, %mul3A_384 : vector<16xf32>
        %get3A_386 = arith.index_cast %add3A_362 : i32 to index
        %get3A_387 = arith.constant 48 : index
        %get3A_388 = tpu.vector_load %arg9[%get3A_386, %get3A_387] {strides = array<i32>} : memref<128x256xf32, #tpu.memory_space<vmem>>, vector<16xf32>,
        %get3A_389 = arith.index_cast %add3A_362 : i32 to index
        %get3A_390 = arith.constant 48 : index
        %get3A_391 = tpu.vector_load %arg10[%get3A_389, %get3A_390] {strides = array<i32>} : memref<128x256xf32, #tpu.memory_space<vmem>>, vector<16xf32>,
        %mul3A_392 = arith.mulf %get3A_388, %get3A_391 : vector<16xf32>
        %add3A_393 = arith.addf %add3A_385, %mul3A_392 : vector<16xf32>
        %get3A_394 = arith.index_cast %add3A_362 : i32 to index
        %get3A_395 = arith.constant 64 : index
        %get3A_396 = tpu.vector_load %arg9[%get3A_394, %get3A_395] {strides = array<i32>} : memref<128x256xf32, #tpu.memory_space<vmem>>, vector<16xf32>,
        %get3A_397 = arith.index_cast %add3A_362 : i32 to index
        %get3A_398 = arith.constant 64 : index
        %get3A_399 = tpu.vector_load %arg10[%get3A_397, %get3A_398] {strides = array<i32>} : memref<128x256xf32, #tpu.memory_space<vmem>>, vector<16xf32>,
        %mul3A_400 = arith.mulf %get3A_396, %get3A_399 : vector<16xf32>
        %add3A_401 = arith.addf %add3A_393, %mul3A_400 : vector<16xf32>
        %get3A_402 = arith.index_cast %add3A_362 : i32 to index
        %get3A_403 = arith.constant 80 : index
        %get3A_404 = tpu.vector_load %arg9[%get3A_402, %get3A_403] {strides = array<i32>} : memref<128x256xf32, #tpu.memory_space<vmem>>, vector<16xf32>,
        %get3A_405 = arith.index_cast %add3A_362 : i32 to index
        %get3A_406 = arith.constant 80 : index
        %get3A_407 = tpu.vector_load %arg10[%get3A_405, %get3A_406] {strides = array<i32>} : memref<128x256xf32, #tpu.memory_space<vmem>>, vector<16xf32>,
        %mul3A_408 = arith.mulf %get3A_404, %get3A_407 : vector<16xf32>
        %add3A_409 = arith.addf %add3A_401, %mul3A_408 : vector<16xf32>
        %get3A_410 = arith.index_cast %add3A_362 : i32 to index
        %get3A_411 = arith.constant 96 : index
        %get3A_412 = tpu.vector_load %arg9[%get3A_410, %get3A_411] {strides = array<i32>} : memref<128x256xf32, #tpu.memory_space<vmem>>, vector<16xf32>,
        %get3A_413 = arith.index_cast %add3A_362 : i32 to index
        %get3A_414 = arith.constant 96 : index
        %get3A_415 = tpu.vector_load %arg10[%get3A_413, %get3A_414] {strides = array<i32>} : memref<128x256xf32, #tpu.memory_space<vmem>>, vector<16xf32>,
        %mul3A_416 = arith.mulf %get3A_412, %get3A_415 : vector<16xf32>
        %add3A_417 = arith.addf %add3A_409, %mul3A_416 : vector<16xf32>
        %get3A_418 = arith.index_cast %add3A_362 : i32 to index
        %get3A_419 = arith.constant 112 : index
        %get3A_420 = tpu.vector_load %arg9[%get3A_418, %get3A_419] {strides = array<i32>} : memref<128x256xf32, #tpu.memory_space<vmem>>, vector<16xf32>,
        %get3A_421 = arith.index_cast %add3A_362 : i32 to index
        %get3A_422 = arith.constant 112 : index
        %get3A_423 = tpu.vector_load %arg10[%get3A_421, %get3A_422] {strides = array<i32>} : memref<128x256xf32, #tpu.memory_space<vmem>>, vector<16xf32>,
        %mul3A_424 = arith.mulf %get3A_420, %get3A_423 : vector<16xf32>
        %add3A_425 = arith.addf %add3A_417, %mul3A_424 : vector<16xf32>
        %get3A_426 = arith.index_cast %add3A_362 : i32 to index
        %get3A_427 = arith.constant 128 : index
        %get3A_428 = tpu.vector_load %arg9[%get3A_426, %get3A_427] {strides = array<i32>} : memref<128x256xf32, #tpu.memory_space<vmem>>, vector<16xf32>,
        %get3A_429 = arith.index_cast %add3A_362 : i32 to index
        %get3A_430 = arith.constant 128 : index
        %get3A_431 = tpu.vector_load %arg10[%get3A_429, %get3A_430] {strides = array<i32>} : memref<128x256xf32, #tpu.memory_space<vmem>>, vector<16xf32>,
        %mul3A_432 = arith.mulf %get3A_428, %get3A_431 : vector<16xf32>
        %add3A_433 = arith.addf %add3A_425, %mul3A_432 : vector<16xf32>
        %get3A_434 = arith.index_cast %add3A_362 : i32 to index
        %get3A_435 = arith.constant 144 : index
        %get3A_436 = tpu.vector_load %arg9[%get3A_434, %get3A_435] {strides = array<i32>} : memref<128x256xf32, #tpu.memory_space<vmem>>, vector<16xf32>,
        %get3A_437 = arith.index_cast %add3A_362 : i32 to index
        %get3A_438 = arith.constant 144 : index
        %get3A_439 = tpu.vector_load %arg10[%get3A_437, %get3A_438] {strides = array<i32>} : memref<128x256xf32, #tpu.memory_space<vmem>>, vector<16xf32>,
        %mul3A_440 = arith.mulf %get3A_436, %get3A_439 : vector<16xf32>
        %add3A_441 = arith.addf %add3A_433, %mul3A_440 : vector<16xf32>
        %get3A_442 = arith.index_cast %add3A_362 : i32 to index
        %get3A_443 = arith.constant 160 : index
        %get3A_444 = tpu.vector_load %arg9[%get3A_442, %get3A_443] {strides = array<i32>} : memref<128x256xf32, #tpu.memory_space<vmem>>, vector<16xf32>,
        %get3A_445 = arith.index_cast %add3A_362 : i32 to index
        %get3A_446 = arith.constant 160 : index
        %get3A_447 = tpu.vector_load %arg10[%get3A_445, %get3A_446] {strides = array<i32>} : memref<128x256xf32, #tpu.memory_space<vmem>>, vector<16xf32>,
        %mul3A_448 = arith.mulf %get3A_444, %get3A_447 : vector<16xf32>
        %add3A_449 = arith.addf %add3A_441, %mul3A_448 : vector<16xf32>
        %get3A_450 = arith.index_cast %add3A_362 : i32 to index
        %get3A_451 = arith.constant 176 : index
        %get3A_452 = tpu.vector_load %arg9[%get3A_450, %get3A_451] {strides = array<i32>} : memref<128x256xf32, #tpu.memory_space<vmem>>, vector<16xf32>,
        %get3A_453 = arith.index_cast %add3A_362 : i32 to index
        %get3A_454 = arith.constant 176 : index
        %get3A_455 = tpu.vector_load %arg10[%get3A_453, %get3A_454] {strides = array<i32>} : memref<128x256xf32, #tpu.memory_space<vmem>>, vector<16xf32>,
        %mul3A_456 = arith.mulf %get3A_452, %get3A_455 : vector<16xf32>
        %add3A_457 = arith.addf %add3A_449, %mul3A_456 : vector<16xf32>
        %get3A_458 = arith.index_cast %add3A_362 : i32 to index
        %get3A_459 = arith.constant 192 : index
        %get3A_460 = tpu.vector_load %arg9[%get3A_458, %get3A_459] {strides = array<i32>} : memref<128x256xf32, #tpu.memory_space<vmem>>, vector<16xf32>,
        %get3A_461 = arith.index_cast %add3A_362 : i32 to index
        %get3A_462 = arith.constant 192 : index
        %get3A_463 = tpu.vector_load %arg10[%get3A_461, %get3A_462] {strides = array<i32>} : memref<128x256xf32, #tpu.memory_space<vmem>>, vector<16xf32>,
        %mul3A_464 = arith.mulf %get3A_460, %get3A_463 : vector<16xf32>
        %add3A_465 = arith.addf %add3A_457, %mul3A_464 : vector<16xf32>
        %get3A_466 = arith.index_cast %add3A_362 : i32 to index
        %get3A_467 = arith.constant 208 : index
        %get3A_468 = tpu.vector_load %arg9[%get3A_466, %get3A_467] {strides = array<i32>} : memref<128x256xf32, #tpu.memory_space<vmem>>, vector<16xf32>,
        %get3A_469 = arith.index_cast %add3A_362 : i32 to index
        %get3A_470 = arith.constant 208 : index
        %get3A_471 = tpu.vector_load %arg10[%get3A_469, %get3A_470] {strides = array<i32>} : memref<128x256xf32, #tpu.memory_space<vmem>>, vector<16xf32>,
        %mul3A_472 = arith.mulf %get3A_468, %get3A_471 : vector<16xf32>
        %add3A_473 = arith.addf %add3A_465, %mul3A_472 : vector<16xf32>
        %get3A_474 = arith.index_cast %add3A_362 : i32 to index
        %get3A_475 = arith.constant 224 : index
        %get3A_476 = tpu.vector_load %arg9[%get3A_474, %get3A_475] {strides = array<i32>} : memref<128x256xf32, #tpu.memory_space<vmem>>, vector<16xf32>,
        %get3A_477 = arith.index_cast %add3A_362 : i32 to index
        %get3A_478 = arith.constant 224 : index
        %get3A_479 = tpu.vector_load %arg10[%get3A_477, %get3A_478] {strides = array<i32>} : memref<128x256xf32, #tpu.memory_space<vmem>>, vector<16xf32>,
        %mul3A_480 = arith.mulf %get3A_476, %get3A_479 : vector<16xf32>
        %add3A_481 = arith.addf %add3A_473, %mul3A_480 : vector<16xf32>
        %get3A_482 = arith.index_cast %add3A_362 : i32 to index
        %get3A_483 = arith.constant 240 : index
        %get3A_484 = tpu.vector_load %arg9[%get3A_482, %get3A_483] {strides = array<i32>} : memref<128x256xf32, #tpu.memory_space<vmem>>, vector<16xf32>,
        %get3A_485 = arith.index_cast %add3A_362 : i32 to index
        %get3A_486 = arith.constant 240 : index
        %get3A_487 = tpu.vector_load %arg10[%get3A_485, %get3A_486] {strides = array<i32>} : memref<128x256xf32, #tpu.memory_space<vmem>>, vector<16xf32>,
        %mul3A_488 = arith.mulf %get3A_484, %get3A_487 : vector<16xf32>
        %add3A_489 = arith.addf %add3A_481, %mul3A_488 : vector<16xf32>
        %add3A_490 = arith.constant 2 : i32
        %add3A_491 = vector.broadcast %add3A_490 : i32 to vector<16xi32>
        %add3A_492 = arith.addi %add3A_8, %add3A_491 : vector<16xi32>
        tpu.vector_store_idx %arg11[%add3A_492], %add3A_489 : memref<5312xf32, #tpu.memory_space<vmem>>[vector<16xi32>], vector<16xf32>,
        %mul3A_493 = arith.constant 16 : i32
        %mul3A_494 = arith.muli %scan3A_83, %mul3A_493 : i32
        %add3A_495 = arith.addi %mul3A_76, %mul3A_494 : i32
        %add3A_496 = arith.constant 3 : i32
        %add3A_497 = arith.addi %add3A_495, %add3A_496 : i32
        %get3A_498 = arith.index_cast %add3A_497 : i32 to index
        %get3A_499 = arith.constant 0 : index
        %get3A_500 = tpu.vector_load %arg9[%get3A_498, %get3A_499] {strides = array<i32>} : memref<128x256xf32, #tpu.memory_space<vmem>>, vector<16xf32>,
        %get3A_501 = arith.index_cast %add3A_497 : i32 to index
        %get3A_502 = arith.constant 0 : index
        %get3A_503 = tpu.vector_load %arg10[%get3A_501, %get3A_502] {strides = array<i32>} : memref<128x256xf32, #tpu.memory_space<vmem>>, vector<16xf32>,
        %mul3A_504 = arith.mulf %get3A_500, %get3A_503 : vector<16xf32>
        %get3A_505 = arith.index_cast %add3A_497 : i32 to index
        %get3A_506 = arith.constant 16 : index
        %get3A_507 = tpu.vector_load %arg9[%get3A_505, %get3A_506] {strides = array<i32>} : memref<128x256xf32, #tpu.memory_space<vmem>>, vector<16xf32>,
        %get3A_508 = arith.index_cast %add3A_497 : i32 to index
        %get3A_509 = arith.constant 16 : index
        %get3A_510 = tpu.vector_load %arg10[%get3A_508, %get3A_509] {strides = array<i32>} : memref<128x256xf32, #tpu.memory_space<vmem>>, vector<16xf32>,
        %mul3A_511 = arith.mulf %get3A_507, %get3A_510 : vector<16xf32>
        %add3A_512 = arith.addf %mul3A_504, %mul3A_511 : vector<16xf32>
        %get3A_513 = arith.index_cast %add3A_497 : i32 to index
        %get3A_514 = arith.constant 32 : index
        %get3A_515 = tpu.vector_load %arg9[%get3A_513, %get3A_514] {strides = array<i32>} : memref<128x256xf32, #tpu.memory_space<vmem>>, vector<16xf32>,
        %get3A_516 = arith.index_cast %add3A_497 : i32 to index
        %get3A_517 = arith.constant 32 : index
        %get3A_518 = tpu.vector_load %arg10[%get3A_516, %get3A_517] {strides = array<i32>} : memref<128x256xf32, #tpu.memory_space<vmem>>, vector<16xf32>,
        %mul3A_519 = arith.mulf %get3A_515, %get3A_518 : vector<16xf32>
        %add3A_520 = arith.addf %add3A_512, %mul3A_519 : vector<16xf32>
        %get3A_521 = arith.index_cast %add3A_497 : i32 to index
        %get3A_522 = arith.constant 48 : index
        %get3A_523 = tpu.vector_load %arg9[%get3A_521, %get3A_522] {strides = array<i32>} : memref<128x256xf32, #tpu.memory_space<vmem>>, vector<16xf32>,
        %get3A_524 = arith.index_cast %add3A_497 : i32 to index
        %get3A_525 = arith.constant 48 : index
        %get3A_526 = tpu.vector_load %arg10[%get3A_524, %get3A_525] {strides = array<i32>} : memref<128x256xf32, #tpu.memory_space<vmem>>, vector<16xf32>,
        %mul3A_527 = arith.mulf %get3A_523, %get3A_526 : vector<16xf32>
        %add3A_528 = arith.addf %add3A_520, %mul3A_527 : vector<16xf32>
        %get3A_529 = arith.index_cast %add3A_497 : i32 to index
        %get3A_530 = arith.constant 64 : index
        %get3A_531 = tpu.vector_load %arg9[%get3A_529, %get3A_530] {strides = array<i32>} : memref<128x256xf32, #tpu.memory_space<vmem>>, vector<16xf32>,
        %get3A_532 = arith.index_cast %add3A_497 : i32 to index
        %get3A_533 = arith.constant 64 : index
        %get3A_534 = tpu.vector_load %arg10[%get3A_532, %get3A_533] {strides = array<i32>} : memref<128x256xf32, #tpu.memory_space<vmem>>, vector<16xf32>,
        %mul3A_535 = arith.mulf %get3A_531, %get3A_534 : vector<16xf32>
        %add3A_536 = arith.addf %add3A_528, %mul3A_535 : vector<16xf32>
        %get3A_537 = arith.index_cast %add3A_497 : i32 to index
        %get3A_538 = arith.constant 80 : index
        %get3A_539 = tpu.vector_load %arg9[%get3A_537, %get3A_538] {strides = array<i32>} : memref<128x256xf32, #tpu.memory_space<vmem>>, vector<16xf32>,
        %get3A_540 = arith.index_cast %add3A_497 : i32 to index
        %get3A_541 = arith.constant 80 : index
        %get3A_542 = tpu.vector_load %arg10[%get3A_540, %get3A_541] {strides = array<i32>} : memref<128x256xf32, #tpu.memory_space<vmem>>, vector<16xf32>,
        %mul3A_543 = arith.mulf %get3A_539, %get3A_542 : vector<16xf32>
        %add3A_544 = arith.addf %add3A_536, %mul3A_543 : vector<16xf32>
        %get3A_545 = arith.index_cast %add3A_497 : i32 to index
        %get3A_546 = arith.constant 96 : index
        %get3A_547 = tpu.vector_load %arg9[%get3A_545, %get3A_546] {strides = array<i32>} : memref<128x256xf32, #tpu.memory_space<vmem>>, vector<16xf32>,
        %get3A_548 = arith.index_cast %add3A_497 : i32 to index
        %get3A_549 = arith.constant 96 : index
        %get3A_550 = tpu.vector_load %arg10[%get3A_548, %get3A_549] {strides = array<i32>} : memref<128x256xf32, #tpu.memory_space<vmem>>, vector<16xf32>,
        %mul3A_551 = arith.mulf %get3A_547, %get3A_550 : vector<16xf32>
        %add3A_552 = arith.addf %add3A_544, %mul3A_551 : vector<16xf32>
        %get3A_553 = arith.index_cast %add3A_497 : i32 to index
        %get3A_554 = arith.constant 112 : index
        %get3A_555 = tpu.vector_load %arg9[%get3A_553, %get3A_554] {strides = array<i32>} : memref<128x256xf32, #tpu.memory_space<vmem>>, vector<16xf32>,
        %get3A_556 = arith.index_cast %add3A_497 : i32 to index
        %get3A_557 = arith.constant 112 : index
        %get3A_558 = tpu.vector_load %arg10[%get3A_556, %get3A_557] {strides = array<i32>} : memref<128x256xf32, #tpu.memory_space<vmem>>, vector<16xf32>,
        %mul3A_559 = arith.mulf %get3A_555, %get3A_558 : vector<16xf32>
        %add3A_560 = arith.addf %add3A_552, %mul3A_559 : vector<16xf32>
        %get3A_561 = arith.index_cast %add3A_497 : i32 to index
        %get3A_562 = arith.constant 128 : index
        %get3A_563 = tpu.vector_load %arg9[%get3A_561, %get3A_562] {strides = array<i32>} : memref<128x256xf32, #tpu.memory_space<vmem>>, vector<16xf32>,
        %get3A_564 = arith.index_cast %add3A_497 : i32 to index
        %get3A_565 = arith.constant 128 : index
        %get3A_566 = tpu.vector_load %arg10[%get3A_564, %get3A_565] {strides = array<i32>} : memref<128x256xf32, #tpu.memory_space<vmem>>, vector<16xf32>,
        %mul3A_567 = arith.mulf %get3A_563, %get3A_566 : vector<16xf32>
        %add3A_568 = arith.addf %add3A_560, %mul3A_567 : vector<16xf32>
        %get3A_569 = arith.index_cast %add3A_497 : i32 to index
        %get3A_570 = arith.constant 144 : index
        %get3A_571 = tpu.vector_load %arg9[%get3A_569, %get3A_570] {strides = array<i32>} : memref<128x256xf32, #tpu.memory_space<vmem>>, vector<16xf32>,
        %get3A_572 = arith.index_cast %add3A_497 : i32 to index
        %get3A_573 = arith.constant 144 : index
        %get3A_574 = tpu.vector_load %arg10[%get3A_572, %get3A_573] {strides = array<i32>} : memref<128x256xf32, #tpu.memory_space<vmem>>, vector<16xf32>,
        %mul3A_575 = arith.mulf %get3A_571, %get3A_574 : vector<16xf32>
        %add3A_576 = arith.addf %add3A_568, %mul3A_575 : vector<16xf32>
        %get3A_577 = arith.index_cast %add3A_497 : i32 to index
        %get3A_578 = arith.constant 160 : index
        %get3A_579 = tpu.vector_load %arg9[%get3A_577, %get3A_578] {strides = array<i32>} : memref<128x256xf32, #tpu.memory_space<vmem>>, vector<16xf32>,
        %get3A_580 = arith.index_cast %add3A_497 : i32 to index
        %get3A_581 = arith.constant 160 : index
        %get3A_582 = tpu.vector_load %arg10[%get3A_580, %get3A_581] {strides = array<i32>} : memref<128x256xf32, #tpu.memory_space<vmem>>, vector<16xf32>,
        %mul3A_583 = arith.mulf %get3A_579, %get3A_582 : vector<16xf32>
        %add3A_584 = arith.addf %add3A_576, %mul3A_583 : vector<16xf32>
        %get3A_585 = arith.index_cast %add3A_497 : i32 to index
        %get3A_586 = arith.constant 176 : index
        %get3A_587 = tpu.vector_load %arg9[%get3A_585, %get3A_586] {strides = array<i32>} : memref<128x256xf32, #tpu.memory_space<vmem>>, vector<16xf32>,
        %get3A_588 = arith.index_cast %add3A_497 : i32 to index
        %get3A_589 = arith.constant 176 : index
        %get3A_590 = tpu.vector_load %arg10[%get3A_588, %get3A_589] {strides = array<i32>} : memref<128x256xf32, #tpu.memory_space<vmem>>, vector<16xf32>,
        %mul3A_591 = arith.mulf %get3A_587, %get3A_590 : vector<16xf32>
        %add3A_592 = arith.addf %add3A_584, %mul3A_591 : vector<16xf32>
        %get3A_593 = arith.index_cast %add3A_497 : i32 to index
        %get3A_594 = arith.constant 192 : index
        %get3A_595 = tpu.vector_load %arg9[%get3A_593, %get3A_594] {strides = array<i32>} : memref<128x256xf32, #tpu.memory_space<vmem>>, vector<16xf32>,
        %get3A_596 = arith.index_cast %add3A_497 : i32 to index
        %get3A_597 = arith.constant 192 : index
        %get3A_598 = tpu.vector_load %arg10[%get3A_596, %get3A_597] {strides = array<i32>} : memref<128x256xf32, #tpu.memory_space<vmem>>, vector<16xf32>,
        %mul3A_599 = arith.mulf %get3A_595, %get3A_598 : vector<16xf32>
        %add3A_600 = arith.addf %add3A_592, %mul3A_599 : vector<16xf32>
        %get3A_601 = arith.index_cast %add3A_497 : i32 to index
        %get3A_602 = arith.constant 208 : index
        %get3A_603 = tpu.vector_load %arg9[%get3A_601, %get3A_602] {strides = array<i32>} : memref<128x256xf32, #tpu.memory_space<vmem>>, vector<16xf32>,
        %get3A_604 = arith.index_cast %add3A_497 : i32 to index
        %get3A_605 = arith.constant 208 : index
        %get3A_606 = tpu.vector_load %arg10[%get3A_604, %get3A_605] {strides = array<i32>} : memref<128x256xf32, #tpu.memory_space<vmem>>, vector<16xf32>,
        %mul3A_607 = arith.mulf %get3A_603, %get3A_606 : vector<16xf32>
        %add3A_608 = arith.addf %add3A_600, %mul3A_607 : vector<16xf32>
        %get3A_609 = arith.index_cast %add3A_497 : i32 to index
        %get3A_610 = arith.constant 224 : index
        %get3A_611 = tpu.vector_load %arg9[%get3A_609, %get3A_610] {strides = array<i32>} : memref<128x256xf32, #tpu.memory_space<vmem>>, vector<16xf32>,
        %get3A_612 = arith.index_cast %add3A_497 : i32 to index
        %get3A_613 = arith.constant 224 : index
        %get3A_614 = tpu.vector_load %arg10[%get3A_612, %get3A_613] {strides = array<i32>} : memref<128x256xf32, #tpu.memory_space<vmem>>, vector<16xf32>,
        %mul3A_615 = arith.mulf %get3A_611, %get3A_614 : vector<16xf32>
        %add3A_616 = arith.addf %add3A_608, %mul3A_615 : vector<16xf32>
        %get3A_617 = arith.index_cast %add3A_497 : i32 to index
        %get3A_618 = arith.constant 240 : index
        %get3A_619 = tpu.vector_load %arg9[%get3A_617, %get3A_618] {strides = array<i32>} : memref<128x256xf32, #tpu.memory_space<vmem>>, vector<16xf32>,
        %get3A_620 = arith.index_cast %add3A_497 : i32 to index
        %get3A_621 = arith.constant 240 : index
        %get3A_622 = tpu.vector_load %arg10[%get3A_620, %get3A_621] {strides = array<i32>} : memref<128x256xf32, #tpu.memory_space<vmem>>, vector<16xf32>,
        %mul3A_623 = arith.mulf %get3A_619, %get3A_622 : vector<16xf32>
        %add3A_624 = arith.addf %add3A_616, %mul3A_623 : vector<16xf32>
        %add3A_625 = arith.constant 3 : i32
        %add3A_626 = vector.broadcast %add3A_625 : i32 to vector<16xi32>
        %add3A_627 = arith.addi %add3A_8, %add3A_626 : vector<16xi32>
        tpu.vector_store_idx %arg11[%add3A_627], %add3A_624 : memref<5312xf32, #tpu.memory_space<vmem>>[vector<16xi32>], vector<16xf32>,
        %mul3A_628 = arith.constant 16 : i32
        %mul3A_629 = arith.muli %scan3A_83, %mul3A_628 : i32
        %add3A_630 = arith.addi %mul3A_76, %mul3A_629 : i32
        %add3A_631 = arith.constant 4 : i32
        %add3A_632 = arith.addi %add3A_630, %add3A_631 : i32
        %get3A_633 = arith.index_cast %add3A_632 : i32 to index
        %get3A_634 = arith.constant 0 : index
        %get3A_635 = tpu.vector_load %arg9[%get3A_633, %get3A_634] {strides = array<i32>} : memref<128x256xf32, #tpu.memory_space<vmem>>, vector<16xf32>,
        %get3A_636 = arith.index_cast %add3A_632 : i32 to index
        %get3A_637 = arith.constant 0 : index
        %get3A_638 = tpu.vector_load %arg10[%get3A_636, %get3A_637] {strides = array<i32>} : memref<128x256xf32, #tpu.memory_space<vmem>>, vector<16xf32>,
        %mul3A_639 = arith.mulf %get3A_635, %get3A_638 : vector<16xf32>
        %get3A_640 = arith.index_cast %add3A_632 : i32 to index
        %get3A_641 = arith.constant 16 : index
        %get3A_642 = tpu.vector_load %arg9[%get3A_640, %get3A_641] {strides = array<i32>} : memref<128x256xf32, #tpu.memory_space<vmem>>, vector<16xf32>,
        %get3A_643 = arith.index_cast %add3A_632 : i32 to index
        %get3A_644 = arith.constant 16 : index
        %get3A_645 = tpu.vector_load %arg10[%get3A_643, %get3A_644] {strides = array<i32>} : memref<128x256xf32, #tpu.memory_space<vmem>>, vector<16xf32>,
        %mul3A_646 = arith.mulf %get3A_642, %get3A_645 : vector<16xf32>
        %add3A_647 = arith.addf %mul3A_639, %mul3A_646 : vector<16xf32>
        %get3A_648 = arith.index_cast %add3A_632 : i32 to index
        %get3A_649 = arith.constant 32 : index
        %get3A_650 = tpu.vector_load %arg9[%get3A_648, %get3A_649] {strides = array<i32>} : memref<128x256xf32, #tpu.memory_space<vmem>>, vector<16xf32>,
        %get3A_651 = arith.index_cast %add3A_632 : i32 to index
        %get3A_652 = arith.constant 32 : index
        %get3A_653 = tpu.vector_load %arg10[%get3A_651, %get3A_652] {strides = array<i32>} : memref<128x256xf32, #tpu.memory_space<vmem>>, vector<16xf32>,
        %mul3A_654 = arith.mulf %get3A_650, %get3A_653 : vector<16xf32>
        %add3A_655 = arith.addf %add3A_647, %mul3A_654 : vector<16xf32>
        %get3A_656 = arith.index_cast %add3A_632 : i32 to index
        %get3A_657 = arith.constant 48 : index
        %get3A_658 = tpu.vector_load %arg9[%get3A_656, %get3A_657] {strides = array<i32>} : memref<128x256xf32, #tpu.memory_space<vmem>>, vector<16xf32>,
        %get3A_659 = arith.index_cast %add3A_632 : i32 to index
        %get3A_660 = arith.constant 48 : index
        %get3A_661 = tpu.vector_load %arg10[%get3A_659, %get3A_660] {strides = array<i32>} : memref<128x256xf32, #tpu.memory_space<vmem>>, vector<16xf32>,
        %mul3A_662 = arith.mulf %get3A_658, %get3A_661 : vector<16xf32>
        %add3A_663 = arith.addf %add3A_655, %mul3A_662 : vector<16xf32>
        %get3A_664 = arith.index_cast %add3A_632 : i32 to index
        %get3A_665 = arith.constant 64 : index
        %get3A_666 = tpu.vector_load %arg9[%get3A_664, %get3A_665] {strides = array<i32>} : memref<128x256xf32, #tpu.memory_space<vmem>>, vector<16xf32>,
        %get3A_667 = arith.index_cast %add3A_632 : i32 to index
        %get3A_668 = arith.constant 64 : index
        %get3A_669 = tpu.vector_load %arg10[%get3A_667, %get3A_668] {strides = array<i32>} : memref<128x256xf32, #tpu.memory_space<vmem>>, vector<16xf32>,
        %mul3A_670 = arith.mulf %get3A_666, %get3A_669 : vector<16xf32>
        %add3A_671 = arith.addf %add3A_663, %mul3A_670 : vector<16xf32>
        %get3A_672 = arith.index_cast %add3A_632 : i32 to index
        %get3A_673 = arith.constant 80 : index
        %get3A_674 = tpu.vector_load %arg9[%get3A_672, %get3A_673] {strides = array<i32>} : memref<128x256xf32, #tpu.memory_space<vmem>>, vector<16xf32>,
        %get3A_675 = arith.index_cast %add3A_632 : i32 to index
        %get3A_676 = arith.constant 80 : index
        %get3A_677 = tpu.vector_load %arg10[%get3A_675, %get3A_676] {strides = array<i32>} : memref<128x256xf32, #tpu.memory_space<vmem>>, vector<16xf32>,
        %mul3A_678 = arith.mulf %get3A_674, %get3A_677 : vector<16xf32>
        %add3A_679 = arith.addf %add3A_671, %mul3A_678 : vector<16xf32>
        %get3A_680 = arith.index_cast %add3A_632 : i32 to index
        %get3A_681 = arith.constant 96 : index
        %get3A_682 = tpu.vector_load %arg9[%get3A_680, %get3A_681] {strides = array<i32>} : memref<128x256xf32, #tpu.memory_space<vmem>>, vector<16xf32>,
        %get3A_683 = arith.index_cast %add3A_632 : i32 to index
        %get3A_684 = arith.constant 96 : index
        %get3A_685 = tpu.vector_load %arg10[%get3A_683, %get3A_684] {strides = array<i32>} : memref<128x256xf32, #tpu.memory_space<vmem>>, vector<16xf32>,
        %mul3A_686 = arith.mulf %get3A_682, %get3A_685 : vector<16xf32>
        %add3A_687 = arith.addf %add3A_679, %mul3A_686 : vector<16xf32>
        %get3A_688 = arith.index_cast %add3A_632 : i32 to index
        %get3A_689 = arith.constant 112 : index
        %get3A_690 = tpu.vector_load %arg9[%get3A_688, %get3A_689] {strides = array<i32>} : memref<128x256xf32, #tpu.memory_space<vmem>>, vector<16xf32>,
        %get3A_691 = arith.index_cast %add3A_632 : i32 to index
        %get3A_692 = arith.constant 112 : index
        %get3A_693 = tpu.vector_load %arg10[%get3A_691, %get3A_692] {strides = array<i32>} : memref<128x256xf32, #tpu.memory_space<vmem>>, vector<16xf32>,
        %mul3A_694 = arith.mulf %get3A_690, %get3A_693 : vector<16xf32>
        %add3A_695 = arith.addf %add3A_687, %mul3A_694 : vector<16xf32>
        %get3A_696 = arith.index_cast %add3A_632 : i32 to index
        %get3A_697 = arith.constant 128 : index
        %get3A_698 = tpu.vector_load %arg9[%get3A_696, %get3A_697] {strides = array<i32>} : memref<128x256xf32, #tpu.memory_space<vmem>>, vector<16xf32>,
        %get3A_699 = arith.index_cast %add3A_632 : i32 to index
        %get3A_700 = arith.constant 128 : index
        %get3A_701 = tpu.vector_load %arg10[%get3A_699, %get3A_700] {strides = array<i32>} : memref<128x256xf32, #tpu.memory_space<vmem>>, vector<16xf32>,
        %mul3A_702 = arith.mulf %get3A_698, %get3A_701 : vector<16xf32>
        %add3A_703 = arith.addf %add3A_695, %mul3A_702 : vector<16xf32>
        %get3A_704 = arith.index_cast %add3A_632 : i32 to index
        %get3A_705 = arith.constant 144 : index
        %get3A_706 = tpu.vector_load %arg9[%get3A_704, %get3A_705] {strides = array<i32>} : memref<128x256xf32, #tpu.memory_space<vmem>>, vector<16xf32>,
        %get3A_707 = arith.index_cast %add3A_632 : i32 to index
        %get3A_708 = arith.constant 144 : index
        %get3A_709 = tpu.vector_load %arg10[%get3A_707, %get3A_708] {strides = array<i32>} : memref<128x256xf32, #tpu.memory_space<vmem>>, vector<16xf32>,
        %mul3A_710 = arith.mulf %get3A_706, %get3A_709 : vector<16xf32>
        %add3A_711 = arith.addf %add3A_703, %mul3A_710 : vector<16xf32>
        %get3A_712 = arith.index_cast %add3A_632 : i32 to index
        %get3A_713 = arith.constant 160 : index
        %get3A_714 = tpu.vector_load %arg9[%get3A_712, %get3A_713] {strides = array<i32>} : memref<128x256xf32, #tpu.memory_space<vmem>>, vector<16xf32>,
        %get3A_715 = arith.index_cast %add3A_632 : i32 to index
        %get3A_716 = arith.constant 160 : index
        %get3A_717 = tpu.vector_load %arg10[%get3A_715, %get3A_716] {strides = array<i32>} : memref<128x256xf32, #tpu.memory_space<vmem>>, vector<16xf32>,
        %mul3A_718 = arith.mulf %get3A_714, %get3A_717 : vector<16xf32>
        %add3A_719 = arith.addf %add3A_711, %mul3A_718 : vector<16xf32>
        %get3A_720 = arith.index_cast %add3A_632 : i32 to index
        %get3A_721 = arith.constant 176 : index
        %get3A_722 = tpu.vector_load %arg9[%get3A_720, %get3A_721] {strides = array<i32>} : memref<128x256xf32, #tpu.memory_space<vmem>>, vector<16xf32>,
        %get3A_723 = arith.index_cast %add3A_632 : i32 to index
        %get3A_724 = arith.constant 176 : index
        %get3A_725 = tpu.vector_load %arg10[%get3A_723, %get3A_724] {strides = array<i32>} : memref<128x256xf32, #tpu.memory_space<vmem>>, vector<16xf32>,
        %mul3A_726 = arith.mulf %get3A_722, %get3A_725 : vector<16xf32>
        %add3A_727 = arith.addf %add3A_719, %mul3A_726 : vector<16xf32>
        %get3A_728 = arith.index_cast %add3A_632 : i32 to index
        %get3A_729 = arith.constant 192 : index
        %get3A_730 = tpu.vector_load %arg9[%get3A_728, %get3A_729] {strides = array<i32>} : memref<128x256xf32, #tpu.memory_space<vmem>>, vector<16xf32>,
        %get3A_731 = arith.index_cast %add3A_632 : i32 to index
        %get3A_732 = arith.constant 192 : index
        %get3A_733 = tpu.vector_load %arg10[%get3A_731, %get3A_732] {strides = array<i32>} : memref<128x256xf32, #tpu.memory_space<vmem>>, vector<16xf32>,
        %mul3A_734 = arith.mulf %get3A_730, %get3A_733 : vector<16xf32>
        %add3A_735 = arith.addf %add3A_727, %mul3A_734 : vector<16xf32>
        %get3A_736 = arith.index_cast %add3A_632 : i32 to index
        %get3A_737 = arith.constant 208 : index
        %get3A_738 = tpu.vector_load %arg9[%get3A_736, %get3A_737] {strides = array<i32>} : memref<128x256xf32, #tpu.memory_space<vmem>>, vector<16xf32>,
        %get3A_739 = arith.index_cast %add3A_632 : i32 to index
        %get3A_740 = arith.constant 208 : index
        %get3A_741 = tpu.vector_load %arg10[%get3A_739, %get3A_740] {strides = array<i32>} : memref<128x256xf32, #tpu.memory_space<vmem>>, vector<16xf32>,
        %mul3A_742 = arith.mulf %get3A_738, %get3A_741 : vector<16xf32>
        %add3A_743 = arith.addf %add3A_735, %mul3A_742 : vector<16xf32>
        %get3A_744 = arith.index_cast %add3A_632 : i32 to index
        %get3A_745 = arith.constant 224 : index
        %get3A_746 = tpu.vector_load %arg9[%get3A_744, %get3A_745] {strides = array<i32>} : memref<128x256xf32, #tpu.memory_space<vmem>>, vector<16xf32>,
        %get3A_747 = arith.index_cast %add3A_632 : i32 to index
        %get3A_748 = arith.constant 224 : index
        %get3A_749 = tpu.vector_load %arg10[%get3A_747, %get3A_748] {strides = array<i32>} : memref<128x256xf32, #tpu.memory_space<vmem>>, vector<16xf32>,
        %mul3A_750 = arith.mulf %get3A_746, %get3A_749 : vector<16xf32>
        %add3A_751 = arith.addf %add3A_743, %mul3A_750 : vector<16xf32>
        %get3A_752 = arith.index_cast %add3A_632 : i32 to index
        %get3A_753 = arith.constant 240 : index
        %get3A_754 = tpu.vector_load %arg9[%get3A_752, %get3A_753] {strides = array<i32>} : memref<128x256xf32, #tpu.memory_space<vmem>>, vector<16xf32>,
        %get3A_755 = arith.index_cast %add3A_632 : i32 to index
        %get3A_756 = arith.constant 240 : index
        %get3A_757 = tpu.vector_load %arg10[%get3A_755, %get3A_756] {strides = array<i32>} : memref<128x256xf32, #tpu.memory_space<vmem>>, vector<16xf32>,
        %mul3A_758 = arith.mulf %get3A_754, %get3A_757 : vector<16xf32>
        %add3A_759 = arith.addf %add3A_751, %mul3A_758 : vector<16xf32>
        %add3A_760 = arith.constant 4 : i32
        %add3A_761 = vector.broadcast %add3A_760 : i32 to vector<16xi32>
        %add3A_762 = arith.addi %add3A_8, %add3A_761 : vector<16xi32>
        tpu.vector_store_idx %arg11[%add3A_762], %add3A_759 : memref<5312xf32, #tpu.memory_space<vmem>>[vector<16xi32>], vector<16xf32>,
        %mul3A_763 = arith.constant 16 : i32
        %mul3A_764 = arith.muli %scan3A_83, %mul3A_763 : i32
        %add3A_765 = arith.addi %mul3A_76, %mul3A_764 : i32
        %add3A_766 = arith.constant 5 : i32
        %add3A_767 = arith.addi %add3A_765, %add3A_766 : i32
        %get3A_768 = arith.index_cast %add3A_767 : i32 to index
        %get3A_769 = arith.constant 0 : index
        %get3A_770 = tpu.vector_load %arg9[%get3A_768, %get3A_769] {strides = array<i32>} : memref<128x256xf32, #tpu.memory_space<vmem>>, vector<16xf32>,
        %get3A_771 = arith.index_cast %add3A_767 : i32 to index
        %get3A_772 = arith.constant 0 : index
        %get3A_773 = tpu.vector_load %arg10[%get3A_771, %get3A_772] {strides = array<i32>} : memref<128x256xf32, #tpu.memory_space<vmem>>, vector<16xf32>,
        %mul3A_774 = arith.mulf %get3A_770, %get3A_773 : vector<16xf32>
        %get3A_775 = arith.index_cast %add3A_767 : i32 to index
        %get3A_776 = arith.constant 16 : index
        %get3A_777 = tpu.vector_load %arg9[%get3A_775, %get3A_776] {strides = array<i32>} : memref<128x256xf32, #tpu.memory_space<vmem>>, vector<16xf32>,
        %get3A_778 = arith.index_cast %add3A_767 : i32 to index
        %get3A_779 = arith.constant 16 : index
        %get3A_780 = tpu.vector_load %arg10[%get3A_778, %get3A_779] {strides = array<i32>} : memref<128x256xf32, #tpu.memory_space<vmem>>, vector<16xf32>,
        %mul3A_781 = arith.mulf %get3A_777, %get3A_780 : vector<16xf32>
        %add3A_782 = arith.addf %mul3A_774, %mul3A_781 : vector<16xf32>
        %get3A_783 = arith.index_cast %add3A_767 : i32 to index
        %get3A_784 = arith.constant 32 : index
        %get3A_785 = tpu.vector_load %arg9[%get3A_783, %get3A_784] {strides = array<i32>} : memref<128x256xf32, #tpu.memory_space<vmem>>, vector<16xf32>,
        %get3A_786 = arith.index_cast %add3A_767 : i32 to index
        %get3A_787 = arith.constant 32 : index
        %get3A_788 = tpu.vector_load %arg10[%get3A_786, %get3A_787] {strides = array<i32>} : memref<128x256xf32, #tpu.memory_space<vmem>>, vector<16xf32>,
        %mul3A_789 = arith.mulf %get3A_785, %get3A_788 : vector<16xf32>
        %add3A_790 = arith.addf %add3A_782, %mul3A_789 : vector<16xf32>
        %get3A_791 = arith.index_cast %add3A_767 : i32 to index
        %get3A_792 = arith.constant 48 : index
        %get3A_793 = tpu.vector_load %arg9[%get3A_791, %get3A_792] {strides = array<i32>} : memref<128x256xf32, #tpu.memory_space<vmem>>, vector<16xf32>,
        %get3A_794 = arith.index_cast %add3A_767 : i32 to index
        %get3A_795 = arith.constant 48 : index
        %get3A_796 = tpu.vector_load %arg10[%get3A_794, %get3A_795] {strides = array<i32>} : memref<128x256xf32, #tpu.memory_space<vmem>>, vector<16xf32>,
        %mul3A_797 = arith.mulf %get3A_793, %get3A_796 : vector<16xf32>
        %add3A_798 = arith.addf %add3A_790, %mul3A_797 : vector<16xf32>
        %get3A_799 = arith.index_cast %add3A_767 : i32 to index
        %get3A_800 = arith.constant 64 : index
        %get3A_801 = tpu.vector_load %arg9[%get3A_799, %get3A_800] {strides = array<i32>} : memref<128x256xf32, #tpu.memory_space<vmem>>, vector<16xf32>,
        %get3A_802 = arith.index_cast %add3A_767 : i32 to index
        %get3A_803 = arith.constant 64 : index
        %get3A_804 = tpu.vector_load %arg10[%get3A_802, %get3A_803] {strides = array<i32>} : memref<128x256xf32, #tpu.memory_space<vmem>>, vector<16xf32>,
        %mul3A_805 = arith.mulf %get3A_801, %get3A_804 : vector<16xf32>
        %add3A_806 = arith.addf %add3A_798, %mul3A_805 : vector<16xf32>
        %get3A_807 = arith.index_cast %add3A_767 : i32 to index
        %get3A_808 = arith.constant 80 : index
        %get3A_809 = tpu.vector_load %arg9[%get3A_807, %get3A_808] {strides = array<i32>} : memref<128x256xf32, #tpu.memory_space<vmem>>, vector<16xf32>,
        %get3A_810 = arith.index_cast %add3A_767 : i32 to index
        %get3A_811 = arith.constant 80 : index
        %get3A_812 = tpu.vector_load %arg10[%get3A_810, %get3A_811] {strides = array<i32>} : memref<128x256xf32, #tpu.memory_space<vmem>>, vector<16xf32>,
        %mul3A_813 = arith.mulf %get3A_809, %get3A_812 : vector<16xf32>
        %add3A_814 = arith.addf %add3A_806, %mul3A_813 : vector<16xf32>
        %get3A_815 = arith.index_cast %add3A_767 : i32 to index
        %get3A_816 = arith.constant 96 : index
        %get3A_817 = tpu.vector_load %arg9[%get3A_815, %get3A_816] {strides = array<i32>} : memref<128x256xf32, #tpu.memory_space<vmem>>, vector<16xf32>,
        %get3A_818 = arith.index_cast %add3A_767 : i32 to index
        %get3A_819 = arith.constant 96 : index
        %get3A_820 = tpu.vector_load %arg10[%get3A_818, %get3A_819] {strides = array<i32>} : memref<128x256xf32, #tpu.memory_space<vmem>>, vector<16xf32>,
        %mul3A_821 = arith.mulf %get3A_817, %get3A_820 : vector<16xf32>
        %add3A_822 = arith.addf %add3A_814, %mul3A_821 : vector<16xf32>
        %get3A_823 = arith.index_cast %add3A_767 : i32 to index
        %get3A_824 = arith.constant 112 : index
        %get3A_825 = tpu.vector_load %arg9[%get3A_823, %get3A_824] {strides = array<i32>} : memref<128x256xf32, #tpu.memory_space<vmem>>, vector<16xf32>,
        %get3A_826 = arith.index_cast %add3A_767 : i32 to index
        %get3A_827 = arith.constant 112 : index
        %get3A_828 = tpu.vector_load %arg10[%get3A_826, %get3A_827] {strides = array<i32>} : memref<128x256xf32, #tpu.memory_space<vmem>>, vector<16xf32>,
        %mul3A_829 = arith.mulf %get3A_825, %get3A_828 : vector<16xf32>
        %add3A_830 = arith.addf %add3A_822, %mul3A_829 : vector<16xf32>
        %get3A_831 = arith.index_cast %add3A_767 : i32 to index
        %get3A_832 = arith.constant 128 : index
        %get3A_833 = tpu.vector_load %arg9[%get3A_831, %get3A_832] {strides = array<i32>} : memref<128x256xf32, #tpu.memory_space<vmem>>, vector<16xf32>,
        %get3A_834 = arith.index_cast %add3A_767 : i32 to index
        %get3A_835 = arith.constant 128 : index
        %get3A_836 = tpu.vector_load %arg10[%get3A_834, %get3A_835] {strides = array<i32>} : memref<128x256xf32, #tpu.memory_space<vmem>>, vector<16xf32>,
        %mul3A_837 = arith.mulf %get3A_833, %get3A_836 : vector<16xf32>
        %add3A_838 = arith.addf %add3A_830, %mul3A_837 : vector<16xf32>
        %get3A_839 = arith.index_cast %add3A_767 : i32 to index
        %get3A_840 = arith.constant 144 : index
        %get3A_841 = tpu.vector_load %arg9[%get3A_839, %get3A_840] {strides = array<i32>} : memref<128x256xf32, #tpu.memory_space<vmem>>, vector<16xf32>,
        %get3A_842 = arith.index_cast %add3A_767 : i32 to index
        %get3A_843 = arith.constant 144 : index
        %get3A_844 = tpu.vector_load %arg10[%get3A_842, %get3A_843] {strides = array<i32>} : memref<128x256xf32, #tpu.memory_space<vmem>>, vector<16xf32>,
        %mul3A_845 = arith.mulf %get3A_841, %get3A_844 : vector<16xf32>
        %add3A_846 = arith.addf %add3A_838, %mul3A_845 : vector<16xf32>
        %get3A_847 = arith.index_cast %add3A_767 : i32 to index
        %get3A_848 = arith.constant 160 : index
        %get3A_849 = tpu.vector_load %arg9[%get3A_847, %get3A_848] {strides = array<i32>} : memref<128x256xf32, #tpu.memory_space<vmem>>, vector<16xf32>,
        %get3A_850 = arith.index_cast %add3A_767 : i32 to index
        %get3A_851 = arith.constant 160 : index
        %get3A_852 = tpu.vector_load %arg10[%get3A_850, %get3A_851] {strides = array<i32>} : memref<128x256xf32, #tpu.memory_space<vmem>>, vector<16xf32>,
        %mul3A_853 = arith.mulf %get3A_849, %get3A_852 : vector<16xf32>
        %add3A_854 = arith.addf %add3A_846, %mul3A_853 : vector<16xf32>
        %get3A_855 = arith.index_cast %add3A_767 : i32 to index
        %get3A_856 = arith.constant 176 : index
        %get3A_857 = tpu.vector_load %arg9[%get3A_855, %get3A_856] {strides = array<i32>} : memref<128x256xf32, #tpu.memory_space<vmem>>, vector<16xf32>,
        %get3A_858 = arith.index_cast %add3A_767 : i32 to index
        %get3A_859 = arith.constant 176 : index
        %get3A_860 = tpu.vector_load %arg10[%get3A_858, %get3A_859] {strides = array<i32>} : memref<128x256xf32, #tpu.memory_space<vmem>>, vector<16xf32>,
        %mul3A_861 = arith.mulf %get3A_857, %get3A_860 : vector<16xf32>
        %add3A_862 = arith.addf %add3A_854, %mul3A_861 : vector<16xf32>
        %get3A_863 = arith.index_cast %add3A_767 : i32 to index
        %get3A_864 = arith.constant 192 : index
        %get3A_865 = tpu.vector_load %arg9[%get3A_863, %get3A_864] {strides = array<i32>} : memref<128x256xf32, #tpu.memory_space<vmem>>, vector<16xf32>,
        %get3A_866 = arith.index_cast %add3A_767 : i32 to index
        %get3A_867 = arith.constant 192 : index
        %get3A_868 = tpu.vector_load %arg10[%get3A_866, %get3A_867] {strides = array<i32>} : memref<128x256xf32, #tpu.memory_space<vmem>>, vector<16xf32>,
        %mul3A_869 = arith.mulf %get3A_865, %get3A_868 : vector<16xf32>
        %add3A_870 = arith.addf %add3A_862, %mul3A_869 : vector<16xf32>
        %get3A_871 = arith.index_cast %add3A_767 : i32 to index
        %get3A_872 = arith.constant 208 : index
        %get3A_873 = tpu.vector_load %arg9[%get3A_871, %get3A_872] {strides = array<i32>} : memref<128x256xf32, #tpu.memory_space<vmem>>, vector<16xf32>,
        %get3A_874 = arith.index_cast %add3A_767 : i32 to index
        %get3A_875 = arith.constant 208 : index
        %get3A_876 = tpu.vector_load %arg10[%get3A_874, %get3A_875] {strides = array<i32>} : memref<128x256xf32, #tpu.memory_space<vmem>>, vector<16xf32>,
        %mul3A_877 = arith.mulf %get3A_873, %get3A_876 : vector<16xf32>
        %add3A_878 = arith.addf %add3A_870, %mul3A_877 : vector<16xf32>
        %get3A_879 = arith.index_cast %add3A_767 : i32 to index
        %get3A_880 = arith.constant 224 : index
        %get3A_881 = tpu.vector_load %arg9[%get3A_879, %get3A_880] {strides = array<i32>} : memref<128x256xf32, #tpu.memory_space<vmem>>, vector<16xf32>,
        %get3A_882 = arith.index_cast %add3A_767 : i32 to index
        %get3A_883 = arith.constant 224 : index
        %get3A_884 = tpu.vector_load %arg10[%get3A_882, %get3A_883] {strides = array<i32>} : memref<128x256xf32, #tpu.memory_space<vmem>>, vector<16xf32>,
        %mul3A_885 = arith.mulf %get3A_881, %get3A_884 : vector<16xf32>
        %add3A_886 = arith.addf %add3A_878, %mul3A_885 : vector<16xf32>
        %get3A_887 = arith.index_cast %add3A_767 : i32 to index
        %get3A_888 = arith.constant 240 : index
        %get3A_889 = tpu.vector_load %arg9[%get3A_887, %get3A_888] {strides = array<i32>} : memref<128x256xf32, #tpu.memory_space<vmem>>, vector<16xf32>,
        %get3A_890 = arith.index_cast %add3A_767 : i32 to index
        %get3A_891 = arith.constant 240 : index
        %get3A_892 = tpu.vector_load %arg10[%get3A_890, %get3A_891] {strides = array<i32>} : memref<128x256xf32, #tpu.memory_space<vmem>>, vector<16xf32>,
        %mul3A_893 = arith.mulf %get3A_889, %get3A_892 : vector<16xf32>
        %add3A_894 = arith.addf %add3A_886, %mul3A_893 : vector<16xf32>
        %add3A_895 = arith.constant 5 : i32
        %add3A_896 = vector.broadcast %add3A_895 : i32 to vector<16xi32>
        %add3A_897 = arith.addi %add3A_8, %add3A_896 : vector<16xi32>
        tpu.vector_store_idx %arg11[%add3A_897], %add3A_894 : memref<5312xf32, #tpu.memory_space<vmem>>[vector<16xi32>], vector<16xf32>,
        %mul3A_898 = arith.constant 16 : i32
        %mul3A_899 = arith.muli %scan3A_83, %mul3A_898 : i32
        %add3A_900 = arith.addi %mul3A_76, %mul3A_899 : i32
        %add3A_901 = arith.constant 6 : i32
        %add3A_902 = arith.addi %add3A_900, %add3A_901 : i32
        %get3A_903 = arith.index_cast %add3A_902 : i32 to index
        %get3A_904 = arith.constant 0 : index
        %get3A_905 = tpu.vector_load %arg9[%get3A_903, %get3A_904] {strides = array<i32>} : memref<128x256xf32, #tpu.memory_space<vmem>>, vector<16xf32>,
        %get3A_906 = arith.index_cast %add3A_902 : i32 to index
        %get3A_907 = arith.constant 0 : index
        %get3A_908 = tpu.vector_load %arg10[%get3A_906, %get3A_907] {strides = array<i32>} : memref<128x256xf32, #tpu.memory_space<vmem>>, vector<16xf32>,
        %mul3A_909 = arith.mulf %get3A_905, %get3A_908 : vector<16xf32>
        %get3A_910 = arith.index_cast %add3A_902 : i32 to index
        %get3A_911 = arith.constant 16 : index
        %get3A_912 = tpu.vector_load %arg9[%get3A_910, %get3A_911] {strides = array<i32>} : memref<128x256xf32, #tpu.memory_space<vmem>>, vector<16xf32>,
        %get3A_913 = arith.index_cast %add3A_902 : i32 to index
        %get3A_914 = arith.constant 16 : index
        %get3A_915 = tpu.vector_load %arg10[%get3A_913, %get3A_914] {strides = array<i32>} : memref<128x256xf32, #tpu.memory_space<vmem>>, vector<16xf32>,
        %mul3A_916 = arith.mulf %get3A_912, %get3A_915 : vector<16xf32>
        %add3A_917 = arith.addf %mul3A_909, %mul3A_916 : vector<16xf32>
        %get3A_918 = arith.index_cast %add3A_902 : i32 to index
        %get3A_919 = arith.constant 32 : index
        %get3A_920 = tpu.vector_load %arg9[%get3A_918, %get3A_919] {strides = array<i32>} : memref<128x256xf32, #tpu.memory_space<vmem>>, vector<16xf32>,
        %get3A_921 = arith.index_cast %add3A_902 : i32 to index
        %get3A_922 = arith.constant 32 : index
        %get3A_923 = tpu.vector_load %arg10[%get3A_921, %get3A_922] {strides = array<i32>} : memref<128x256xf32, #tpu.memory_space<vmem>>, vector<16xf32>,
        %mul3A_924 = arith.mulf %get3A_920, %get3A_923 : vector<16xf32>
        %add3A_925 = arith.addf %add3A_917, %mul3A_924 : vector<16xf32>
        %get3A_926 = arith.index_cast %add3A_902 : i32 to index
        %get3A_927 = arith.constant 48 : index
        %get3A_928 = tpu.vector_load %arg9[%get3A_926, %get3A_927] {strides = array<i32>} : memref<128x256xf32, #tpu.memory_space<vmem>>, vector<16xf32>,
        %get3A_929 = arith.index_cast %add3A_902 : i32 to index
        %get3A_930 = arith.constant 48 : index
        %get3A_931 = tpu.vector_load %arg10[%get3A_929, %get3A_930] {strides = array<i32>} : memref<128x256xf32, #tpu.memory_space<vmem>>, vector<16xf32>,
        %mul3A_932 = arith.mulf %get3A_928, %get3A_931 : vector<16xf32>
        %add3A_933 = arith.addf %add3A_925, %mul3A_932 : vector<16xf32>
        %get3A_934 = arith.index_cast %add3A_902 : i32 to index
        %get3A_935 = arith.constant 64 : index
        %get3A_936 = tpu.vector_load %arg9[%get3A_934, %get3A_935] {strides = array<i32>} : memref<128x256xf32, #tpu.memory_space<vmem>>, vector<16xf32>,
        %get3A_937 = arith.index_cast %add3A_902 : i32 to index
        %get3A_938 = arith.constant 64 : index
        %get3A_939 = tpu.vector_load %arg10[%get3A_937, %get3A_938] {strides = array<i32>} : memref<128x256xf32, #tpu.memory_space<vmem>>, vector<16xf32>,
        %mul3A_940 = arith.mulf %get3A_936, %get3A_939 : vector<16xf32>
        %add3A_941 = arith.addf %add3A_933, %mul3A_940 : vector<16xf32>
        %get3A_942 = arith.index_cast %add3A_902 : i32 to index
        %get3A_943 = arith.constant 80 : index
        %get3A_944 = tpu.vector_load %arg9[%get3A_942, %get3A_943] {strides = array<i32>} : memref<128x256xf32, #tpu.memory_space<vmem>>, vector<16xf32>,
        %get3A_945 = arith.index_cast %add3A_902 : i32 to index
        %get3A_946 = arith.constant 80 : index
        %get3A_947 = tpu.vector_load %arg10[%get3A_945, %get3A_946] {strides = array<i32>} : memref<128x256xf32, #tpu.memory_space<vmem>>, vector<16xf32>,
        %mul3A_948 = arith.mulf %get3A_944, %get3A_947 : vector<16xf32>
        %add3A_949 = arith.addf %add3A_941, %mul3A_948 : vector<16xf32>
        %get3A_950 = arith.index_cast %add3A_902 : i32 to index
        %get3A_951 = arith.constant 96 : index
        %get3A_952 = tpu.vector_load %arg9[%get3A_950, %get3A_951] {strides = array<i32>} : memref<128x256xf32, #tpu.memory_space<vmem>>, vector<16xf32>,
        %get3A_953 = arith.index_cast %add3A_902 : i32 to index
        %get3A_954 = arith.constant 96 : index
        %get3A_955 = tpu.vector_load %arg10[%get3A_953, %get3A_954] {strides = array<i32>} : memref<128x256xf32, #tpu.memory_space<vmem>>, vector<16xf32>,
        %mul3A_956 = arith.mulf %get3A_952, %get3A_955 : vector<16xf32>
        %add3A_957 = arith.addf %add3A_949, %mul3A_956 : vector<16xf32>
        %get3A_958 = arith.index_cast %add3A_902 : i32 to index
        %get3A_959 = arith.constant 112 : index
        %get3A_960 = tpu.vector_load %arg9[%get3A_958, %get3A_959] {strides = array<i32>} : memref<128x256xf32, #tpu.memory_space<vmem>>, vector<16xf32>,
        %get3A_961 = arith.index_cast %add3A_902 : i32 to index
        %get3A_962 = arith.constant 112 : index
        %get3A_963 = tpu.vector_load %arg10[%get3A_961, %get3A_962] {strides = array<i32>} : memref<128x256xf32, #tpu.memory_space<vmem>>, vector<16xf32>,
        %mul3A_964 = arith.mulf %get3A_960, %get3A_963 : vector<16xf32>
        %add3A_965 = arith.addf %add3A_957, %mul3A_964 : vector<16xf32>
        %get3A_966 = arith.index_cast %add3A_902 : i32 to index
        %get3A_967 = arith.constant 128 : index
        %get3A_968 = tpu.vector_load %arg9[%get3A_966, %get3A_967] {strides = array<i32>} : memref<128x256xf32, #tpu.memory_space<vmem>>, vector<16xf32>,
        %get3A_969 = arith.index_cast %add3A_902 : i32 to index
        %get3A_970 = arith.constant 128 : index
        %get3A_971 = tpu.vector_load %arg10[%get3A_969, %get3A_970] {strides = array<i32>} : memref<128x256xf32, #tpu.memory_space<vmem>>, vector<16xf32>,
        %mul3A_972 = arith.mulf %get3A_968, %get3A_971 : vector<16xf32>
        %add3A_973 = arith.addf %add3A_965, %mul3A_972 : vector<16xf32>
        %get3A_974 = arith.index_cast %add3A_902 : i32 to index
        %get3A_975 = arith.constant 144 : index
        %get3A_976 = tpu.vector_load %arg9[%get3A_974, %get3A_975] {strides = array<i32>} : memref<128x256xf32, #tpu.memory_space<vmem>>, vector<16xf32>,
        %get3A_977 = arith.index_cast %add3A_902 : i32 to index
        %get3A_978 = arith.constant 144 : index
        %get3A_979 = tpu.vector_load %arg10[%get3A_977, %get3A_978] {strides = array<i32>} : memref<128x256xf32, #tpu.memory_space<vmem>>, vector<16xf32>,
        %mul3A_980 = arith.mulf %get3A_976, %get3A_979 : vector<16xf32>
        %add3A_981 = arith.addf %add3A_973, %mul3A_980 : vector<16xf32>
        %get3A_982 = arith.index_cast %add3A_902 : i32 to index
        %get3A_983 = arith.constant 160 : index
        %get3A_984 = tpu.vector_load %arg9[%get3A_982, %get3A_983] {strides = array<i32>} : memref<128x256xf32, #tpu.memory_space<vmem>>, vector<16xf32>,
        %get3A_985 = arith.index_cast %add3A_902 : i32 to index
        %get3A_986 = arith.constant 160 : index
        %get3A_987 = tpu.vector_load %arg10[%get3A_985, %get3A_986] {strides = array<i32>} : memref<128x256xf32, #tpu.memory_space<vmem>>, vector<16xf32>,
        %mul3A_988 = arith.mulf %get3A_984, %get3A_987 : vector<16xf32>
        %add3A_989 = arith.addf %add3A_981, %mul3A_988 : vector<16xf32>
        %get3A_990 = arith.index_cast %add3A_902 : i32 to index
        %get3A_991 = arith.constant 176 : index
        %get3A_992 = tpu.vector_load %arg9[%get3A_990, %get3A_991] {strides = array<i32>} : memref<128x256xf32, #tpu.memory_space<vmem>>, vector<16xf32>,
        %get3A_993 = arith.index_cast %add3A_902 : i32 to index
        %get3A_994 = arith.constant 176 : index
        %get3A_995 = tpu.vector_load %arg10[%get3A_993, %get3A_994] {strides = array<i32>} : memref<128x256xf32, #tpu.memory_space<vmem>>, vector<16xf32>,
        %mul3A_996 = arith.mulf %get3A_992, %get3A_995 : vector<16xf32>
        %add3A_997 = arith.addf %add3A_989, %mul3A_996 : vector<16xf32>
        %get3A_998 = arith.index_cast %add3A_902 : i32 to index
        %get3A_999 = arith.constant 192 : index
        %get3A_1000 = tpu.vector_load %arg9[%get3A_998, %get3A_999] {strides = array<i32>} : memref<128x256xf32, #tpu.memory_space<vmem>>, vector<16xf32>,
        %get3A_1001 = arith.index_cast %add3A_902 : i32 to index
        %get3A_1002 = arith.constant 192 : index
        %get3A_1003 = tpu.vector_load %arg10[%get3A_1001, %get3A_1002] {strides = array<i32>} : memref<128x256xf32, #tpu.memory_space<vmem>>, vector<16xf32>,
        %mul3A_1004 = arith.mulf %get3A_1000, %get3A_1003 : vector<16xf32>
        %add3A_1005 = arith.addf %add3A_997, %mul3A_1004 : vector<16xf32>
        %get3A_1006 = arith.index_cast %add3A_902 : i32 to index
        %get3A_1007 = arith.constant 208 : index
        %get3A_1008 = tpu.vector_load %arg9[%get3A_1006, %get3A_1007] {strides = array<i32>} : memref<128x256xf32, #tpu.memory_space<vmem>>, vector<16xf32>,
        %get3A_1009 = arith.index_cast %add3A_902 : i32 to index
        %get3A_1010 = arith.constant 208 : index
        %get3A_1011 = tpu.vector_load %arg10[%get3A_1009, %get3A_1010] {strides = array<i32>} : memref<128x256xf32, #tpu.memory_space<vmem>>, vector<16xf32>,
        %mul3A_1012 = arith.mulf %get3A_1008, %get3A_1011 : vector<16xf32>
        %add3A_1013 = arith.addf %add3A_1005, %mul3A_1012 : vector<16xf32>
        %get3A_1014 = arith.index_cast %add3A_902 : i32 to index
        %get3A_1015 = arith.constant 224 : index
        %get3A_1016 = tpu.vector_load %arg9[%get3A_1014, %get3A_1015] {strides = array<i32>} : memref<128x256xf32, #tpu.memory_space<vmem>>, vector<16xf32>,
        %get3A_1017 = arith.index_cast %add3A_902 : i32 to index
        %get3A_1018 = arith.constant 224 : index
        %get3A_1019 = tpu.vector_load %arg10[%get3A_1017, %get3A_1018] {strides = array<i32>} : memref<128x256xf32, #tpu.memory_space<vmem>>, vector<16xf32>,
        %mul3A_1020 = arith.mulf %get3A_1016, %get3A_1019 : vector<16xf32>
        %add3A_1021 = arith.addf %add3A_1013, %mul3A_1020 : vector<16xf32>
        %get3A_1022 = arith.index_cast %add3A_902 : i32 to index
        %get3A_1023 = arith.constant 240 : index
        %get3A_1024 = tpu.vector_load %arg9[%get3A_1022, %get3A_1023] {strides = array<i32>} : memref<128x256xf32, #tpu.memory_space<vmem>>, vector<16xf32>,
        %get3A_1025 = arith.index_cast %add3A_902 : i32 to index
        %get3A_1026 = arith.constant 240 : index
        %get3A_1027 = tpu.vector_load %arg10[%get3A_1025, %get3A_1026] {strides = array<i32>} : memref<128x256xf32, #tpu.memory_space<vmem>>, vector<16xf32>,
        %mul3A_1028 = arith.mulf %get3A_1024, %get3A_1027 : vector<16xf32>
        %add3A_1029 = arith.addf %add3A_1021, %mul3A_1028 : vector<16xf32>
        %add3A_1030 = arith.constant 6 : i32
        %add3A_1031 = vector.broadcast %add3A_1030 : i32 to vector<16xi32>
        %add3A_1032 = arith.addi %add3A_8, %add3A_1031 : vector<16xi32>
        tpu.vector_store_idx %arg11[%add3A_1032], %add3A_1029 : memref<5312xf32, #tpu.memory_space<vmem>>[vector<16xi32>], vector<16xf32>,
        %mul3A_1033 = arith.constant 16 : i32
        %mul3A_1034 = arith.muli %scan3A_83, %mul3A_1033 : i32
        %add3A_1035 = arith.addi %mul3A_76, %mul3A_1034 : i32
        %add3A_1036 = arith.constant 7 : i32
        %add3A_1037 = arith.addi %add3A_1035, %add3A_1036 : i32
        %get3A_1038 = arith.index_cast %add3A_1037 : i32 to index
        %get3A_1039 = arith.constant 0 : index
        %get3A_1040 = tpu.vector_load %arg9[%get3A_1038, %get3A_1039] {strides = array<i32>} : memref<128x256xf32, #tpu.memory_space<vmem>>, vector<16xf32>,
        %get3A_1041 = arith.index_cast %add3A_1037 : i32 to index
        %get3A_1042 = arith.constant 0 : index
        %get3A_1043 = tpu.vector_load %arg10[%get3A_1041, %get3A_1042] {strides = array<i32>} : memref<128x256xf32, #tpu.memory_space<vmem>>, vector<16xf32>,
        %mul3A_1044 = arith.mulf %get3A_1040, %get3A_1043 : vector<16xf32>
        %get3A_1045 = arith.index_cast %add3A_1037 : i32 to index
        %get3A_1046 = arith.constant 16 : index
        %get3A_1047 = tpu.vector_load %arg9[%get3A_1045, %get3A_1046] {strides = array<i32>} : memref<128x256xf32, #tpu.memory_space<vmem>>, vector<16xf32>,
        %get3A_1048 = arith.index_cast %add3A_1037 : i32 to index
        %get3A_1049 = arith.constant 16 : index
        %get3A_1050 = tpu.vector_load %arg10[%get3A_1048, %get3A_1049] {strides = array<i32>} : memref<128x256xf32, #tpu.memory_space<vmem>>, vector<16xf32>,
        %mul3A_1051 = arith.mulf %get3A_1047, %get3A_1050 : vector<16xf32>
        %add3A_1052 = arith.addf %mul3A_1044, %mul3A_1051 : vector<16xf32>
        %get3A_1053 = arith.index_cast %add3A_1037 : i32 to index
        %get3A_1054 = arith.constant 32 : index
        %get3A_1055 = tpu.vector_load %arg9[%get3A_1053, %get3A_1054] {strides = array<i32>} : memref<128x256xf32, #tpu.memory_space<vmem>>, vector<16xf32>,
        %get3A_1056 = arith.index_cast %add3A_1037 : i32 to index
        %get3A_1057 = arith.constant 32 : index
        %get3A_1058 = tpu.vector_load %arg10[%get3A_1056, %get3A_1057] {strides = array<i32>} : memref<128x256xf32, #tpu.memory_space<vmem>>, vector<16xf32>,
        %mul3A_1059 = arith.mulf %get3A_1055, %get3A_1058 : vector<16xf32>
        %add3A_1060 = arith.addf %add3A_1052, %mul3A_1059 : vector<16xf32>
        %get3A_1061 = arith.index_cast %add3A_1037 : i32 to index
        %get3A_1062 = arith.constant 48 : index
        %get3A_1063 = tpu.vector_load %arg9[%get3A_1061, %get3A_1062] {strides = array<i32>} : memref<128x256xf32, #tpu.memory_space<vmem>>, vector<16xf32>,
        %get3A_1064 = arith.index_cast %add3A_1037 : i32 to index
        %get3A_1065 = arith.constant 48 : index
        %get3A_1066 = tpu.vector_load %arg10[%get3A_1064, %get3A_1065] {strides = array<i32>} : memref<128x256xf32, #tpu.memory_space<vmem>>, vector<16xf32>,
        %mul3A_1067 = arith.mulf %get3A_1063, %get3A_1066 : vector<16xf32>
        %add3A_1068 = arith.addf %add3A_1060, %mul3A_1067 : vector<16xf32>
        %get3A_1069 = arith.index_cast %add3A_1037 : i32 to index
        %get3A_1070 = arith.constant 64 : index
        %get3A_1071 = tpu.vector_load %arg9[%get3A_1069, %get3A_1070] {strides = array<i32>} : memref<128x256xf32, #tpu.memory_space<vmem>>, vector<16xf32>,
        %get3A_1072 = arith.index_cast %add3A_1037 : i32 to index
        %get3A_1073 = arith.constant 64 : index
        %get3A_1074 = tpu.vector_load %arg10[%get3A_1072, %get3A_1073] {strides = array<i32>} : memref<128x256xf32, #tpu.memory_space<vmem>>, vector<16xf32>,
        %mul3A_1075 = arith.mulf %get3A_1071, %get3A_1074 : vector<16xf32>
        %add3A_1076 = arith.addf %add3A_1068, %mul3A_1075 : vector<16xf32>
        %get3A_1077 = arith.index_cast %add3A_1037 : i32 to index
        %get3A_1078 = arith.constant 80 : index
        %get3A_1079 = tpu.vector_load %arg9[%get3A_1077, %get3A_1078] {strides = array<i32>} : memref<128x256xf32, #tpu.memory_space<vmem>>, vector<16xf32>,
        %get3A_1080 = arith.index_cast %add3A_1037 : i32 to index
        %get3A_1081 = arith.constant 80 : index
        %get3A_1082 = tpu.vector_load %arg10[%get3A_1080, %get3A_1081] {strides = array<i32>} : memref<128x256xf32, #tpu.memory_space<vmem>>, vector<16xf32>,
        %mul3A_1083 = arith.mulf %get3A_1079, %get3A_1082 : vector<16xf32>
        %add3A_1084 = arith.addf %add3A_1076, %mul3A_1083 : vector<16xf32>
        %get3A_1085 = arith.index_cast %add3A_1037 : i32 to index
        %get3A_1086 = arith.constant 96 : index
        %get3A_1087 = tpu.vector_load %arg9[%get3A_1085, %get3A_1086] {strides = array<i32>} : memref<128x256xf32, #tpu.memory_space<vmem>>, vector<16xf32>,
        %get3A_1088 = arith.index_cast %add3A_1037 : i32 to index
        %get3A_1089 = arith.constant 96 : index
        %get3A_1090 = tpu.vector_load %arg10[%get3A_1088, %get3A_1089] {strides = array<i32>} : memref<128x256xf32, #tpu.memory_space<vmem>>, vector<16xf32>,
        %mul3A_1091 = arith.mulf %get3A_1087, %get3A_1090 : vector<16xf32>
        %add3A_1092 = arith.addf %add3A_1084, %mul3A_1091 : vector<16xf32>
        %get3A_1093 = arith.index_cast %add3A_1037 : i32 to index
        %get3A_1094 = arith.constant 112 : index
        %get3A_1095 = tpu.vector_load %arg9[%get3A_1093, %get3A_1094] {strides = array<i32>} : memref<128x256xf32, #tpu.memory_space<vmem>>, vector<16xf32>,
        %get3A_1096 = arith.index_cast %add3A_1037 : i32 to index
        %get3A_1097 = arith.constant 112 : index
        %get3A_1098 = tpu.vector_load %arg10[%get3A_1096, %get3A_1097] {strides = array<i32>} : memref<128x256xf32, #tpu.memory_space<vmem>>, vector<16xf32>,
        %mul3A_1099 = arith.mulf %get3A_1095, %get3A_1098 : vector<16xf32>
        %add3A_1100 = arith.addf %add3A_1092, %mul3A_1099 : vector<16xf32>
        %get3A_1101 = arith.index_cast %add3A_1037 : i32 to index
        %get3A_1102 = arith.constant 128 : index
        %get3A_1103 = tpu.vector_load %arg9[%get3A_1101, %get3A_1102] {strides = array<i32>} : memref<128x256xf32, #tpu.memory_space<vmem>>, vector<16xf32>,
        %get3A_1104 = arith.index_cast %add3A_1037 : i32 to index
        %get3A_1105 = arith.constant 128 : index
        %get3A_1106 = tpu.vector_load %arg10[%get3A_1104, %get3A_1105] {strides = array<i32>} : memref<128x256xf32, #tpu.memory_space<vmem>>, vector<16xf32>,
        %mul3A_1107 = arith.mulf %get3A_1103, %get3A_1106 : vector<16xf32>
        %add3A_1108 = arith.addf %add3A_1100, %mul3A_1107 : vector<16xf32>
        %get3A_1109 = arith.index_cast %add3A_1037 : i32 to index
        %get3A_1110 = arith.constant 144 : index
        %get3A_1111 = tpu.vector_load %arg9[%get3A_1109, %get3A_1110] {strides = array<i32>} : memref<128x256xf32, #tpu.memory_space<vmem>>, vector<16xf32>,
        %get3A_1112 = arith.index_cast %add3A_1037 : i32 to index
        %get3A_1113 = arith.constant 144 : index
        %get3A_1114 = tpu.vector_load %arg10[%get3A_1112, %get3A_1113] {strides = array<i32>} : memref<128x256xf32, #tpu.memory_space<vmem>>, vector<16xf32>,
        %mul3A_1115 = arith.mulf %get3A_1111, %get3A_1114 : vector<16xf32>
        %add3A_1116 = arith.addf %add3A_1108, %mul3A_1115 : vector<16xf32>
        %get3A_1117 = arith.index_cast %add3A_1037 : i32 to index
        %get3A_1118 = arith.constant 160 : index
        %get3A_1119 = tpu.vector_load %arg9[%get3A_1117, %get3A_1118] {strides = array<i32>} : memref<128x256xf32, #tpu.memory_space<vmem>>, vector<16xf32>,
        %get3A_1120 = arith.index_cast %add3A_1037 : i32 to index
        %get3A_1121 = arith.constant 160 : index
        %get3A_1122 = tpu.vector_load %arg10[%get3A_1120, %get3A_1121] {strides = array<i32>} : memref<128x256xf32, #tpu.memory_space<vmem>>, vector<16xf32>,
        %mul3A_1123 = arith.mulf %get3A_1119, %get3A_1122 : vector<16xf32>
        %add3A_1124 = arith.addf %add3A_1116, %mul3A_1123 : vector<16xf32>
        %get3A_1125 = arith.index_cast %add3A_1037 : i32 to index
        %get3A_1126 = arith.constant 176 : index
        %get3A_1127 = tpu.vector_load %arg9[%get3A_1125, %get3A_1126] {strides = array<i32>} : memref<128x256xf32, #tpu.memory_space<vmem>>, vector<16xf32>,
        %get3A_1128 = arith.index_cast %add3A_1037 : i32 to index
        %get3A_1129 = arith.constant 176 : index
        %get3A_1130 = tpu.vector_load %arg10[%get3A_1128, %get3A_1129] {strides = array<i32>} : memref<128x256xf32, #tpu.memory_space<vmem>>, vector<16xf32>,
        %mul3A_1131 = arith.mulf %get3A_1127, %get3A_1130 : vector<16xf32>
        %add3A_1132 = arith.addf %add3A_1124, %mul3A_1131 : vector<16xf32>
        %get3A_1133 = arith.index_cast %add3A_1037 : i32 to index
        %get3A_1134 = arith.constant 192 : index
        %get3A_1135 = tpu.vector_load %arg9[%get3A_1133, %get3A_1134] {strides = array<i32>} : memref<128x256xf32, #tpu.memory_space<vmem>>, vector<16xf32>,
        %get3A_1136 = arith.index_cast %add3A_1037 : i32 to index
        %get3A_1137 = arith.constant 192 : index
        %get3A_1138 = tpu.vector_load %arg10[%get3A_1136, %get3A_1137] {strides = array<i32>} : memref<128x256xf32, #tpu.memory_space<vmem>>, vector<16xf32>,
        %mul3A_1139 = arith.mulf %get3A_1135, %get3A_1138 : vector<16xf32>
        %add3A_1140 = arith.addf %add3A_1132, %mul3A_1139 : vector<16xf32>
        %get3A_1141 = arith.index_cast %add3A_1037 : i32 to index
        %get3A_1142 = arith.constant 208 : index
        %get3A_1143 = tpu.vector_load %arg9[%get3A_1141, %get3A_1142] {strides = array<i32>} : memref<128x256xf32, #tpu.memory_space<vmem>>, vector<16xf32>,
        %get3A_1144 = arith.index_cast %add3A_1037 : i32 to index
        %get3A_1145 = arith.constant 208 : index
        %get3A_1146 = tpu.vector_load %arg10[%get3A_1144, %get3A_1145] {strides = array<i32>} : memref<128x256xf32, #tpu.memory_space<vmem>>, vector<16xf32>,
        %mul3A_1147 = arith.mulf %get3A_1143, %get3A_1146 : vector<16xf32>
        %add3A_1148 = arith.addf %add3A_1140, %mul3A_1147 : vector<16xf32>
        %get3A_1149 = arith.index_cast %add3A_1037 : i32 to index
        %get3A_1150 = arith.constant 224 : index
        %get3A_1151 = tpu.vector_load %arg9[%get3A_1149, %get3A_1150] {strides = array<i32>} : memref<128x256xf32, #tpu.memory_space<vmem>>, vector<16xf32>,
        %get3A_1152 = arith.index_cast %add3A_1037 : i32 to index
        %get3A_1153 = arith.constant 224 : index
        %get3A_1154 = tpu.vector_load %arg10[%get3A_1152, %get3A_1153] {strides = array<i32>} : memref<128x256xf32, #tpu.memory_space<vmem>>, vector<16xf32>,
        %mul3A_1155 = arith.mulf %get3A_1151, %get3A_1154 : vector<16xf32>
        %add3A_1156 = arith.addf %add3A_1148, %mul3A_1155 : vector<16xf32>
        %get3A_1157 = arith.index_cast %add3A_1037 : i32 to index
        %get3A_1158 = arith.constant 240 : index
        %get3A_1159 = tpu.vector_load %arg9[%get3A_1157, %get3A_1158] {strides = array<i32>} : memref<128x256xf32, #tpu.memory_space<vmem>>, vector<16xf32>,
        %get3A_1160 = arith.index_cast %add3A_1037 : i32 to index
        %get3A_1161 = arith.constant 240 : index
        %get3A_1162 = tpu.vector_load %arg10[%get3A_1160, %get3A_1161] {strides = array<i32>} : memref<128x256xf32, #tpu.memory_space<vmem>>, vector<16xf32>,
        %mul3A_1163 = arith.mulf %get3A_1159, %get3A_1162 : vector<16xf32>
        %add3A_1164 = arith.addf %add3A_1156, %mul3A_1163 : vector<16xf32>
        %add3A_1165 = arith.constant 7 : i32
        %add3A_1166 = vector.broadcast %add3A_1165 : i32 to vector<16xi32>
        %add3A_1167 = arith.addi %add3A_8, %add3A_1166 : vector<16xi32>
        tpu.vector_store_idx %arg11[%add3A_1167], %add3A_1164 : memref<5312xf32, #tpu.memory_space<vmem>>[vector<16xi32>], vector<16xf32>,
        %mul3A_1168 = arith.constant 16 : i32
        %mul3A_1169 = arith.muli %scan3A_83, %mul3A_1168 : i32
        %add3A_1170 = arith.addi %mul3A_76, %mul3A_1169 : i32
        %add3A_1171 = arith.constant 8 : i32
        %add3A_1172 = arith.addi %add3A_1170, %add3A_1171 : i32
        %get3A_1173 = arith.index_cast %add3A_1172 : i32 to index
        %get3A_1174 = arith.constant 0 : index
        %get3A_1175 = tpu.vector_load %arg9[%get3A_1173, %get3A_1174] {strides = array<i32>} : memref<128x256xf32, #tpu.memory_space<vmem>>, vector<16xf32>,
        %get3A_1176 = arith.index_cast %add3A_1172 : i32 to index
        %get3A_1177 = arith.constant 0 : index
        %get3A_1178 = tpu.vector_load %arg10[%get3A_1176, %get3A_1177] {strides = array<i32>} : memref<128x256xf32, #tpu.memory_space<vmem>>, vector<16xf32>,
        %mul3A_1179 = arith.mulf %get3A_1175, %get3A_1178 : vector<16xf32>
        %get3A_1180 = arith.index_cast %add3A_1172 : i32 to index
        %get3A_1181 = arith.constant 16 : index
        %get3A_1182 = tpu.vector_load %arg9[%get3A_1180, %get3A_1181] {strides = array<i32>} : memref<128x256xf32, #tpu.memory_space<vmem>>, vector<16xf32>,
        %get3A_1183 = arith.index_cast %add3A_1172 : i32 to index
        %get3A_1184 = arith.constant 16 : index
        %get3A_1185 = tpu.vector_load %arg10[%get3A_1183, %get3A_1184] {strides = array<i32>} : memref<128x256xf32, #tpu.memory_space<vmem>>, vector<16xf32>,
        %mul3A_1186 = arith.mulf %get3A_1182, %get3A_1185 : vector<16xf32>
        %add3A_1187 = arith.addf %mul3A_1179, %mul3A_1186 : vector<16xf32>
        %get3A_1188 = arith.index_cast %add3A_1172 : i32 to index
        %get3A_1189 = arith.constant 32 : index
        %get3A_1190 = tpu.vector_load %arg9[%get3A_1188, %get3A_1189] {strides = array<i32>} : memref<128x256xf32, #tpu.memory_space<vmem>>, vector<16xf32>,
        %get3A_1191 = arith.index_cast %add3A_1172 : i32 to index
        %get3A_1192 = arith.constant 32 : index
        %get3A_1193 = tpu.vector_load %arg10[%get3A_1191, %get3A_1192] {strides = array<i32>} : memref<128x256xf32, #tpu.memory_space<vmem>>, vector<16xf32>,
        %mul3A_1194 = arith.mulf %get3A_1190, %get3A_1193 : vector<16xf32>
        %add3A_1195 = arith.addf %add3A_1187, %mul3A_1194 : vector<16xf32>
        %get3A_1196 = arith.index_cast %add3A_1172 : i32 to index
        %get3A_1197 = arith.constant 48 : index
        %get3A_1198 = tpu.vector_load %arg9[%get3A_1196, %get3A_1197] {strides = array<i32>} : memref<128x256xf32, #tpu.memory_space<vmem>>, vector<16xf32>,
        %get3A_1199 = arith.index_cast %add3A_1172 : i32 to index
        %get3A_1200 = arith.constant 48 : index
        %get3A_1201 = tpu.vector_load %arg10[%get3A_1199, %get3A_1200] {strides = array<i32>} : memref<128x256xf32, #tpu.memory_space<vmem>>, vector<16xf32>,
        %mul3A_1202 = arith.mulf %get3A_1198, %get3A_1201 : vector<16xf32>
        %add3A_1203 = arith.addf %add3A_1195, %mul3A_1202 : vector<16xf32>
        %get3A_1204 = arith.index_cast %add3A_1172 : i32 to index
        %get3A_1205 = arith.constant 64 : index
        %get3A_1206 = tpu.vector_load %arg9[%get3A_1204, %get3A_1205] {strides = array<i32>} : memref<128x256xf32, #tpu.memory_space<vmem>>, vector<16xf32>,
        %get3A_1207 = arith.index_cast %add3A_1172 : i32 to index
        %get3A_1208 = arith.constant 64 : index
        %get3A_1209 = tpu.vector_load %arg10[%get3A_1207, %get3A_1208] {strides = array<i32>} : memref<128x256xf32, #tpu.memory_space<vmem>>, vector<16xf32>,
        %mul3A_1210 = arith.mulf %get3A_1206, %get3A_1209 : vector<16xf32>
        %add3A_1211 = arith.addf %add3A_1203, %mul3A_1210 : vector<16xf32>
        %get3A_1212 = arith.index_cast %add3A_1172 : i32 to index
        %get3A_1213 = arith.constant 80 : index
        %get3A_1214 = tpu.vector_load %arg9[%get3A_1212, %get3A_1213] {strides = array<i32>} : memref<128x256xf32, #tpu.memory_space<vmem>>, vector<16xf32>,
        %get3A_1215 = arith.index_cast %add3A_1172 : i32 to index
        %get3A_1216 = arith.constant 80 : index
        %get3A_1217 = tpu.vector_load %arg10[%get3A_1215, %get3A_1216] {strides = array<i32>} : memref<128x256xf32, #tpu.memory_space<vmem>>, vector<16xf32>,
        %mul3A_1218 = arith.mulf %get3A_1214, %get3A_1217 : vector<16xf32>
        %add3A_1219 = arith.addf %add3A_1211, %mul3A_1218 : vector<16xf32>
        %get3A_1220 = arith.index_cast %add3A_1172 : i32 to index
        %get3A_1221 = arith.constant 96 : index
        %get3A_1222 = tpu.vector_load %arg9[%get3A_1220, %get3A_1221] {strides = array<i32>} : memref<128x256xf32, #tpu.memory_space<vmem>>, vector<16xf32>,
        %get3A_1223 = arith.index_cast %add3A_1172 : i32 to index
        %get3A_1224 = arith.constant 96 : index
        %get3A_1225 = tpu.vector_load %arg10[%get3A_1223, %get3A_1224] {strides = array<i32>} : memref<128x256xf32, #tpu.memory_space<vmem>>, vector<16xf32>,
        %mul3A_1226 = arith.mulf %get3A_1222, %get3A_1225 : vector<16xf32>
        %add3A_1227 = arith.addf %add3A_1219, %mul3A_1226 : vector<16xf32>
        %get3A_1228 = arith.index_cast %add3A_1172 : i32 to index
        %get3A_1229 = arith.constant 112 : index
        %get3A_1230 = tpu.vector_load %arg9[%get3A_1228, %get3A_1229] {strides = array<i32>} : memref<128x256xf32, #tpu.memory_space<vmem>>, vector<16xf32>,
        %get3A_1231 = arith.index_cast %add3A_1172 : i32 to index
        %get3A_1232 = arith.constant 112 : index
        %get3A_1233 = tpu.vector_load %arg10[%get3A_1231, %get3A_1232] {strides = array<i32>} : memref<128x256xf32, #tpu.memory_space<vmem>>, vector<16xf32>,
        %mul3A_1234 = arith.mulf %get3A_1230, %get3A_1233 : vector<16xf32>
        %add3A_1235 = arith.addf %add3A_1227, %mul3A_1234 : vector<16xf32>
        %get3A_1236 = arith.index_cast %add3A_1172 : i32 to index
        %get3A_1237 = arith.constant 128 : index
        %get3A_1238 = tpu.vector_load %arg9[%get3A_1236, %get3A_1237] {strides = array<i32>} : memref<128x256xf32, #tpu.memory_space<vmem>>, vector<16xf32>,
        %get3A_1239 = arith.index_cast %add3A_1172 : i32 to index
        %get3A_1240 = arith.constant 128 : index
        %get3A_1241 = tpu.vector_load %arg10[%get3A_1239, %get3A_1240] {strides = array<i32>} : memref<128x256xf32, #tpu.memory_space<vmem>>, vector<16xf32>,
        %mul3A_1242 = arith.mulf %get3A_1238, %get3A_1241 : vector<16xf32>
        %add3A_1243 = arith.addf %add3A_1235, %mul3A_1242 : vector<16xf32>
        %get3A_1244 = arith.index_cast %add3A_1172 : i32 to index
        %get3A_1245 = arith.constant 144 : index
        %get3A_1246 = tpu.vector_load %arg9[%get3A_1244, %get3A_1245] {strides = array<i32>} : memref<128x256xf32, #tpu.memory_space<vmem>>, vector<16xf32>,
        %get3A_1247 = arith.index_cast %add3A_1172 : i32 to index
        %get3A_1248 = arith.constant 144 : index
        %get3A_1249 = tpu.vector_load %arg10[%get3A_1247, %get3A_1248] {strides = array<i32>} : memref<128x256xf32, #tpu.memory_space<vmem>>, vector<16xf32>,
        %mul3A_1250 = arith.mulf %get3A_1246, %get3A_1249 : vector<16xf32>
        %add3A_1251 = arith.addf %add3A_1243, %mul3A_1250 : vector<16xf32>
        %get3A_1252 = arith.index_cast %add3A_1172 : i32 to index
        %get3A_1253 = arith.constant 160 : index
        %get3A_1254 = tpu.vector_load %arg9[%get3A_1252, %get3A_1253] {strides = array<i32>} : memref<128x256xf32, #tpu.memory_space<vmem>>, vector<16xf32>,
        %get3A_1255 = arith.index_cast %add3A_1172 : i32 to index
        %get3A_1256 = arith.constant 160 : index
        %get3A_1257 = tpu.vector_load %arg10[%get3A_1255, %get3A_1256] {strides = array<i32>} : memref<128x256xf32, #tpu.memory_space<vmem>>, vector<16xf32>,
        %mul3A_1258 = arith.mulf %get3A_1254, %get3A_1257 : vector<16xf32>
        %add3A_1259 = arith.addf %add3A_1251, %mul3A_1258 : vector<16xf32>
        %get3A_1260 = arith.index_cast %add3A_1172 : i32 to index
        %get3A_1261 = arith.constant 176 : index
        %get3A_1262 = tpu.vector_load %arg9[%get3A_1260, %get3A_1261] {strides = array<i32>} : memref<128x256xf32, #tpu.memory_space<vmem>>, vector<16xf32>,
        %get3A_1263 = arith.index_cast %add3A_1172 : i32 to index
        %get3A_1264 = arith.constant 176 : index
        %get3A_1265 = tpu.vector_load %arg10[%get3A_1263, %get3A_1264] {strides = array<i32>} : memref<128x256xf32, #tpu.memory_space<vmem>>, vector<16xf32>,
        %mul3A_1266 = arith.mulf %get3A_1262, %get3A_1265 : vector<16xf32>
        %add3A_1267 = arith.addf %add3A_1259, %mul3A_1266 : vector<16xf32>
        %get3A_1268 = arith.index_cast %add3A_1172 : i32 to index
        %get3A_1269 = arith.constant 192 : index
        %get3A_1270 = tpu.vector_load %arg9[%get3A_1268, %get3A_1269] {strides = array<i32>} : memref<128x256xf32, #tpu.memory_space<vmem>>, vector<16xf32>,
        %get3A_1271 = arith.index_cast %add3A_1172 : i32 to index
        %get3A_1272 = arith.constant 192 : index
        %get3A_1273 = tpu.vector_load %arg10[%get3A_1271, %get3A_1272] {strides = array<i32>} : memref<128x256xf32, #tpu.memory_space<vmem>>, vector<16xf32>,
        %mul3A_1274 = arith.mulf %get3A_1270, %get3A_1273 : vector<16xf32>
        %add3A_1275 = arith.addf %add3A_1267, %mul3A_1274 : vector<16xf32>
        %get3A_1276 = arith.index_cast %add3A_1172 : i32 to index
        %get3A_1277 = arith.constant 208 : index
        %get3A_1278 = tpu.vector_load %arg9[%get3A_1276, %get3A_1277] {strides = array<i32>} : memref<128x256xf32, #tpu.memory_space<vmem>>, vector<16xf32>,
        %get3A_1279 = arith.index_cast %add3A_1172 : i32 to index
        %get3A_1280 = arith.constant 208 : index
        %get3A_1281 = tpu.vector_load %arg10[%get3A_1279, %get3A_1280] {strides = array<i32>} : memref<128x256xf32, #tpu.memory_space<vmem>>, vector<16xf32>,
        %mul3A_1282 = arith.mulf %get3A_1278, %get3A_1281 : vector<16xf32>
        %add3A_1283 = arith.addf %add3A_1275, %mul3A_1282 : vector<16xf32>
        %get3A_1284 = arith.index_cast %add3A_1172 : i32 to index
        %get3A_1285 = arith.constant 224 : index
        %get3A_1286 = tpu.vector_load %arg9[%get3A_1284, %get3A_1285] {strides = array<i32>} : memref<128x256xf32, #tpu.memory_space<vmem>>, vector<16xf32>,
        %get3A_1287 = arith.index_cast %add3A_1172 : i32 to index
        %get3A_1288 = arith.constant 224 : index
        %get3A_1289 = tpu.vector_load %arg10[%get3A_1287, %get3A_1288] {strides = array<i32>} : memref<128x256xf32, #tpu.memory_space<vmem>>, vector<16xf32>,
        %mul3A_1290 = arith.mulf %get3A_1286, %get3A_1289 : vector<16xf32>
        %add3A_1291 = arith.addf %add3A_1283, %mul3A_1290 : vector<16xf32>
        %get3A_1292 = arith.index_cast %add3A_1172 : i32 to index
        %get3A_1293 = arith.constant 240 : index
        %get3A_1294 = tpu.vector_load %arg9[%get3A_1292, %get3A_1293] {strides = array<i32>} : memref<128x256xf32, #tpu.memory_space<vmem>>, vector<16xf32>,
        %get3A_1295 = arith.index_cast %add3A_1172 : i32 to index
        %get3A_1296 = arith.constant 240 : index
        %get3A_1297 = tpu.vector_load %arg10[%get3A_1295, %get3A_1296] {strides = array<i32>} : memref<128x256xf32, #tpu.memory_space<vmem>>, vector<16xf32>,
        %mul3A_1298 = arith.mulf %get3A_1294, %get3A_1297 : vector<16xf32>
        %add3A_1299 = arith.addf %add3A_1291, %mul3A_1298 : vector<16xf32>
        %add3A_1300 = arith.constant 8 : i32
        %add3A_1301 = vector.broadcast %add3A_1300 : i32 to vector<16xi32>
        %add3A_1302 = arith.addi %add3A_8, %add3A_1301 : vector<16xi32>
        tpu.vector_store_idx %arg11[%add3A_1302], %add3A_1299 : memref<5312xf32, #tpu.memory_space<vmem>>[vector<16xi32>], vector<16xf32>,
        %mul3A_1303 = arith.constant 16 : i32
        %mul3A_1304 = arith.muli %scan3A_83, %mul3A_1303 : i32
        %add3A_1305 = arith.addi %mul3A_76, %mul3A_1304 : i32
        %add3A_1306 = arith.constant 9 : i32
        %add3A_1307 = arith.addi %add3A_1305, %add3A_1306 : i32
        %get3A_1308 = arith.index_cast %add3A_1307 : i32 to index
        %get3A_1309 = arith.constant 0 : index
        %get3A_1310 = tpu.vector_load %arg9[%get3A_1308, %get3A_1309] {strides = array<i32>} : memref<128x256xf32, #tpu.memory_space<vmem>>, vector<16xf32>,
        %get3A_1311 = arith.index_cast %add3A_1307 : i32 to index
        %get3A_1312 = arith.constant 0 : index
        %get3A_1313 = tpu.vector_load %arg10[%get3A_1311, %get3A_1312] {strides = array<i32>} : memref<128x256xf32, #tpu.memory_space<vmem>>, vector<16xf32>,
        %mul3A_1314 = arith.mulf %get3A_1310, %get3A_1313 : vector<16xf32>
        %get3A_1315 = arith.index_cast %add3A_1307 : i32 to index
        %get3A_1316 = arith.constant 16 : index
        %get3A_1317 = tpu.vector_load %arg9[%get3A_1315, %get3A_1316] {strides = array<i32>} : memref<128x256xf32, #tpu.memory_space<vmem>>, vector<16xf32>,
        %get3A_1318 = arith.index_cast %add3A_1307 : i32 to index
        %get3A_1319 = arith.constant 16 : index
        %get3A_1320 = tpu.vector_load %arg10[%get3A_1318, %get3A_1319] {strides = array<i32>} : memref<128x256xf32, #tpu.memory_space<vmem>>, vector<16xf32>,
        %mul3A_1321 = arith.mulf %get3A_1317, %get3A_1320 : vector<16xf32>
        %add3A_1322 = arith.addf %mul3A_1314, %mul3A_1321 : vector<16xf32>
        %get3A_1323 = arith.index_cast %add3A_1307 : i32 to index
        %get3A_1324 = arith.constant 32 : index
        %get3A_1325 = tpu.vector_load %arg9[%get3A_1323, %get3A_1324] {strides = array<i32>} : memref<128x256xf32, #tpu.memory_space<vmem>>, vector<16xf32>,
        %get3A_1326 = arith.index_cast %add3A_1307 : i32 to index
        %get3A_1327 = arith.constant 32 : index
        %get3A_1328 = tpu.vector_load %arg10[%get3A_1326, %get3A_1327] {strides = array<i32>} : memref<128x256xf32, #tpu.memory_space<vmem>>, vector<16xf32>,
        %mul3A_1329 = arith.mulf %get3A_1325, %get3A_1328 : vector<16xf32>
        %add3A_1330 = arith.addf %add3A_1322, %mul3A_1329 : vector<16xf32>
        %get3A_1331 = arith.index_cast %add3A_1307 : i32 to index
        %get3A_1332 = arith.constant 48 : index
        %get3A_1333 = tpu.vector_load %arg9[%get3A_1331, %get3A_1332] {strides = array<i32>} : memref<128x256xf32, #tpu.memory_space<vmem>>, vector<16xf32>,
        %get3A_1334 = arith.index_cast %add3A_1307 : i32 to index
        %get3A_1335 = arith.constant 48 : index
        %get3A_1336 = tpu.vector_load %arg10[%get3A_1334, %get3A_1335] {strides = array<i32>} : memref<128x256xf32, #tpu.memory_space<vmem>>, vector<16xf32>,
        %mul3A_1337 = arith.mulf %get3A_1333, %get3A_1336 : vector<16xf32>
        %add3A_1338 = arith.addf %add3A_1330, %mul3A_1337 : vector<16xf32>
        %get3A_1339 = arith.index_cast %add3A_1307 : i32 to index
        %get3A_1340 = arith.constant 64 : index
        %get3A_1341 = tpu.vector_load %arg9[%get3A_1339, %get3A_1340] {strides = array<i32>} : memref<128x256xf32, #tpu.memory_space<vmem>>, vector<16xf32>,
        %get3A_1342 = arith.index_cast %add3A_1307 : i32 to index
        %get3A_1343 = arith.constant 64 : index
        %get3A_1344 = tpu.vector_load %arg10[%get3A_1342, %get3A_1343] {strides = array<i32>} : memref<128x256xf32, #tpu.memory_space<vmem>>, vector<16xf32>,
        %mul3A_1345 = arith.mulf %get3A_1341, %get3A_1344 : vector<16xf32>
        %add3A_1346 = arith.addf %add3A_1338, %mul3A_1345 : vector<16xf32>
        %get3A_1347 = arith.index_cast %add3A_1307 : i32 to index
        %get3A_1348 = arith.constant 80 : index
        %get3A_1349 = tpu.vector_load %arg9[%get3A_1347, %get3A_1348] {strides = array<i32>} : memref<128x256xf32, #tpu.memory_space<vmem>>, vector<16xf32>,
        %get3A_1350 = arith.index_cast %add3A_1307 : i32 to index
        %get3A_1351 = arith.constant 80 : index
        %get3A_1352 = tpu.vector_load %arg10[%get3A_1350, %get3A_1351] {strides = array<i32>} : memref<128x256xf32, #tpu.memory_space<vmem>>, vector<16xf32>,
        %mul3A_1353 = arith.mulf %get3A_1349, %get3A_1352 : vector<16xf32>
        %add3A_1354 = arith.addf %add3A_1346, %mul3A_1353 : vector<16xf32>
        %get3A_1355 = arith.index_cast %add3A_1307 : i32 to index
        %get3A_1356 = arith.constant 96 : index
        %get3A_1357 = tpu.vector_load %arg9[%get3A_1355, %get3A_1356] {strides = array<i32>} : memref<128x256xf32, #tpu.memory_space<vmem>>, vector<16xf32>,
        %get3A_1358 = arith.index_cast %add3A_1307 : i32 to index
        %get3A_1359 = arith.constant 96 : index
        %get3A_1360 = tpu.vector_load %arg10[%get3A_1358, %get3A_1359] {strides = array<i32>} : memref<128x256xf32, #tpu.memory_space<vmem>>, vector<16xf32>,
        %mul3A_1361 = arith.mulf %get3A_1357, %get3A_1360 : vector<16xf32>
        %add3A_1362 = arith.addf %add3A_1354, %mul3A_1361 : vector<16xf32>
        %get3A_1363 = arith.index_cast %add3A_1307 : i32 to index
        %get3A_1364 = arith.constant 112 : index
        %get3A_1365 = tpu.vector_load %arg9[%get3A_1363, %get3A_1364] {strides = array<i32>} : memref<128x256xf32, #tpu.memory_space<vmem>>, vector<16xf32>,
        %get3A_1366 = arith.index_cast %add3A_1307 : i32 to index
        %get3A_1367 = arith.constant 112 : index
        %get3A_1368 = tpu.vector_load %arg10[%get3A_1366, %get3A_1367] {strides = array<i32>} : memref<128x256xf32, #tpu.memory_space<vmem>>, vector<16xf32>,
        %mul3A_1369 = arith.mulf %get3A_1365, %get3A_1368 : vector<16xf32>
        %add3A_1370 = arith.addf %add3A_1362, %mul3A_1369 : vector<16xf32>
        %get3A_1371 = arith.index_cast %add3A_1307 : i32 to index
        %get3A_1372 = arith.constant 128 : index
        %get3A_1373 = tpu.vector_load %arg9[%get3A_1371, %get3A_1372] {strides = array<i32>} : memref<128x256xf32, #tpu.memory_space<vmem>>, vector<16xf32>,
        %get3A_1374 = arith.index_cast %add3A_1307 : i32 to index
        %get3A_1375 = arith.constant 128 : index
        %get3A_1376 = tpu.vector_load %arg10[%get3A_1374, %get3A_1375] {strides = array<i32>} : memref<128x256xf32, #tpu.memory_space<vmem>>, vector<16xf32>,
        %mul3A_1377 = arith.mulf %get3A_1373, %get3A_1376 : vector<16xf32>
        %add3A_1378 = arith.addf %add3A_1370, %mul3A_1377 : vector<16xf32>
        %get3A_1379 = arith.index_cast %add3A_1307 : i32 to index
        %get3A_1380 = arith.constant 144 : index
        %get3A_1381 = tpu.vector_load %arg9[%get3A_1379, %get3A_1380] {strides = array<i32>} : memref<128x256xf32, #tpu.memory_space<vmem>>, vector<16xf32>,
        %get3A_1382 = arith.index_cast %add3A_1307 : i32 to index
        %get3A_1383 = arith.constant 144 : index
        %get3A_1384 = tpu.vector_load %arg10[%get3A_1382, %get3A_1383] {strides = array<i32>} : memref<128x256xf32, #tpu.memory_space<vmem>>, vector<16xf32>,
        %mul3A_1385 = arith.mulf %get3A_1381, %get3A_1384 : vector<16xf32>
        %add3A_1386 = arith.addf %add3A_1378, %mul3A_1385 : vector<16xf32>
        %get3A_1387 = arith.index_cast %add3A_1307 : i32 to index
        %get3A_1388 = arith.constant 160 : index
        %get3A_1389 = tpu.vector_load %arg9[%get3A_1387, %get3A_1388] {strides = array<i32>} : memref<128x256xf32, #tpu.memory_space<vmem>>, vector<16xf32>,
        %get3A_1390 = arith.index_cast %add3A_1307 : i32 to index
        %get3A_1391 = arith.constant 160 : index
        %get3A_1392 = tpu.vector_load %arg10[%get3A_1390, %get3A_1391] {strides = array<i32>} : memref<128x256xf32, #tpu.memory_space<vmem>>, vector<16xf32>,
        %mul3A_1393 = arith.mulf %get3A_1389, %get3A_1392 : vector<16xf32>
        %add3A_1394 = arith.addf %add3A_1386, %mul3A_1393 : vector<16xf32>
        %get3A_1395 = arith.index_cast %add3A_1307 : i32 to index
        %get3A_1396 = arith.constant 176 : index
        %get3A_1397 = tpu.vector_load %arg9[%get3A_1395, %get3A_1396] {strides = array<i32>} : memref<128x256xf32, #tpu.memory_space<vmem>>, vector<16xf32>,
        %get3A_1398 = arith.index_cast %add3A_1307 : i32 to index
        %get3A_1399 = arith.constant 176 : index
        %get3A_1400 = tpu.vector_load %arg10[%get3A_1398, %get3A_1399] {strides = array<i32>} : memref<128x256xf32, #tpu.memory_space<vmem>>, vector<16xf32>,
        %mul3A_1401 = arith.mulf %get3A_1397, %get3A_1400 : vector<16xf32>
        %add3A_1402 = arith.addf %add3A_1394, %mul3A_1401 : vector<16xf32>
        %get3A_1403 = arith.index_cast %add3A_1307 : i32 to index
        %get3A_1404 = arith.constant 192 : index
        %get3A_1405 = tpu.vector_load %arg9[%get3A_1403, %get3A_1404] {strides = array<i32>} : memref<128x256xf32, #tpu.memory_space<vmem>>, vector<16xf32>,
        %get3A_1406 = arith.index_cast %add3A_1307 : i32 to index
        %get3A_1407 = arith.constant 192 : index
        %get3A_1408 = tpu.vector_load %arg10[%get3A_1406, %get3A_1407] {strides = array<i32>} : memref<128x256xf32, #tpu.memory_space<vmem>>, vector<16xf32>,
        %mul3A_1409 = arith.mulf %get3A_1405, %get3A_1408 : vector<16xf32>
        %add3A_1410 = arith.addf %add3A_1402, %mul3A_1409 : vector<16xf32>
        %get3A_1411 = arith.index_cast %add3A_1307 : i32 to index
        %get3A_1412 = arith.constant 208 : index
        %get3A_1413 = tpu.vector_load %arg9[%get3A_1411, %get3A_1412] {strides = array<i32>} : memref<128x256xf32, #tpu.memory_space<vmem>>, vector<16xf32>,
        %get3A_1414 = arith.index_cast %add3A_1307 : i32 to index
        %get3A_1415 = arith.constant 208 : index
        %get3A_1416 = tpu.vector_load %arg10[%get3A_1414, %get3A_1415] {strides = array<i32>} : memref<128x256xf32, #tpu.memory_space<vmem>>, vector<16xf32>,
        %mul3A_1417 = arith.mulf %get3A_1413, %get3A_1416 : vector<16xf32>
        %add3A_1418 = arith.addf %add3A_1410, %mul3A_1417 : vector<16xf32>
        %get3A_1419 = arith.index_cast %add3A_1307 : i32 to index
        %get3A_1420 = arith.constant 224 : index
        %get3A_1421 = tpu.vector_load %arg9[%get3A_1419, %get3A_1420] {strides = array<i32>} : memref<128x256xf32, #tpu.memory_space<vmem>>, vector<16xf32>,
        %get3A_1422 = arith.index_cast %add3A_1307 : i32 to index
        %get3A_1423 = arith.constant 224 : index
        %get3A_1424 = tpu.vector_load %arg10[%get3A_1422, %get3A_1423] {strides = array<i32>} : memref<128x256xf32, #tpu.memory_space<vmem>>, vector<16xf32>,
        %mul3A_1425 = arith.mulf %get3A_1421, %get3A_1424 : vector<16xf32>
        %add3A_1426 = arith.addf %add3A_1418, %mul3A_1425 : vector<16xf32>
        %get3A_1427 = arith.index_cast %add3A_1307 : i32 to index
        %get3A_1428 = arith.constant 240 : index
        %get3A_1429 = tpu.vector_load %arg9[%get3A_1427, %get3A_1428] {strides = array<i32>} : memref<128x256xf32, #tpu.memory_space<vmem>>, vector<16xf32>,
        %get3A_1430 = arith.index_cast %add3A_1307 : i32 to index
        %get3A_1431 = arith.constant 240 : index
        %get3A_1432 = tpu.vector_load %arg10[%get3A_1430, %get3A_1431] {strides = array<i32>} : memref<128x256xf32, #tpu.memory_space<vmem>>, vector<16xf32>,
        %mul3A_1433 = arith.mulf %get3A_1429, %get3A_1432 : vector<16xf32>
        %add3A_1434 = arith.addf %add3A_1426, %mul3A_1433 : vector<16xf32>
        %add3A_1435 = arith.constant 9 : i32
        %add3A_1436 = vector.broadcast %add3A_1435 : i32 to vector<16xi32>
        %add3A_1437 = arith.addi %add3A_8, %add3A_1436 : vector<16xi32>
        tpu.vector_store_idx %arg11[%add3A_1437], %add3A_1434 : memref<5312xf32, #tpu.memory_space<vmem>>[vector<16xi32>], vector<16xf32>,
        %mul3A_1438 = arith.constant 16 : i32
        %mul3A_1439 = arith.muli %scan3A_83, %mul3A_1438 : i32
        %add3A_1440 = arith.addi %mul3A_76, %mul3A_1439 : i32
        %add3A_1441 = arith.constant 10 : i32
        %add3A_1442 = arith.addi %add3A_1440, %add3A_1441 : i32
        %get3A_1443 = arith.index_cast %add3A_1442 : i32 to index
        %get3A_1444 = arith.constant 0 : index
        %get3A_1445 = tpu.vector_load %arg9[%get3A_1443, %get3A_1444] {strides = array<i32>} : memref<128x256xf32, #tpu.memory_space<vmem>>, vector<16xf32>,
        %get3A_1446 = arith.index_cast %add3A_1442 : i32 to index
        %get3A_1447 = arith.constant 0 : index
        %get3A_1448 = tpu.vector_load %arg10[%get3A_1446, %get3A_1447] {strides = array<i32>} : memref<128x256xf32, #tpu.memory_space<vmem>>, vector<16xf32>,
        %mul3A_1449 = arith.mulf %get3A_1445, %get3A_1448 : vector<16xf32>
        %get3A_1450 = arith.index_cast %add3A_1442 : i32 to index
        %get3A_1451 = arith.constant 16 : index
        %get3A_1452 = tpu.vector_load %arg9[%get3A_1450, %get3A_1451] {strides = array<i32>} : memref<128x256xf32, #tpu.memory_space<vmem>>, vector<16xf32>,
        %get3A_1453 = arith.index_cast %add3A_1442 : i32 to index
        %get3A_1454 = arith.constant 16 : index
        %get3A_1455 = tpu.vector_load %arg10[%get3A_1453, %get3A_1454] {strides = array<i32>} : memref<128x256xf32, #tpu.memory_space<vmem>>, vector<16xf32>,
        %mul3A_1456 = arith.mulf %get3A_1452, %get3A_1455 : vector<16xf32>
        %add3A_1457 = arith.addf %mul3A_1449, %mul3A_1456 : vector<16xf32>
        %get3A_1458 = arith.index_cast %add3A_1442 : i32 to index
        %get3A_1459 = arith.constant 32 : index
        %get3A_1460 = tpu.vector_load %arg9[%get3A_1458, %get3A_1459] {strides = array<i32>} : memref<128x256xf32, #tpu.memory_space<vmem>>, vector<16xf32>,
        %get3A_1461 = arith.index_cast %add3A_1442 : i32 to index
        %get3A_1462 = arith.constant 32 : index
        %get3A_1463 = tpu.vector_load %arg10[%get3A_1461, %get3A_1462] {strides = array<i32>} : memref<128x256xf32, #tpu.memory_space<vmem>>, vector<16xf32>,
        %mul3A_1464 = arith.mulf %get3A_1460, %get3A_1463 : vector<16xf32>
        %add3A_1465 = arith.addf %add3A_1457, %mul3A_1464 : vector<16xf32>
        %get3A_1466 = arith.index_cast %add3A_1442 : i32 to index
        %get3A_1467 = arith.constant 48 : index
        %get3A_1468 = tpu.vector_load %arg9[%get3A_1466, %get3A_1467] {strides = array<i32>} : memref<128x256xf32, #tpu.memory_space<vmem>>, vector<16xf32>,
        %get3A_1469 = arith.index_cast %add3A_1442 : i32 to index
        %get3A_1470 = arith.constant 48 : index
        %get3A_1471 = tpu.vector_load %arg10[%get3A_1469, %get3A_1470] {strides = array<i32>} : memref<128x256xf32, #tpu.memory_space<vmem>>, vector<16xf32>,
        %mul3A_1472 = arith.mulf %get3A_1468, %get3A_1471 : vector<16xf32>
        %add3A_1473 = arith.addf %add3A_1465, %mul3A_1472 : vector<16xf32>
        %get3A_1474 = arith.index_cast %add3A_1442 : i32 to index
        %get3A_1475 = arith.constant 64 : index
        %get3A_1476 = tpu.vector_load %arg9[%get3A_1474, %get3A_1475] {strides = array<i32>} : memref<128x256xf32, #tpu.memory_space<vmem>>, vector<16xf32>,
        %get3A_1477 = arith.index_cast %add3A_1442 : i32 to index
        %get3A_1478 = arith.constant 64 : index
        %get3A_1479 = tpu.vector_load %arg10[%get3A_1477, %get3A_1478] {strides = array<i32>} : memref<128x256xf32, #tpu.memory_space<vmem>>, vector<16xf32>,
        %mul3A_1480 = arith.mulf %get3A_1476, %get3A_1479 : vector<16xf32>
        %add3A_1481 = arith.addf %add3A_1473, %mul3A_1480 : vector<16xf32>
        %get3A_1482 = arith.index_cast %add3A_1442 : i32 to index
        %get3A_1483 = arith.constant 80 : index
        %get3A_1484 = tpu.vector_load %arg9[%get3A_1482, %get3A_1483] {strides = array<i32>} : memref<128x256xf32, #tpu.memory_space<vmem>>, vector<16xf32>,
        %get3A_1485 = arith.index_cast %add3A_1442 : i32 to index
        %get3A_1486 = arith.constant 80 : index
        %get3A_1487 = tpu.vector_load %arg10[%get3A_1485, %get3A_1486] {strides = array<i32>} : memref<128x256xf32, #tpu.memory_space<vmem>>, vector<16xf32>,
        %mul3A_1488 = arith.mulf %get3A_1484, %get3A_1487 : vector<16xf32>
        %add3A_1489 = arith.addf %add3A_1481, %mul3A_1488 : vector<16xf32>
        %get3A_1490 = arith.index_cast %add3A_1442 : i32 to index
        %get3A_1491 = arith.constant 96 : index
        %get3A_1492 = tpu.vector_load %arg9[%get3A_1490, %get3A_1491] {strides = array<i32>} : memref<128x256xf32, #tpu.memory_space<vmem>>, vector<16xf32>,
        %get3A_1493 = arith.index_cast %add3A_1442 : i32 to index
        %get3A_1494 = arith.constant 96 : index
        %get3A_1495 = tpu.vector_load %arg10[%get3A_1493, %get3A_1494] {strides = array<i32>} : memref<128x256xf32, #tpu.memory_space<vmem>>, vector<16xf32>,
        %mul3A_1496 = arith.mulf %get3A_1492, %get3A_1495 : vector<16xf32>
        %add3A_1497 = arith.addf %add3A_1489, %mul3A_1496 : vector<16xf32>
        %get3A_1498 = arith.index_cast %add3A_1442 : i32 to index
        %get3A_1499 = arith.constant 112 : index
        %get3A_1500 = tpu.vector_load %arg9[%get3A_1498, %get3A_1499] {strides = array<i32>} : memref<128x256xf32, #tpu.memory_space<vmem>>, vector<16xf32>,
        %get3A_1501 = arith.index_cast %add3A_1442 : i32 to index
        %get3A_1502 = arith.constant 112 : index
        %get3A_1503 = tpu.vector_load %arg10[%get3A_1501, %get3A_1502] {strides = array<i32>} : memref<128x256xf32, #tpu.memory_space<vmem>>, vector<16xf32>,
        %mul3A_1504 = arith.mulf %get3A_1500, %get3A_1503 : vector<16xf32>
        %add3A_1505 = arith.addf %add3A_1497, %mul3A_1504 : vector<16xf32>
        %get3A_1506 = arith.index_cast %add3A_1442 : i32 to index
        %get3A_1507 = arith.constant 128 : index
        %get3A_1508 = tpu.vector_load %arg9[%get3A_1506, %get3A_1507] {strides = array<i32>} : memref<128x256xf32, #tpu.memory_space<vmem>>, vector<16xf32>,
        %get3A_1509 = arith.index_cast %add3A_1442 : i32 to index
        %get3A_1510 = arith.constant 128 : index
        %get3A_1511 = tpu.vector_load %arg10[%get3A_1509, %get3A_1510] {strides = array<i32>} : memref<128x256xf32, #tpu.memory_space<vmem>>, vector<16xf32>,
        %mul3A_1512 = arith.mulf %get3A_1508, %get3A_1511 : vector<16xf32>
        %add3A_1513 = arith.addf %add3A_1505, %mul3A_1512 : vector<16xf32>
        %get3A_1514 = arith.index_cast %add3A_1442 : i32 to index
        %get3A_1515 = arith.constant 144 : index
        %get3A_1516 = tpu.vector_load %arg9[%get3A_1514, %get3A_1515] {strides = array<i32>} : memref<128x256xf32, #tpu.memory_space<vmem>>, vector<16xf32>,
        %get3A_1517 = arith.index_cast %add3A_1442 : i32 to index
        %get3A_1518 = arith.constant 144 : index
        %get3A_1519 = tpu.vector_load %arg10[%get3A_1517, %get3A_1518] {strides = array<i32>} : memref<128x256xf32, #tpu.memory_space<vmem>>, vector<16xf32>,
        %mul3A_1520 = arith.mulf %get3A_1516, %get3A_1519 : vector<16xf32>
        %add3A_1521 = arith.addf %add3A_1513, %mul3A_1520 : vector<16xf32>
        %get3A_1522 = arith.index_cast %add3A_1442 : i32 to index
        %get3A_1523 = arith.constant 160 : index
        %get3A_1524 = tpu.vector_load %arg9[%get3A_1522, %get3A_1523] {strides = array<i32>} : memref<128x256xf32, #tpu.memory_space<vmem>>, vector<16xf32>,
        %get3A_1525 = arith.index_cast %add3A_1442 : i32 to index
        %get3A_1526 = arith.constant 160 : index
        %get3A_1527 = tpu.vector_load %arg10[%get3A_1525, %get3A_1526] {strides = array<i32>} : memref<128x256xf32, #tpu.memory_space<vmem>>, vector<16xf32>,
        %mul3A_1528 = arith.mulf %get3A_1524, %get3A_1527 : vector<16xf32>
        %add3A_1529 = arith.addf %add3A_1521, %mul3A_1528 : vector<16xf32>
        %get3A_1530 = arith.index_cast %add3A_1442 : i32 to index
        %get3A_1531 = arith.constant 176 : index
        %get3A_1532 = tpu.vector_load %arg9[%get3A_1530, %get3A_1531] {strides = array<i32>} : memref<128x256xf32, #tpu.memory_space<vmem>>, vector<16xf32>,
        %get3A_1533 = arith.index_cast %add3A_1442 : i32 to index
        %get3A_1534 = arith.constant 176 : index
        %get3A_1535 = tpu.vector_load %arg10[%get3A_1533, %get3A_1534] {strides = array<i32>} : memref<128x256xf32, #tpu.memory_space<vmem>>, vector<16xf32>,
        %mul3A_1536 = arith.mulf %get3A_1532, %get3A_1535 : vector<16xf32>
        %add3A_1537 = arith.addf %add3A_1529, %mul3A_1536 : vector<16xf32>
        %get3A_1538 = arith.index_cast %add3A_1442 : i32 to index
        %get3A_1539 = arith.constant 192 : index
        %get3A_1540 = tpu.vector_load %arg9[%get3A_1538, %get3A_1539] {strides = array<i32>} : memref<128x256xf32, #tpu.memory_space<vmem>>, vector<16xf32>,
        %get3A_1541 = arith.index_cast %add3A_1442 : i32 to index
        %get3A_1542 = arith.constant 192 : index
        %get3A_1543 = tpu.vector_load %arg10[%get3A_1541, %get3A_1542] {strides = array<i32>} : memref<128x256xf32, #tpu.memory_space<vmem>>, vector<16xf32>,
        %mul3A_1544 = arith.mulf %get3A_1540, %get3A_1543 : vector<16xf32>
        %add3A_1545 = arith.addf %add3A_1537, %mul3A_1544 : vector<16xf32>
        %get3A_1546 = arith.index_cast %add3A_1442 : i32 to index
        %get3A_1547 = arith.constant 208 : index
        %get3A_1548 = tpu.vector_load %arg9[%get3A_1546, %get3A_1547] {strides = array<i32>} : memref<128x256xf32, #tpu.memory_space<vmem>>, vector<16xf32>,
        %get3A_1549 = arith.index_cast %add3A_1442 : i32 to index
        %get3A_1550 = arith.constant 208 : index
        %get3A_1551 = tpu.vector_load %arg10[%get3A_1549, %get3A_1550] {strides = array<i32>} : memref<128x256xf32, #tpu.memory_space<vmem>>, vector<16xf32>,
        %mul3A_1552 = arith.mulf %get3A_1548, %get3A_1551 : vector<16xf32>
        %add3A_1553 = arith.addf %add3A_1545, %mul3A_1552 : vector<16xf32>
        %get3A_1554 = arith.index_cast %add3A_1442 : i32 to index
        %get3A_1555 = arith.constant 224 : index
        %get3A_1556 = tpu.vector_load %arg9[%get3A_1554, %get3A_1555] {strides = array<i32>} : memref<128x256xf32, #tpu.memory_space<vmem>>, vector<16xf32>,
        %get3A_1557 = arith.index_cast %add3A_1442 : i32 to index
        %get3A_1558 = arith.constant 224 : index
        %get3A_1559 = tpu.vector_load %arg10[%get3A_1557, %get3A_1558] {strides = array<i32>} : memref<128x256xf32, #tpu.memory_space<vmem>>, vector<16xf32>,
        %mul3A_1560 = arith.mulf %get3A_1556, %get3A_1559 : vector<16xf32>
        %add3A_1561 = arith.addf %add3A_1553, %mul3A_1560 : vector<16xf32>
        %get3A_1562 = arith.index_cast %add3A_1442 : i32 to index
        %get3A_1563 = arith.constant 240 : index
        %get3A_1564 = tpu.vector_load %arg9[%get3A_1562, %get3A_1563] {strides = array<i32>} : memref<128x256xf32, #tpu.memory_space<vmem>>, vector<16xf32>,
        %get3A_1565 = arith.index_cast %add3A_1442 : i32 to index
        %get3A_1566 = arith.constant 240 : index
        %get3A_1567 = tpu.vector_load %arg10[%get3A_1565, %get3A_1566] {strides = array<i32>} : memref<128x256xf32, #tpu.memory_space<vmem>>, vector<16xf32>,
        %mul3A_1568 = arith.mulf %get3A_1564, %get3A_1567 : vector<16xf32>
        %add3A_1569 = arith.addf %add3A_1561, %mul3A_1568 : vector<16xf32>
        %add3A_1570 = arith.constant 10 : i32
        %add3A_1571 = vector.broadcast %add3A_1570 : i32 to vector<16xi32>
        %add3A_1572 = arith.addi %add3A_8, %add3A_1571 : vector<16xi32>
        tpu.vector_store_idx %arg11[%add3A_1572], %add3A_1569 : memref<5312xf32, #tpu.memory_space<vmem>>[vector<16xi32>], vector<16xf32>,
        %mul3A_1573 = arith.constant 16 : i32
        %mul3A_1574 = arith.muli %scan3A_83, %mul3A_1573 : i32
        %add3A_1575 = arith.addi %mul3A_76, %mul3A_1574 : i32
        %add3A_1576 = arith.constant 11 : i32
        %add3A_1577 = arith.addi %add3A_1575, %add3A_1576 : i32
        %get3A_1578 = arith.index_cast %add3A_1577 : i32 to index
        %get3A_1579 = arith.constant 0 : index
        %get3A_1580 = tpu.vector_load %arg9[%get3A_1578, %get3A_1579] {strides = array<i32>} : memref<128x256xf32, #tpu.memory_space<vmem>>, vector<16xf32>,
        %get3A_1581 = arith.index_cast %add3A_1577 : i32 to index
        %get3A_1582 = arith.constant 0 : index
        %get3A_1583 = tpu.vector_load %arg10[%get3A_1581, %get3A_1582] {strides = array<i32>} : memref<128x256xf32, #tpu.memory_space<vmem>>, vector<16xf32>,
        %mul3A_1584 = arith.mulf %get3A_1580, %get3A_1583 : vector<16xf32>
        %get3A_1585 = arith.index_cast %add3A_1577 : i32 to index
        %get3A_1586 = arith.constant 16 : index
        %get3A_1587 = tpu.vector_load %arg9[%get3A_1585, %get3A_1586] {strides = array<i32>} : memref<128x256xf32, #tpu.memory_space<vmem>>, vector<16xf32>,
        %get3A_1588 = arith.index_cast %add3A_1577 : i32 to index
        %get3A_1589 = arith.constant 16 : index
        %get3A_1590 = tpu.vector_load %arg10[%get3A_1588, %get3A_1589] {strides = array<i32>} : memref<128x256xf32, #tpu.memory_space<vmem>>, vector<16xf32>,
        %mul3A_1591 = arith.mulf %get3A_1587, %get3A_1590 : vector<16xf32>
        %add3A_1592 = arith.addf %mul3A_1584, %mul3A_1591 : vector<16xf32>
        %get3A_1593 = arith.index_cast %add3A_1577 : i32 to index
        %get3A_1594 = arith.constant 32 : index
        %get3A_1595 = tpu.vector_load %arg9[%get3A_1593, %get3A_1594] {strides = array<i32>} : memref<128x256xf32, #tpu.memory_space<vmem>>, vector<16xf32>,
        %get3A_1596 = arith.index_cast %add3A_1577 : i32 to index
        %get3A_1597 = arith.constant 32 : index
        %get3A_1598 = tpu.vector_load %arg10[%get3A_1596, %get3A_1597] {strides = array<i32>} : memref<128x256xf32, #tpu.memory_space<vmem>>, vector<16xf32>,
        %mul3A_1599 = arith.mulf %get3A_1595, %get3A_1598 : vector<16xf32>
        %add3A_1600 = arith.addf %add3A_1592, %mul3A_1599 : vector<16xf32>
        %get3A_1601 = arith.index_cast %add3A_1577 : i32 to index
        %get3A_1602 = arith.constant 48 : index
        %get3A_1603 = tpu.vector_load %arg9[%get3A_1601, %get3A_1602] {strides = array<i32>} : memref<128x256xf32, #tpu.memory_space<vmem>>, vector<16xf32>,
        %get3A_1604 = arith.index_cast %add3A_1577 : i32 to index
        %get3A_1605 = arith.constant 48 : index
        %get3A_1606 = tpu.vector_load %arg10[%get3A_1604, %get3A_1605] {strides = array<i32>} : memref<128x256xf32, #tpu.memory_space<vmem>>, vector<16xf32>,
        %mul3A_1607 = arith.mulf %get3A_1603, %get3A_1606 : vector<16xf32>
        %add3A_1608 = arith.addf %add3A_1600, %mul3A_1607 : vector<16xf32>
        %get3A_1609 = arith.index_cast %add3A_1577 : i32 to index
        %get3A_1610 = arith.constant 64 : index
        %get3A_1611 = tpu.vector_load %arg9[%get3A_1609, %get3A_1610] {strides = array<i32>} : memref<128x256xf32, #tpu.memory_space<vmem>>, vector<16xf32>,
        %get3A_1612 = arith.index_cast %add3A_1577 : i32 to index
        %get3A_1613 = arith.constant 64 : index
        %get3A_1614 = tpu.vector_load %arg10[%get3A_1612, %get3A_1613] {strides = array<i32>} : memref<128x256xf32, #tpu.memory_space<vmem>>, vector<16xf32>,
        %mul3A_1615 = arith.mulf %get3A_1611, %get3A_1614 : vector<16xf32>
        %add3A_1616 = arith.addf %add3A_1608, %mul3A_1615 : vector<16xf32>
        %get3A_1617 = arith.index_cast %add3A_1577 : i32 to index
        %get3A_1618 = arith.constant 80 : index
        %get3A_1619 = tpu.vector_load %arg9[%get3A_1617, %get3A_1618] {strides = array<i32>} : memref<128x256xf32, #tpu.memory_space<vmem>>, vector<16xf32>,
        %get3A_1620 = arith.index_cast %add3A_1577 : i32 to index
        %get3A_1621 = arith.constant 80 : index
        %get3A_1622 = tpu.vector_load %arg10[%get3A_1620, %get3A_1621] {strides = array<i32>} : memref<128x256xf32, #tpu.memory_space<vmem>>, vector<16xf32>,
        %mul3A_1623 = arith.mulf %get3A_1619, %get3A_1622 : vector<16xf32>
        %add3A_1624 = arith.addf %add3A_1616, %mul3A_1623 : vector<16xf32>
        %get3A_1625 = arith.index_cast %add3A_1577 : i32 to index
        %get3A_1626 = arith.constant 96 : index
        %get3A_1627 = tpu.vector_load %arg9[%get3A_1625, %get3A_1626] {strides = array<i32>} : memref<128x256xf32, #tpu.memory_space<vmem>>, vector<16xf32>,
        %get3A_1628 = arith.index_cast %add3A_1577 : i32 to index
        %get3A_1629 = arith.constant 96 : index
        %get3A_1630 = tpu.vector_load %arg10[%get3A_1628, %get3A_1629] {strides = array<i32>} : memref<128x256xf32, #tpu.memory_space<vmem>>, vector<16xf32>,
        %mul3A_1631 = arith.mulf %get3A_1627, %get3A_1630 : vector<16xf32>
        %add3A_1632 = arith.addf %add3A_1624, %mul3A_1631 : vector<16xf32>
        %get3A_1633 = arith.index_cast %add3A_1577 : i32 to index
        %get3A_1634 = arith.constant 112 : index
        %get3A_1635 = tpu.vector_load %arg9[%get3A_1633, %get3A_1634] {strides = array<i32>} : memref<128x256xf32, #tpu.memory_space<vmem>>, vector<16xf32>,
        %get3A_1636 = arith.index_cast %add3A_1577 : i32 to index
        %get3A_1637 = arith.constant 112 : index
        %get3A_1638 = tpu.vector_load %arg10[%get3A_1636, %get3A_1637] {strides = array<i32>} : memref<128x256xf32, #tpu.memory_space<vmem>>, vector<16xf32>,
        %mul3A_1639 = arith.mulf %get3A_1635, %get3A_1638 : vector<16xf32>
        %add3A_1640 = arith.addf %add3A_1632, %mul3A_1639 : vector<16xf32>
        %get3A_1641 = arith.index_cast %add3A_1577 : i32 to index
        %get3A_1642 = arith.constant 128 : index
        %get3A_1643 = tpu.vector_load %arg9[%get3A_1641, %get3A_1642] {strides = array<i32>} : memref<128x256xf32, #tpu.memory_space<vmem>>, vector<16xf32>,
        %get3A_1644 = arith.index_cast %add3A_1577 : i32 to index
        %get3A_1645 = arith.constant 128 : index
        %get3A_1646 = tpu.vector_load %arg10[%get3A_1644, %get3A_1645] {strides = array<i32>} : memref<128x256xf32, #tpu.memory_space<vmem>>, vector<16xf32>,
        %mul3A_1647 = arith.mulf %get3A_1643, %get3A_1646 : vector<16xf32>
        %add3A_1648 = arith.addf %add3A_1640, %mul3A_1647 : vector<16xf32>
        %get3A_1649 = arith.index_cast %add3A_1577 : i32 to index
        %get3A_1650 = arith.constant 144 : index
        %get3A_1651 = tpu.vector_load %arg9[%get3A_1649, %get3A_1650] {strides = array<i32>} : memref<128x256xf32, #tpu.memory_space<vmem>>, vector<16xf32>,
        %get3A_1652 = arith.index_cast %add3A_1577 : i32 to index
        %get3A_1653 = arith.constant 144 : index
        %get3A_1654 = tpu.vector_load %arg10[%get3A_1652, %get3A_1653] {strides = array<i32>} : memref<128x256xf32, #tpu.memory_space<vmem>>, vector<16xf32>,
        %mul3A_1655 = arith.mulf %get3A_1651, %get3A_1654 : vector<16xf32>
        %add3A_1656 = arith.addf %add3A_1648, %mul3A_1655 : vector<16xf32>
        %get3A_1657 = arith.index_cast %add3A_1577 : i32 to index
        %get3A_1658 = arith.constant 160 : index
        %get3A_1659 = tpu.vector_load %arg9[%get3A_1657, %get3A_1658] {strides = array<i32>} : memref<128x256xf32, #tpu.memory_space<vmem>>, vector<16xf32>,
        %get3A_1660 = arith.index_cast %add3A_1577 : i32 to index
        %get3A_1661 = arith.constant 160 : index
        %get3A_1662 = tpu.vector_load %arg10[%get3A_1660, %get3A_1661] {strides = array<i32>} : memref<128x256xf32, #tpu.memory_space<vmem>>, vector<16xf32>,
        %mul3A_1663 = arith.mulf %get3A_1659, %get3A_1662 : vector<16xf32>
        %add3A_1664 = arith.addf %add3A_1656, %mul3A_1663 : vector<16xf32>
        %get3A_1665 = arith.index_cast %add3A_1577 : i32 to index
        %get3A_1666 = arith.constant 176 : index
        %get3A_1667 = tpu.vector_load %arg9[%get3A_1665, %get3A_1666] {strides = array<i32>} : memref<128x256xf32, #tpu.memory_space<vmem>>, vector<16xf32>,
        %get3A_1668 = arith.index_cast %add3A_1577 : i32 to index
        %get3A_1669 = arith.constant 176 : index
        %get3A_1670 = tpu.vector_load %arg10[%get3A_1668, %get3A_1669] {strides = array<i32>} : memref<128x256xf32, #tpu.memory_space<vmem>>, vector<16xf32>,
        %mul3A_1671 = arith.mulf %get3A_1667, %get3A_1670 : vector<16xf32>
        %add3A_1672 = arith.addf %add3A_1664, %mul3A_1671 : vector<16xf32>
        %get3A_1673 = arith.index_cast %add3A_1577 : i32 to index
        %get3A_1674 = arith.constant 192 : index
        %get3A_1675 = tpu.vector_load %arg9[%get3A_1673, %get3A_1674] {strides = array<i32>} : memref<128x256xf32, #tpu.memory_space<vmem>>, vector<16xf32>,
        %get3A_1676 = arith.index_cast %add3A_1577 : i32 to index
        %get3A_1677 = arith.constant 192 : index
        %get3A_1678 = tpu.vector_load %arg10[%get3A_1676, %get3A_1677] {strides = array<i32>} : memref<128x256xf32, #tpu.memory_space<vmem>>, vector<16xf32>,
        %mul3A_1679 = arith.mulf %get3A_1675, %get3A_1678 : vector<16xf32>
        %add3A_1680 = arith.addf %add3A_1672, %mul3A_1679 : vector<16xf32>
        %get3A_1681 = arith.index_cast %add3A_1577 : i32 to index
        %get3A_1682 = arith.constant 208 : index
        %get3A_1683 = tpu.vector_load %arg9[%get3A_1681, %get3A_1682] {strides = array<i32>} : memref<128x256xf32, #tpu.memory_space<vmem>>, vector<16xf32>,
        %get3A_1684 = arith.index_cast %add3A_1577 : i32 to index
        %get3A_1685 = arith.constant 208 : index
        %get3A_1686 = tpu.vector_load %arg10[%get3A_1684, %get3A_1685] {strides = array<i32>} : memref<128x256xf32, #tpu.memory_space<vmem>>, vector<16xf32>,
        %mul3A_1687 = arith.mulf %get3A_1683, %get3A_1686 : vector<16xf32>
        %add3A_1688 = arith.addf %add3A_1680, %mul3A_1687 : vector<16xf32>
        %get3A_1689 = arith.index_cast %add3A_1577 : i32 to index
        %get3A_1690 = arith.constant 224 : index
        %get3A_1691 = tpu.vector_load %arg9[%get3A_1689, %get3A_1690] {strides = array<i32>} : memref<128x256xf32, #tpu.memory_space<vmem>>, vector<16xf32>,
        %get3A_1692 = arith.index_cast %add3A_1577 : i32 to index
        %get3A_1693 = arith.constant 224 : index
        %get3A_1694 = tpu.vector_load %arg10[%get3A_1692, %get3A_1693] {strides = array<i32>} : memref<128x256xf32, #tpu.memory_space<vmem>>, vector<16xf32>,
        %mul3A_1695 = arith.mulf %get3A_1691, %get3A_1694 : vector<16xf32>
        %add3A_1696 = arith.addf %add3A_1688, %mul3A_1695 : vector<16xf32>
        %get3A_1697 = arith.index_cast %add3A_1577 : i32 to index
        %get3A_1698 = arith.constant 240 : index
        %get3A_1699 = tpu.vector_load %arg9[%get3A_1697, %get3A_1698] {strides = array<i32>} : memref<128x256xf32, #tpu.memory_space<vmem>>, vector<16xf32>,
        %get3A_1700 = arith.index_cast %add3A_1577 : i32 to index
        %get3A_1701 = arith.constant 240 : index
        %get3A_1702 = tpu.vector_load %arg10[%get3A_1700, %get3A_1701] {strides = array<i32>} : memref<128x256xf32, #tpu.memory_space<vmem>>, vector<16xf32>,
        %mul3A_1703 = arith.mulf %get3A_1699, %get3A_1702 : vector<16xf32>
        %add3A_1704 = arith.addf %add3A_1696, %mul3A_1703 : vector<16xf32>
        %add3A_1705 = arith.constant 11 : i32
        %add3A_1706 = vector.broadcast %add3A_1705 : i32 to vector<16xi32>
        %add3A_1707 = arith.addi %add3A_8, %add3A_1706 : vector<16xi32>
        tpu.vector_store_idx %arg11[%add3A_1707], %add3A_1704 : memref<5312xf32, #tpu.memory_space<vmem>>[vector<16xi32>], vector<16xf32>,
        %mul3A_1708 = arith.constant 16 : i32
        %mul3A_1709 = arith.muli %scan3A_83, %mul3A_1708 : i32
        %add3A_1710 = arith.addi %mul3A_76, %mul3A_1709 : i32
        %add3A_1711 = arith.constant 12 : i32
        %add3A_1712 = arith.addi %add3A_1710, %add3A_1711 : i32
        %get3A_1713 = arith.index_cast %add3A_1712 : i32 to index
        %get3A_1714 = arith.constant 0 : index
        %get3A_1715 = tpu.vector_load %arg9[%get3A_1713, %get3A_1714] {strides = array<i32>} : memref<128x256xf32, #tpu.memory_space<vmem>>, vector<16xf32>,
        %get3A_1716 = arith.index_cast %add3A_1712 : i32 to index
        %get3A_1717 = arith.constant 0 : index
        %get3A_1718 = tpu.vector_load %arg10[%get3A_1716, %get3A_1717] {strides = array<i32>} : memref<128x256xf32, #tpu.memory_space<vmem>>, vector<16xf32>,
        %mul3A_1719 = arith.mulf %get3A_1715, %get3A_1718 : vector<16xf32>
        %get3A_1720 = arith.index_cast %add3A_1712 : i32 to index
        %get3A_1721 = arith.constant 16 : index
        %get3A_1722 = tpu.vector_load %arg9[%get3A_1720, %get3A_1721] {strides = array<i32>} : memref<128x256xf32, #tpu.memory_space<vmem>>, vector<16xf32>,
        %get3A_1723 = arith.index_cast %add3A_1712 : i32 to index
        %get3A_1724 = arith.constant 16 : index
        %get3A_1725 = tpu.vector_load %arg10[%get3A_1723, %get3A_1724] {strides = array<i32>} : memref<128x256xf32, #tpu.memory_space<vmem>>, vector<16xf32>,
        %mul3A_1726 = arith.mulf %get3A_1722, %get3A_1725 : vector<16xf32>
        %add3A_1727 = arith.addf %mul3A_1719, %mul3A_1726 : vector<16xf32>
        %get3A_1728 = arith.index_cast %add3A_1712 : i32 to index
        %get3A_1729 = arith.constant 32 : index
        %get3A_1730 = tpu.vector_load %arg9[%get3A_1728, %get3A_1729] {strides = array<i32>} : memref<128x256xf32, #tpu.memory_space<vmem>>, vector<16xf32>,
        %get3A_1731 = arith.index_cast %add3A_1712 : i32 to index
        %get3A_1732 = arith.constant 32 : index
        %get3A_1733 = tpu.vector_load %arg10[%get3A_1731, %get3A_1732] {strides = array<i32>} : memref<128x256xf32, #tpu.memory_space<vmem>>, vector<16xf32>,
        %mul3A_1734 = arith.mulf %get3A_1730, %get3A_1733 : vector<16xf32>
        %add3A_1735 = arith.addf %add3A_1727, %mul3A_1734 : vector<16xf32>
        %get3A_1736 = arith.index_cast %add3A_1712 : i32 to index
        %get3A_1737 = arith.constant 48 : index
        %get3A_1738 = tpu.vector_load %arg9[%get3A_1736, %get3A_1737] {strides = array<i32>} : memref<128x256xf32, #tpu.memory_space<vmem>>, vector<16xf32>,
        %get3A_1739 = arith.index_cast %add3A_1712 : i32 to index
        %get3A_1740 = arith.constant 48 : index
        %get3A_1741 = tpu.vector_load %arg10[%get3A_1739, %get3A_1740] {strides = array<i32>} : memref<128x256xf32, #tpu.memory_space<vmem>>, vector<16xf32>,
        %mul3A_1742 = arith.mulf %get3A_1738, %get3A_1741 : vector<16xf32>
        %add3A_1743 = arith.addf %add3A_1735, %mul3A_1742 : vector<16xf32>
        %get3A_1744 = arith.index_cast %add3A_1712 : i32 to index
        %get3A_1745 = arith.constant 64 : index
        %get3A_1746 = tpu.vector_load %arg9[%get3A_1744, %get3A_1745] {strides = array<i32>} : memref<128x256xf32, #tpu.memory_space<vmem>>, vector<16xf32>,
        %get3A_1747 = arith.index_cast %add3A_1712 : i32 to index
        %get3A_1748 = arith.constant 64 : index
        %get3A_1749 = tpu.vector_load %arg10[%get3A_1747, %get3A_1748] {strides = array<i32>} : memref<128x256xf32, #tpu.memory_space<vmem>>, vector<16xf32>,
        %mul3A_1750 = arith.mulf %get3A_1746, %get3A_1749 : vector<16xf32>
        %add3A_1751 = arith.addf %add3A_1743, %mul3A_1750 : vector<16xf32>
        %get3A_1752 = arith.index_cast %add3A_1712 : i32 to index
        %get3A_1753 = arith.constant 80 : index
        %get3A_1754 = tpu.vector_load %arg9[%get3A_1752, %get3A_1753] {strides = array<i32>} : memref<128x256xf32, #tpu.memory_space<vmem>>, vector<16xf32>,
        %get3A_1755 = arith.index_cast %add3A_1712 : i32 to index
        %get3A_1756 = arith.constant 80 : index
        %get3A_1757 = tpu.vector_load %arg10[%get3A_1755, %get3A_1756] {strides = array<i32>} : memref<128x256xf32, #tpu.memory_space<vmem>>, vector<16xf32>,
        %mul3A_1758 = arith.mulf %get3A_1754, %get3A_1757 : vector<16xf32>
        %add3A_1759 = arith.addf %add3A_1751, %mul3A_1758 : vector<16xf32>
        %get3A_1760 = arith.index_cast %add3A_1712 : i32 to index
        %get3A_1761 = arith.constant 96 : index
        %get3A_1762 = tpu.vector_load %arg9[%get3A_1760, %get3A_1761] {strides = array<i32>} : memref<128x256xf32, #tpu.memory_space<vmem>>, vector<16xf32>,
        %get3A_1763 = arith.index_cast %add3A_1712 : i32 to index
        %get3A_1764 = arith.constant 96 : index
        %get3A_1765 = tpu.vector_load %arg10[%get3A_1763, %get3A_1764] {strides = array<i32>} : memref<128x256xf32, #tpu.memory_space<vmem>>, vector<16xf32>,
        %mul3A_1766 = arith.mulf %get3A_1762, %get3A_1765 : vector<16xf32>
        %add3A_1767 = arith.addf %add3A_1759, %mul3A_1766 : vector<16xf32>
        %get3A_1768 = arith.index_cast %add3A_1712 : i32 to index
        %get3A_1769 = arith.constant 112 : index
        %get3A_1770 = tpu.vector_load %arg9[%get3A_1768, %get3A_1769] {strides = array<i32>} : memref<128x256xf32, #tpu.memory_space<vmem>>, vector<16xf32>,
        %get3A_1771 = arith.index_cast %add3A_1712 : i32 to index
        %get3A_1772 = arith.constant 112 : index
        %get3A_1773 = tpu.vector_load %arg10[%get3A_1771, %get3A_1772] {strides = array<i32>} : memref<128x256xf32, #tpu.memory_space<vmem>>, vector<16xf32>,
        %mul3A_1774 = arith.mulf %get3A_1770, %get3A_1773 : vector<16xf32>
        %add3A_1775 = arith.addf %add3A_1767, %mul3A_1774 : vector<16xf32>
        %get3A_1776 = arith.index_cast %add3A_1712 : i32 to index
        %get3A_1777 = arith.constant 128 : index
        %get3A_1778 = tpu.vector_load %arg9[%get3A_1776, %get3A_1777] {strides = array<i32>} : memref<128x256xf32, #tpu.memory_space<vmem>>, vector<16xf32>,
        %get3A_1779 = arith.index_cast %add3A_1712 : i32 to index
        %get3A_1780 = arith.constant 128 : index
        %get3A_1781 = tpu.vector_load %arg10[%get3A_1779, %get3A_1780] {strides = array<i32>} : memref<128x256xf32, #tpu.memory_space<vmem>>, vector<16xf32>,
        %mul3A_1782 = arith.mulf %get3A_1778, %get3A_1781 : vector<16xf32>
        %add3A_1783 = arith.addf %add3A_1775, %mul3A_1782 : vector<16xf32>
        %get3A_1784 = arith.index_cast %add3A_1712 : i32 to index
        %get3A_1785 = arith.constant 144 : index
        %get3A_1786 = tpu.vector_load %arg9[%get3A_1784, %get3A_1785] {strides = array<i32>} : memref<128x256xf32, #tpu.memory_space<vmem>>, vector<16xf32>,
        %get3A_1787 = arith.index_cast %add3A_1712 : i32 to index
        %get3A_1788 = arith.constant 144 : index
        %get3A_1789 = tpu.vector_load %arg10[%get3A_1787, %get3A_1788] {strides = array<i32>} : memref<128x256xf32, #tpu.memory_space<vmem>>, vector<16xf32>,
        %mul3A_1790 = arith.mulf %get3A_1786, %get3A_1789 : vector<16xf32>
        %add3A_1791 = arith.addf %add3A_1783, %mul3A_1790 : vector<16xf32>
        %get3A_1792 = arith.index_cast %add3A_1712 : i32 to index
        %get3A_1793 = arith.constant 160 : index
        %get3A_1794 = tpu.vector_load %arg9[%get3A_1792, %get3A_1793] {strides = array<i32>} : memref<128x256xf32, #tpu.memory_space<vmem>>, vector<16xf32>,
        %get3A_1795 = arith.index_cast %add3A_1712 : i32 to index
        %get3A_1796 = arith.constant 160 : index
        %get3A_1797 = tpu.vector_load %arg10[%get3A_1795, %get3A_1796] {strides = array<i32>} : memref<128x256xf32, #tpu.memory_space<vmem>>, vector<16xf32>,
        %mul3A_1798 = arith.mulf %get3A_1794, %get3A_1797 : vector<16xf32>
        %add3A_1799 = arith.addf %add3A_1791, %mul3A_1798 : vector<16xf32>
        %get3A_1800 = arith.index_cast %add3A_1712 : i32 to index
        %get3A_1801 = arith.constant 176 : index
        %get3A_1802 = tpu.vector_load %arg9[%get3A_1800, %get3A_1801] {strides = array<i32>} : memref<128x256xf32, #tpu.memory_space<vmem>>, vector<16xf32>,
        %get3A_1803 = arith.index_cast %add3A_1712 : i32 to index
        %get3A_1804 = arith.constant 176 : index
        %get3A_1805 = tpu.vector_load %arg10[%get3A_1803, %get3A_1804] {strides = array<i32>} : memref<128x256xf32, #tpu.memory_space<vmem>>, vector<16xf32>,
        %mul3A_1806 = arith.mulf %get3A_1802, %get3A_1805 : vector<16xf32>
        %add3A_1807 = arith.addf %add3A_1799, %mul3A_1806 : vector<16xf32>
        %get3A_1808 = arith.index_cast %add3A_1712 : i32 to index
        %get3A_1809 = arith.constant 192 : index
        %get3A_1810 = tpu.vector_load %arg9[%get3A_1808, %get3A_1809] {strides = array<i32>} : memref<128x256xf32, #tpu.memory_space<vmem>>, vector<16xf32>,
        %get3A_1811 = arith.index_cast %add3A_1712 : i32 to index
        %get3A_1812 = arith.constant 192 : index
        %get3A_1813 = tpu.vector_load %arg10[%get3A_1811, %get3A_1812] {strides = array<i32>} : memref<128x256xf32, #tpu.memory_space<vmem>>, vector<16xf32>,
        %mul3A_1814 = arith.mulf %get3A_1810, %get3A_1813 : vector<16xf32>
        %add3A_1815 = arith.addf %add3A_1807, %mul3A_1814 : vector<16xf32>
        %get3A_1816 = arith.index_cast %add3A_1712 : i32 to index
        %get3A_1817 = arith.constant 208 : index
        %get3A_1818 = tpu.vector_load %arg9[%get3A_1816, %get3A_1817] {strides = array<i32>} : memref<128x256xf32, #tpu.memory_space<vmem>>, vector<16xf32>,
        %get3A_1819 = arith.index_cast %add3A_1712 : i32 to index
        %get3A_1820 = arith.constant 208 : index
        %get3A_1821 = tpu.vector_load %arg10[%get3A_1819, %get3A_1820] {strides = array<i32>} : memref<128x256xf32, #tpu.memory_space<vmem>>, vector<16xf32>,
        %mul3A_1822 = arith.mulf %get3A_1818, %get3A_1821 : vector<16xf32>
        %add3A_1823 = arith.addf %add3A_1815, %mul3A_1822 : vector<16xf32>
        %get3A_1824 = arith.index_cast %add3A_1712 : i32 to index
        %get3A_1825 = arith.constant 224 : index
        %get3A_1826 = tpu.vector_load %arg9[%get3A_1824, %get3A_1825] {strides = array<i32>} : memref<128x256xf32, #tpu.memory_space<vmem>>, vector<16xf32>,
        %get3A_1827 = arith.index_cast %add3A_1712 : i32 to index
        %get3A_1828 = arith.constant 224 : index
        %get3A_1829 = tpu.vector_load %arg10[%get3A_1827, %get3A_1828] {strides = array<i32>} : memref<128x256xf32, #tpu.memory_space<vmem>>, vector<16xf32>,
        %mul3A_1830 = arith.mulf %get3A_1826, %get3A_1829 : vector<16xf32>
        %add3A_1831 = arith.addf %add3A_1823, %mul3A_1830 : vector<16xf32>
        %get3A_1832 = arith.index_cast %add3A_1712 : i32 to index
        %get3A_1833 = arith.constant 240 : index
        %get3A_1834 = tpu.vector_load %arg9[%get3A_1832, %get3A_1833] {strides = array<i32>} : memref<128x256xf32, #tpu.memory_space<vmem>>, vector<16xf32>,
        %get3A_1835 = arith.index_cast %add3A_1712 : i32 to index
        %get3A_1836 = arith.constant 240 : index
        %get3A_1837 = tpu.vector_load %arg10[%get3A_1835, %get3A_1836] {strides = array<i32>} : memref<128x256xf32, #tpu.memory_space<vmem>>, vector<16xf32>,
        %mul3A_1838 = arith.mulf %get3A_1834, %get3A_1837 : vector<16xf32>
        %add3A_1839 = arith.addf %add3A_1831, %mul3A_1838 : vector<16xf32>
        %add3A_1840 = arith.constant 12 : i32
        %add3A_1841 = vector.broadcast %add3A_1840 : i32 to vector<16xi32>
        %add3A_1842 = arith.addi %add3A_8, %add3A_1841 : vector<16xi32>
        tpu.vector_store_idx %arg11[%add3A_1842], %add3A_1839 : memref<5312xf32, #tpu.memory_space<vmem>>[vector<16xi32>], vector<16xf32>,
        %mul3A_1843 = arith.constant 16 : i32
        %mul3A_1844 = arith.muli %scan3A_83, %mul3A_1843 : i32
        %add3A_1845 = arith.addi %mul3A_76, %mul3A_1844 : i32
        %add3A_1846 = arith.constant 13 : i32
        %add3A_1847 = arith.addi %add3A_1845, %add3A_1846 : i32
        %get3A_1848 = arith.index_cast %add3A_1847 : i32 to index
        %get3A_1849 = arith.constant 0 : index
        %get3A_1850 = tpu.vector_load %arg9[%get3A_1848, %get3A_1849] {strides = array<i32>} : memref<128x256xf32, #tpu.memory_space<vmem>>, vector<16xf32>,
        %get3A_1851 = arith.index_cast %add3A_1847 : i32 to index
        %get3A_1852 = arith.constant 0 : index
        %get3A_1853 = tpu.vector_load %arg10[%get3A_1851, %get3A_1852] {strides = array<i32>} : memref<128x256xf32, #tpu.memory_space<vmem>>, vector<16xf32>,
        %mul3A_1854 = arith.mulf %get3A_1850, %get3A_1853 : vector<16xf32>
        %get3A_1855 = arith.index_cast %add3A_1847 : i32 to index
        %get3A_1856 = arith.constant 16 : index
        %get3A_1857 = tpu.vector_load %arg9[%get3A_1855, %get3A_1856] {strides = array<i32>} : memref<128x256xf32, #tpu.memory_space<vmem>>, vector<16xf32>,
        %get3A_1858 = arith.index_cast %add3A_1847 : i32 to index
        %get3A_1859 = arith.constant 16 : index
        %get3A_1860 = tpu.vector_load %arg10[%get3A_1858, %get3A_1859] {strides = array<i32>} : memref<128x256xf32, #tpu.memory_space<vmem>>, vector<16xf32>,
        %mul3A_1861 = arith.mulf %get3A_1857, %get3A_1860 : vector<16xf32>
        %add3A_1862 = arith.addf %mul3A_1854, %mul3A_1861 : vector<16xf32>
        %get3A_1863 = arith.index_cast %add3A_1847 : i32 to index
        %get3A_1864 = arith.constant 32 : index
        %get3A_1865 = tpu.vector_load %arg9[%get3A_1863, %get3A_1864] {strides = array<i32>} : memref<128x256xf32, #tpu.memory_space<vmem>>, vector<16xf32>,
        %get3A_1866 = arith.index_cast %add3A_1847 : i32 to index
        %get3A_1867 = arith.constant 32 : index
        %get3A_1868 = tpu.vector_load %arg10[%get3A_1866, %get3A_1867] {strides = array<i32>} : memref<128x256xf32, #tpu.memory_space<vmem>>, vector<16xf32>,
        %mul3A_1869 = arith.mulf %get3A_1865, %get3A_1868 : vector<16xf32>
        %add3A_1870 = arith.addf %add3A_1862, %mul3A_1869 : vector<16xf32>
        %get3A_1871 = arith.index_cast %add3A_1847 : i32 to index
        %get3A_1872 = arith.constant 48 : index
        %get3A_1873 = tpu.vector_load %arg9[%get3A_1871, %get3A_1872] {strides = array<i32>} : memref<128x256xf32, #tpu.memory_space<vmem>>, vector<16xf32>,
        %get3A_1874 = arith.index_cast %add3A_1847 : i32 to index
        %get3A_1875 = arith.constant 48 : index
        %get3A_1876 = tpu.vector_load %arg10[%get3A_1874, %get3A_1875] {strides = array<i32>} : memref<128x256xf32, #tpu.memory_space<vmem>>, vector<16xf32>,
        %mul3A_1877 = arith.mulf %get3A_1873, %get3A_1876 : vector<16xf32>
        %add3A_1878 = arith.addf %add3A_1870, %mul3A_1877 : vector<16xf32>
        %get3A_1879 = arith.index_cast %add3A_1847 : i32 to index
        %get3A_1880 = arith.constant 64 : index
        %get3A_1881 = tpu.vector_load %arg9[%get3A_1879, %get3A_1880] {strides = array<i32>} : memref<128x256xf32, #tpu.memory_space<vmem>>, vector<16xf32>,
        %get3A_1882 = arith.index_cast %add3A_1847 : i32 to index
        %get3A_1883 = arith.constant 64 : index
        %get3A_1884 = tpu.vector_load %arg10[%get3A_1882, %get3A_1883] {strides = array<i32>} : memref<128x256xf32, #tpu.memory_space<vmem>>, vector<16xf32>,
        %mul3A_1885 = arith.mulf %get3A_1881, %get3A_1884 : vector<16xf32>
        %add3A_1886 = arith.addf %add3A_1878, %mul3A_1885 : vector<16xf32>
        %get3A_1887 = arith.index_cast %add3A_1847 : i32 to index
        %get3A_1888 = arith.constant 80 : index
        %get3A_1889 = tpu.vector_load %arg9[%get3A_1887, %get3A_1888] {strides = array<i32>} : memref<128x256xf32, #tpu.memory_space<vmem>>, vector<16xf32>,
        %get3A_1890 = arith.index_cast %add3A_1847 : i32 to index
        %get3A_1891 = arith.constant 80 : index
        %get3A_1892 = tpu.vector_load %arg10[%get3A_1890, %get3A_1891] {strides = array<i32>} : memref<128x256xf32, #tpu.memory_space<vmem>>, vector<16xf32>,
        %mul3A_1893 = arith.mulf %get3A_1889, %get3A_1892 : vector<16xf32>
        %add3A_1894 = arith.addf %add3A_1886, %mul3A_1893 : vector<16xf32>
        %get3A_1895 = arith.index_cast %add3A_1847 : i32 to index
        %get3A_1896 = arith.constant 96 : index
        %get3A_1897 = tpu.vector_load %arg9[%get3A_1895, %get3A_1896] {strides = array<i32>} : memref<128x256xf32, #tpu.memory_space<vmem>>, vector<16xf32>,
        %get3A_1898 = arith.index_cast %add3A_1847 : i32 to index
        %get3A_1899 = arith.constant 96 : index
        %get3A_1900 = tpu.vector_load %arg10[%get3A_1898, %get3A_1899] {strides = array<i32>} : memref<128x256xf32, #tpu.memory_space<vmem>>, vector<16xf32>,
        %mul3A_1901 = arith.mulf %get3A_1897, %get3A_1900 : vector<16xf32>
        %add3A_1902 = arith.addf %add3A_1894, %mul3A_1901 : vector<16xf32>
        %get3A_1903 = arith.index_cast %add3A_1847 : i32 to index
        %get3A_1904 = arith.constant 112 : index
        %get3A_1905 = tpu.vector_load %arg9[%get3A_1903, %get3A_1904] {strides = array<i32>} : memref<128x256xf32, #tpu.memory_space<vmem>>, vector<16xf32>,
        %get3A_1906 = arith.index_cast %add3A_1847 : i32 to index
        %get3A_1907 = arith.constant 112 : index
        %get3A_1908 = tpu.vector_load %arg10[%get3A_1906, %get3A_1907] {strides = array<i32>} : memref<128x256xf32, #tpu.memory_space<vmem>>, vector<16xf32>,
        %mul3A_1909 = arith.mulf %get3A_1905, %get3A_1908 : vector<16xf32>
        %add3A_1910 = arith.addf %add3A_1902, %mul3A_1909 : vector<16xf32>
        %get3A_1911 = arith.index_cast %add3A_1847 : i32 to index
        %get3A_1912 = arith.constant 128 : index
        %get3A_1913 = tpu.vector_load %arg9[%get3A_1911, %get3A_1912] {strides = array<i32>} : memref<128x256xf32, #tpu.memory_space<vmem>>, vector<16xf32>,
        %get3A_1914 = arith.index_cast %add3A_1847 : i32 to index
        %get3A_1915 = arith.constant 128 : index
        %get3A_1916 = tpu.vector_load %arg10[%get3A_1914, %get3A_1915] {strides = array<i32>} : memref<128x256xf32, #tpu.memory_space<vmem>>, vector<16xf32>,
        %mul3A_1917 = arith.mulf %get3A_1913, %get3A_1916 : vector<16xf32>
        %add3A_1918 = arith.addf %add3A_1910, %mul3A_1917 : vector<16xf32>
        %get3A_1919 = arith.index_cast %add3A_1847 : i32 to index
        %get3A_1920 = arith.constant 144 : index
        %get3A_1921 = tpu.vector_load %arg9[%get3A_1919, %get3A_1920] {strides = array<i32>} : memref<128x256xf32, #tpu.memory_space<vmem>>, vector<16xf32>,
        %get3A_1922 = arith.index_cast %add3A_1847 : i32 to index
        %get3A_1923 = arith.constant 144 : index
        %get3A_1924 = tpu.vector_load %arg10[%get3A_1922, %get3A_1923] {strides = array<i32>} : memref<128x256xf32, #tpu.memory_space<vmem>>, vector<16xf32>,
        %mul3A_1925 = arith.mulf %get3A_1921, %get3A_1924 : vector<16xf32>
        %add3A_1926 = arith.addf %add3A_1918, %mul3A_1925 : vector<16xf32>
        %get3A_1927 = arith.index_cast %add3A_1847 : i32 to index
        %get3A_1928 = arith.constant 160 : index
        %get3A_1929 = tpu.vector_load %arg9[%get3A_1927, %get3A_1928] {strides = array<i32>} : memref<128x256xf32, #tpu.memory_space<vmem>>, vector<16xf32>,
        %get3A_1930 = arith.index_cast %add3A_1847 : i32 to index
        %get3A_1931 = arith.constant 160 : index
        %get3A_1932 = tpu.vector_load %arg10[%get3A_1930, %get3A_1931] {strides = array<i32>} : memref<128x256xf32, #tpu.memory_space<vmem>>, vector<16xf32>,
        %mul3A_1933 = arith.mulf %get3A_1929, %get3A_1932 : vector<16xf32>
        %add3A_1934 = arith.addf %add3A_1926, %mul3A_1933 : vector<16xf32>
        %get3A_1935 = arith.index_cast %add3A_1847 : i32 to index
        %get3A_1936 = arith.constant 176 : index
        %get3A_1937 = tpu.vector_load %arg9[%get3A_1935, %get3A_1936] {strides = array<i32>} : memref<128x256xf32, #tpu.memory_space<vmem>>, vector<16xf32>,
        %get3A_1938 = arith.index_cast %add3A_1847 : i32 to index
        %get3A_1939 = arith.constant 176 : index
        %get3A_1940 = tpu.vector_load %arg10[%get3A_1938, %get3A_1939] {strides = array<i32>} : memref<128x256xf32, #tpu.memory_space<vmem>>, vector<16xf32>,
        %mul3A_1941 = arith.mulf %get3A_1937, %get3A_1940 : vector<16xf32>
        %add3A_1942 = arith.addf %add3A_1934, %mul3A_1941 : vector<16xf32>
        %get3A_1943 = arith.index_cast %add3A_1847 : i32 to index
        %get3A_1944 = arith.constant 192 : index
        %get3A_1945 = tpu.vector_load %arg9[%get3A_1943, %get3A_1944] {strides = array<i32>} : memref<128x256xf32, #tpu.memory_space<vmem>>, vector<16xf32>,
        %get3A_1946 = arith.index_cast %add3A_1847 : i32 to index
        %get3A_1947 = arith.constant 192 : index
        %get3A_1948 = tpu.vector_load %arg10[%get3A_1946, %get3A_1947] {strides = array<i32>} : memref<128x256xf32, #tpu.memory_space<vmem>>, vector<16xf32>,
        %mul3A_1949 = arith.mulf %get3A_1945, %get3A_1948 : vector<16xf32>
        %add3A_1950 = arith.addf %add3A_1942, %mul3A_1949 : vector<16xf32>
        %get3A_1951 = arith.index_cast %add3A_1847 : i32 to index
        %get3A_1952 = arith.constant 208 : index
        %get3A_1953 = tpu.vector_load %arg9[%get3A_1951, %get3A_1952] {strides = array<i32>} : memref<128x256xf32, #tpu.memory_space<vmem>>, vector<16xf32>,
        %get3A_1954 = arith.index_cast %add3A_1847 : i32 to index
        %get3A_1955 = arith.constant 208 : index
        %get3A_1956 = tpu.vector_load %arg10[%get3A_1954, %get3A_1955] {strides = array<i32>} : memref<128x256xf32, #tpu.memory_space<vmem>>, vector<16xf32>,
        %mul3A_1957 = arith.mulf %get3A_1953, %get3A_1956 : vector<16xf32>
        %add3A_1958 = arith.addf %add3A_1950, %mul3A_1957 : vector<16xf32>
        %get3A_1959 = arith.index_cast %add3A_1847 : i32 to index
        %get3A_1960 = arith.constant 224 : index
        %get3A_1961 = tpu.vector_load %arg9[%get3A_1959, %get3A_1960] {strides = array<i32>} : memref<128x256xf32, #tpu.memory_space<vmem>>, vector<16xf32>,
        %get3A_1962 = arith.index_cast %add3A_1847 : i32 to index
        %get3A_1963 = arith.constant 224 : index
        %get3A_1964 = tpu.vector_load %arg10[%get3A_1962, %get3A_1963] {strides = array<i32>} : memref<128x256xf32, #tpu.memory_space<vmem>>, vector<16xf32>,
        %mul3A_1965 = arith.mulf %get3A_1961, %get3A_1964 : vector<16xf32>
        %add3A_1966 = arith.addf %add3A_1958, %mul3A_1965 : vector<16xf32>
        %get3A_1967 = arith.index_cast %add3A_1847 : i32 to index
        %get3A_1968 = arith.constant 240 : index
        %get3A_1969 = tpu.vector_load %arg9[%get3A_1967, %get3A_1968] {strides = array<i32>} : memref<128x256xf32, #tpu.memory_space<vmem>>, vector<16xf32>,
        %get3A_1970 = arith.index_cast %add3A_1847 : i32 to index
        %get3A_1971 = arith.constant 240 : index
        %get3A_1972 = tpu.vector_load %arg10[%get3A_1970, %get3A_1971] {strides = array<i32>} : memref<128x256xf32, #tpu.memory_space<vmem>>, vector<16xf32>,
        %mul3A_1973 = arith.mulf %get3A_1969, %get3A_1972 : vector<16xf32>
        %add3A_1974 = arith.addf %add3A_1966, %mul3A_1973 : vector<16xf32>
        %add3A_1975 = arith.constant 13 : i32
        %add3A_1976 = vector.broadcast %add3A_1975 : i32 to vector<16xi32>
        %add3A_1977 = arith.addi %add3A_8, %add3A_1976 : vector<16xi32>
        tpu.vector_store_idx %arg11[%add3A_1977], %add3A_1974 : memref<5312xf32, #tpu.memory_space<vmem>>[vector<16xi32>], vector<16xf32>,
        %mul3A_1978 = arith.constant 16 : i32
        %mul3A_1979 = arith.muli %scan3A_83, %mul3A_1978 : i32
        %add3A_1980 = arith.addi %mul3A_76, %mul3A_1979 : i32
        %add3A_1981 = arith.constant 14 : i32
        %add3A_1982 = arith.addi %add3A_1980, %add3A_1981 : i32
        %get3A_1983 = arith.index_cast %add3A_1982 : i32 to index
        %get3A_1984 = arith.constant 0 : index
        %get3A_1985 = tpu.vector_load %arg9[%get3A_1983, %get3A_1984] {strides = array<i32>} : memref<128x256xf32, #tpu.memory_space<vmem>>, vector<16xf32>,
        %get3A_1986 = arith.index_cast %add3A_1982 : i32 to index
        %get3A_1987 = arith.constant 0 : index
        %get3A_1988 = tpu.vector_load %arg10[%get3A_1986, %get3A_1987] {strides = array<i32>} : memref<128x256xf32, #tpu.memory_space<vmem>>, vector<16xf32>,
        %mul3A_1989 = arith.mulf %get3A_1985, %get3A_1988 : vector<16xf32>
        %get3A_1990 = arith.index_cast %add3A_1982 : i32 to index
        %get3A_1991 = arith.constant 16 : index
        %get3A_1992 = tpu.vector_load %arg9[%get3A_1990, %get3A_1991] {strides = array<i32>} : memref<128x256xf32, #tpu.memory_space<vmem>>, vector<16xf32>,
        %get3A_1993 = arith.index_cast %add3A_1982 : i32 to index
        %get3A_1994 = arith.constant 16 : index
        %get3A_1995 = tpu.vector_load %arg10[%get3A_1993, %get3A_1994] {strides = array<i32>} : memref<128x256xf32, #tpu.memory_space<vmem>>, vector<16xf32>,
        %mul3A_1996 = arith.mulf %get3A_1992, %get3A_1995 : vector<16xf32>
        %add3A_1997 = arith.addf %mul3A_1989, %mul3A_1996 : vector<16xf32>
        %get3A_1998 = arith.index_cast %add3A_1982 : i32 to index
        %get3A_1999 = arith.constant 32 : index
        %get3A_2000 = tpu.vector_load %arg9[%get3A_1998, %get3A_1999] {strides = array<i32>} : memref<128x256xf32, #tpu.memory_space<vmem>>, vector<16xf32>,
        %get3A_2001 = arith.index_cast %add3A_1982 : i32 to index
        %get3A_2002 = arith.constant 32 : index
        %get3A_2003 = tpu.vector_load %arg10[%get3A_2001, %get3A_2002] {strides = array<i32>} : memref<128x256xf32, #tpu.memory_space<vmem>>, vector<16xf32>,
        %mul3A_2004 = arith.mulf %get3A_2000, %get3A_2003 : vector<16xf32>
        %add3A_2005 = arith.addf %add3A_1997, %mul3A_2004 : vector<16xf32>
        %get3A_2006 = arith.index_cast %add3A_1982 : i32 to index
        %get3A_2007 = arith.constant 48 : index
        %get3A_2008 = tpu.vector_load %arg9[%get3A_2006, %get3A_2007] {strides = array<i32>} : memref<128x256xf32, #tpu.memory_space<vmem>>, vector<16xf32>,
        %get3A_2009 = arith.index_cast %add3A_1982 : i32 to index
        %get3A_2010 = arith.constant 48 : index
        %get3A_2011 = tpu.vector_load %arg10[%get3A_2009, %get3A_2010] {strides = array<i32>} : memref<128x256xf32, #tpu.memory_space<vmem>>, vector<16xf32>,
        %mul3A_2012 = arith.mulf %get3A_2008, %get3A_2011 : vector<16xf32>
        %add3A_2013 = arith.addf %add3A_2005, %mul3A_2012 : vector<16xf32>
        %get3A_2014 = arith.index_cast %add3A_1982 : i32 to index
        %get3A_2015 = arith.constant 64 : index
        %get3A_2016 = tpu.vector_load %arg9[%get3A_2014, %get3A_2015] {strides = array<i32>} : memref<128x256xf32, #tpu.memory_space<vmem>>, vector<16xf32>,
        %get3A_2017 = arith.index_cast %add3A_1982 : i32 to index
        %get3A_2018 = arith.constant 64 : index
        %get3A_2019 = tpu.vector_load %arg10[%get3A_2017, %get3A_2018] {strides = array<i32>} : memref<128x256xf32, #tpu.memory_space<vmem>>, vector<16xf32>,
        %mul3A_2020 = arith.mulf %get3A_2016, %get3A_2019 : vector<16xf32>
        %add3A_2021 = arith.addf %add3A_2013, %mul3A_2020 : vector<16xf32>
        %get3A_2022 = arith.index_cast %add3A_1982 : i32 to index
        %get3A_2023 = arith.constant 80 : index
        %get3A_2024 = tpu.vector_load %arg9[%get3A_2022, %get3A_2023] {strides = array<i32>} : memref<128x256xf32, #tpu.memory_space<vmem>>, vector<16xf32>,
        %get3A_2025 = arith.index_cast %add3A_1982 : i32 to index
        %get3A_2026 = arith.constant 80 : index
        %get3A_2027 = tpu.vector_load %arg10[%get3A_2025, %get3A_2026] {strides = array<i32>} : memref<128x256xf32, #tpu.memory_space<vmem>>, vector<16xf32>,
        %mul3A_2028 = arith.mulf %get3A_2024, %get3A_2027 : vector<16xf32>
        %add3A_2029 = arith.addf %add3A_2021, %mul3A_2028 : vector<16xf32>
        %get3A_2030 = arith.index_cast %add3A_1982 : i32 to index
        %get3A_2031 = arith.constant 96 : index
        %get3A_2032 = tpu.vector_load %arg9[%get3A_2030, %get3A_2031] {strides = array<i32>} : memref<128x256xf32, #tpu.memory_space<vmem>>, vector<16xf32>,
        %get3A_2033 = arith.index_cast %add3A_1982 : i32 to index
        %get3A_2034 = arith.constant 96 : index
        %get3A_2035 = tpu.vector_load %arg10[%get3A_2033, %get3A_2034] {strides = array<i32>} : memref<128x256xf32, #tpu.memory_space<vmem>>, vector<16xf32>,
        %mul3A_2036 = arith.mulf %get3A_2032, %get3A_2035 : vector<16xf32>
        %add3A_2037 = arith.addf %add3A_2029, %mul3A_2036 : vector<16xf32>
        %get3A_2038 = arith.index_cast %add3A_1982 : i32 to index
        %get3A_2039 = arith.constant 112 : index
        %get3A_2040 = tpu.vector_load %arg9[%get3A_2038, %get3A_2039] {strides = array<i32>} : memref<128x256xf32, #tpu.memory_space<vmem>>, vector<16xf32>,
        %get3A_2041 = arith.index_cast %add3A_1982 : i32 to index
        %get3A_2042 = arith.constant 112 : index
        %get3A_2043 = tpu.vector_load %arg10[%get3A_2041, %get3A_2042] {strides = array<i32>} : memref<128x256xf32, #tpu.memory_space<vmem>>, vector<16xf32>,
        %mul3A_2044 = arith.mulf %get3A_2040, %get3A_2043 : vector<16xf32>
        %add3A_2045 = arith.addf %add3A_2037, %mul3A_2044 : vector<16xf32>
        %get3A_2046 = arith.index_cast %add3A_1982 : i32 to index
        %get3A_2047 = arith.constant 128 : index
        %get3A_2048 = tpu.vector_load %arg9[%get3A_2046, %get3A_2047] {strides = array<i32>} : memref<128x256xf32, #tpu.memory_space<vmem>>, vector<16xf32>,
        %get3A_2049 = arith.index_cast %add3A_1982 : i32 to index
        %get3A_2050 = arith.constant 128 : index
        %get3A_2051 = tpu.vector_load %arg10[%get3A_2049, %get3A_2050] {strides = array<i32>} : memref<128x256xf32, #tpu.memory_space<vmem>>, vector<16xf32>,
        %mul3A_2052 = arith.mulf %get3A_2048, %get3A_2051 : vector<16xf32>
        %add3A_2053 = arith.addf %add3A_2045, %mul3A_2052 : vector<16xf32>
        %get3A_2054 = arith.index_cast %add3A_1982 : i32 to index
        %get3A_2055 = arith.constant 144 : index
        %get3A_2056 = tpu.vector_load %arg9[%get3A_2054, %get3A_2055] {strides = array<i32>} : memref<128x256xf32, #tpu.memory_space<vmem>>, vector<16xf32>,
        %get3A_2057 = arith.index_cast %add3A_1982 : i32 to index
        %get3A_2058 = arith.constant 144 : index
        %get3A_2059 = tpu.vector_load %arg10[%get3A_2057, %get3A_2058] {strides = array<i32>} : memref<128x256xf32, #tpu.memory_space<vmem>>, vector<16xf32>,
        %mul3A_2060 = arith.mulf %get3A_2056, %get3A_2059 : vector<16xf32>
        %add3A_2061 = arith.addf %add3A_2053, %mul3A_2060 : vector<16xf32>
        %get3A_2062 = arith.index_cast %add3A_1982 : i32 to index
        %get3A_2063 = arith.constant 160 : index
        %get3A_2064 = tpu.vector_load %arg9[%get3A_2062, %get3A_2063] {strides = array<i32>} : memref<128x256xf32, #tpu.memory_space<vmem>>, vector<16xf32>,
        %get3A_2065 = arith.index_cast %add3A_1982 : i32 to index
        %get3A_2066 = arith.constant 160 : index
        %get3A_2067 = tpu.vector_load %arg10[%get3A_2065, %get3A_2066] {strides = array<i32>} : memref<128x256xf32, #tpu.memory_space<vmem>>, vector<16xf32>,
        %mul3A_2068 = arith.mulf %get3A_2064, %get3A_2067 : vector<16xf32>
        %add3A_2069 = arith.addf %add3A_2061, %mul3A_2068 : vector<16xf32>
        %get3A_2070 = arith.index_cast %add3A_1982 : i32 to index
        %get3A_2071 = arith.constant 176 : index
        %get3A_2072 = tpu.vector_load %arg9[%get3A_2070, %get3A_2071] {strides = array<i32>} : memref<128x256xf32, #tpu.memory_space<vmem>>, vector<16xf32>,
        %get3A_2073 = arith.index_cast %add3A_1982 : i32 to index
        %get3A_2074 = arith.constant 176 : index
        %get3A_2075 = tpu.vector_load %arg10[%get3A_2073, %get3A_2074] {strides = array<i32>} : memref<128x256xf32, #tpu.memory_space<vmem>>, vector<16xf32>,
        %mul3A_2076 = arith.mulf %get3A_2072, %get3A_2075 : vector<16xf32>
        %add3A_2077 = arith.addf %add3A_2069, %mul3A_2076 : vector<16xf32>
        %get3A_2078 = arith.index_cast %add3A_1982 : i32 to index
        %get3A_2079 = arith.constant 192 : index
        %get3A_2080 = tpu.vector_load %arg9[%get3A_2078, %get3A_2079] {strides = array<i32>} : memref<128x256xf32, #tpu.memory_space<vmem>>, vector<16xf32>,
        %get3A_2081 = arith.index_cast %add3A_1982 : i32 to index
        %get3A_2082 = arith.constant 192 : index
        %get3A_2083 = tpu.vector_load %arg10[%get3A_2081, %get3A_2082] {strides = array<i32>} : memref<128x256xf32, #tpu.memory_space<vmem>>, vector<16xf32>,
        %mul3A_2084 = arith.mulf %get3A_2080, %get3A_2083 : vector<16xf32>
        %add3A_2085 = arith.addf %add3A_2077, %mul3A_2084 : vector<16xf32>
        %get3A_2086 = arith.index_cast %add3A_1982 : i32 to index
        %get3A_2087 = arith.constant 208 : index
        %get3A_2088 = tpu.vector_load %arg9[%get3A_2086, %get3A_2087] {strides = array<i32>} : memref<128x256xf32, #tpu.memory_space<vmem>>, vector<16xf32>,
        %get3A_2089 = arith.index_cast %add3A_1982 : i32 to index
        %get3A_2090 = arith.constant 208 : index
        %get3A_2091 = tpu.vector_load %arg10[%get3A_2089, %get3A_2090] {strides = array<i32>} : memref<128x256xf32, #tpu.memory_space<vmem>>, vector<16xf32>,
        %mul3A_2092 = arith.mulf %get3A_2088, %get3A_2091 : vector<16xf32>
        %add3A_2093 = arith.addf %add3A_2085, %mul3A_2092 : vector<16xf32>
        %get3A_2094 = arith.index_cast %add3A_1982 : i32 to index
        %get3A_2095 = arith.constant 224 : index
        %get3A_2096 = tpu.vector_load %arg9[%get3A_2094, %get3A_2095] {strides = array<i32>} : memref<128x256xf32, #tpu.memory_space<vmem>>, vector<16xf32>,
        %get3A_2097 = arith.index_cast %add3A_1982 : i32 to index
        %get3A_2098 = arith.constant 224 : index
        %get3A_2099 = tpu.vector_load %arg10[%get3A_2097, %get3A_2098] {strides = array<i32>} : memref<128x256xf32, #tpu.memory_space<vmem>>, vector<16xf32>,
        %mul3A_2100 = arith.mulf %get3A_2096, %get3A_2099 : vector<16xf32>
        %add3A_2101 = arith.addf %add3A_2093, %mul3A_2100 : vector<16xf32>
        %get3A_2102 = arith.index_cast %add3A_1982 : i32 to index
        %get3A_2103 = arith.constant 240 : index
        %get3A_2104 = tpu.vector_load %arg9[%get3A_2102, %get3A_2103] {strides = array<i32>} : memref<128x256xf32, #tpu.memory_space<vmem>>, vector<16xf32>,
        %get3A_2105 = arith.index_cast %add3A_1982 : i32 to index
        %get3A_2106 = arith.constant 240 : index
        %get3A_2107 = tpu.vector_load %arg10[%get3A_2105, %get3A_2106] {strides = array<i32>} : memref<128x256xf32, #tpu.memory_space<vmem>>, vector<16xf32>,
        %mul3A_2108 = arith.mulf %get3A_2104, %get3A_2107 : vector<16xf32>
        %add3A_2109 = arith.addf %add3A_2101, %mul3A_2108 : vector<16xf32>
        %add3A_2110 = arith.constant 14 : i32
        %add3A_2111 = vector.broadcast %add3A_2110 : i32 to vector<16xi32>
        %add3A_2112 = arith.addi %add3A_8, %add3A_2111 : vector<16xi32>
        tpu.vector_store_idx %arg11[%add3A_2112], %add3A_2109 : memref<5312xf32, #tpu.memory_space<vmem>>[vector<16xi32>], vector<16xf32>,
        %mul3A_2113 = arith.constant 16 : i32
        %mul3A_2114 = arith.muli %scan3A_83, %mul3A_2113 : i32
        %add3A_2115 = arith.addi %mul3A_76, %mul3A_2114 : i32
        %add3A_2116 = arith.constant 15 : i32
        %add3A_2117 = arith.addi %add3A_2115, %add3A_2116 : i32
        %get3A_2118 = arith.index_cast %add3A_2117 : i32 to index
        %get3A_2119 = arith.constant 0 : index
        %get3A_2120 = tpu.vector_load %arg9[%get3A_2118, %get3A_2119] {strides = array<i32>} : memref<128x256xf32, #tpu.memory_space<vmem>>, vector<16xf32>,
        %get3A_2121 = arith.index_cast %add3A_2117 : i32 to index
        %get3A_2122 = arith.constant 0 : index
        %get3A_2123 = tpu.vector_load %arg10[%get3A_2121, %get3A_2122] {strides = array<i32>} : memref<128x256xf32, #tpu.memory_space<vmem>>, vector<16xf32>,
        %mul3A_2124 = arith.mulf %get3A_2120, %get3A_2123 : vector<16xf32>
        %get3A_2125 = arith.index_cast %add3A_2117 : i32 to index
        %get3A_2126 = arith.constant 16 : index
        %get3A_2127 = tpu.vector_load %arg9[%get3A_2125, %get3A_2126] {strides = array<i32>} : memref<128x256xf32, #tpu.memory_space<vmem>>, vector<16xf32>,
        %get3A_2128 = arith.index_cast %add3A_2117 : i32 to index
        %get3A_2129 = arith.constant 16 : index
        %get3A_2130 = tpu.vector_load %arg10[%get3A_2128, %get3A_2129] {strides = array<i32>} : memref<128x256xf32, #tpu.memory_space<vmem>>, vector<16xf32>,
        %mul3A_2131 = arith.mulf %get3A_2127, %get3A_2130 : vector<16xf32>
        %add3A_2132 = arith.addf %mul3A_2124, %mul3A_2131 : vector<16xf32>
        %get3A_2133 = arith.index_cast %add3A_2117 : i32 to index
        %get3A_2134 = arith.constant 32 : index
        %get3A_2135 = tpu.vector_load %arg9[%get3A_2133, %get3A_2134] {strides = array<i32>} : memref<128x256xf32, #tpu.memory_space<vmem>>, vector<16xf32>,
        %get3A_2136 = arith.index_cast %add3A_2117 : i32 to index
        %get3A_2137 = arith.constant 32 : index
        %get3A_2138 = tpu.vector_load %arg10[%get3A_2136, %get3A_2137] {strides = array<i32>} : memref<128x256xf32, #tpu.memory_space<vmem>>, vector<16xf32>,
        %mul3A_2139 = arith.mulf %get3A_2135, %get3A_2138 : vector<16xf32>
        %add3A_2140 = arith.addf %add3A_2132, %mul3A_2139 : vector<16xf32>
        %get3A_2141 = arith.index_cast %add3A_2117 : i32 to index
        %get3A_2142 = arith.constant 48 : index
        %get3A_2143 = tpu.vector_load %arg9[%get3A_2141, %get3A_2142] {strides = array<i32>} : memref<128x256xf32, #tpu.memory_space<vmem>>, vector<16xf32>,
        %get3A_2144 = arith.index_cast %add3A_2117 : i32 to index
        %get3A_2145 = arith.constant 48 : index
        %get3A_2146 = tpu.vector_load %arg10[%get3A_2144, %get3A_2145] {strides = array<i32>} : memref<128x256xf32, #tpu.memory_space<vmem>>, vector<16xf32>,
        %mul3A_2147 = arith.mulf %get3A_2143, %get3A_2146 : vector<16xf32>
        %add3A_2148 = arith.addf %add3A_2140, %mul3A_2147 : vector<16xf32>
        %get3A_2149 = arith.index_cast %add3A_2117 : i32 to index
        %get3A_2150 = arith.constant 64 : index
        %get3A_2151 = tpu.vector_load %arg9[%get3A_2149, %get3A_2150] {strides = array<i32>} : memref<128x256xf32, #tpu.memory_space<vmem>>, vector<16xf32>,
        %get3A_2152 = arith.index_cast %add3A_2117 : i32 to index
        %get3A_2153 = arith.constant 64 : index
        %get3A_2154 = tpu.vector_load %arg10[%get3A_2152, %get3A_2153] {strides = array<i32>} : memref<128x256xf32, #tpu.memory_space<vmem>>, vector<16xf32>,
        %mul3A_2155 = arith.mulf %get3A_2151, %get3A_2154 : vector<16xf32>
        %add3A_2156 = arith.addf %add3A_2148, %mul3A_2155 : vector<16xf32>
        %get3A_2157 = arith.index_cast %add3A_2117 : i32 to index
        %get3A_2158 = arith.constant 80 : index
        %get3A_2159 = tpu.vector_load %arg9[%get3A_2157, %get3A_2158] {strides = array<i32>} : memref<128x256xf32, #tpu.memory_space<vmem>>, vector<16xf32>,
        %get3A_2160 = arith.index_cast %add3A_2117 : i32 to index
        %get3A_2161 = arith.constant 80 : index
        %get3A_2162 = tpu.vector_load %arg10[%get3A_2160, %get3A_2161] {strides = array<i32>} : memref<128x256xf32, #tpu.memory_space<vmem>>, vector<16xf32>,
        %mul3A_2163 = arith.mulf %get3A_2159, %get3A_2162 : vector<16xf32>
        %add3A_2164 = arith.addf %add3A_2156, %mul3A_2163 : vector<16xf32>
        %get3A_2165 = arith.index_cast %add3A_2117 : i32 to index
        %get3A_2166 = arith.constant 96 : index
        %get3A_2167 = tpu.vector_load %arg9[%get3A_2165, %get3A_2166] {strides = array<i32>} : memref<128x256xf32, #tpu.memory_space<vmem>>, vector<16xf32>,
        %get3A_2168 = arith.index_cast %add3A_2117 : i32 to index
        %get3A_2169 = arith.constant 96 : index
        %get3A_2170 = tpu.vector_load %arg10[%get3A_2168, %get3A_2169] {strides = array<i32>} : memref<128x256xf32, #tpu.memory_space<vmem>>, vector<16xf32>,
        %mul3A_2171 = arith.mulf %get3A_2167, %get3A_2170 : vector<16xf32>
        %add3A_2172 = arith.addf %add3A_2164, %mul3A_2171 : vector<16xf32>
        %get3A_2173 = arith.index_cast %add3A_2117 : i32 to index
        %get3A_2174 = arith.constant 112 : index
        %get3A_2175 = tpu.vector_load %arg9[%get3A_2173, %get3A_2174] {strides = array<i32>} : memref<128x256xf32, #tpu.memory_space<vmem>>, vector<16xf32>,
        %get3A_2176 = arith.index_cast %add3A_2117 : i32 to index
        %get3A_2177 = arith.constant 112 : index
        %get3A_2178 = tpu.vector_load %arg10[%get3A_2176, %get3A_2177] {strides = array<i32>} : memref<128x256xf32, #tpu.memory_space<vmem>>, vector<16xf32>,
        %mul3A_2179 = arith.mulf %get3A_2175, %get3A_2178 : vector<16xf32>
        %add3A_2180 = arith.addf %add3A_2172, %mul3A_2179 : vector<16xf32>
        %get3A_2181 = arith.index_cast %add3A_2117 : i32 to index
        %get3A_2182 = arith.constant 128 : index
        %get3A_2183 = tpu.vector_load %arg9[%get3A_2181, %get3A_2182] {strides = array<i32>} : memref<128x256xf32, #tpu.memory_space<vmem>>, vector<16xf32>,
        %get3A_2184 = arith.index_cast %add3A_2117 : i32 to index
        %get3A_2185 = arith.constant 128 : index
        %get3A_2186 = tpu.vector_load %arg10[%get3A_2184, %get3A_2185] {strides = array<i32>} : memref<128x256xf32, #tpu.memory_space<vmem>>, vector<16xf32>,
        %mul3A_2187 = arith.mulf %get3A_2183, %get3A_2186 : vector<16xf32>
        %add3A_2188 = arith.addf %add3A_2180, %mul3A_2187 : vector<16xf32>
        %get3A_2189 = arith.index_cast %add3A_2117 : i32 to index
        %get3A_2190 = arith.constant 144 : index
        %get3A_2191 = tpu.vector_load %arg9[%get3A_2189, %get3A_2190] {strides = array<i32>} : memref<128x256xf32, #tpu.memory_space<vmem>>, vector<16xf32>,
        %get3A_2192 = arith.index_cast %add3A_2117 : i32 to index
        %get3A_2193 = arith.constant 144 : index
        %get3A_2194 = tpu.vector_load %arg10[%get3A_2192, %get3A_2193] {strides = array<i32>} : memref<128x256xf32, #tpu.memory_space<vmem>>, vector<16xf32>,
        %mul3A_2195 = arith.mulf %get3A_2191, %get3A_2194 : vector<16xf32>
        %add3A_2196 = arith.addf %add3A_2188, %mul3A_2195 : vector<16xf32>
        %get3A_2197 = arith.index_cast %add3A_2117 : i32 to index
        %get3A_2198 = arith.constant 160 : index
        %get3A_2199 = tpu.vector_load %arg9[%get3A_2197, %get3A_2198] {strides = array<i32>} : memref<128x256xf32, #tpu.memory_space<vmem>>, vector<16xf32>,
        %get3A_2200 = arith.index_cast %add3A_2117 : i32 to index
        %get3A_2201 = arith.constant 160 : index
        %get3A_2202 = tpu.vector_load %arg10[%get3A_2200, %get3A_2201] {strides = array<i32>} : memref<128x256xf32, #tpu.memory_space<vmem>>, vector<16xf32>,
        %mul3A_2203 = arith.mulf %get3A_2199, %get3A_2202 : vector<16xf32>
        %add3A_2204 = arith.addf %add3A_2196, %mul3A_2203 : vector<16xf32>
        %get3A_2205 = arith.index_cast %add3A_2117 : i32 to index
        %get3A_2206 = arith.constant 176 : index
        %get3A_2207 = tpu.vector_load %arg9[%get3A_2205, %get3A_2206] {strides = array<i32>} : memref<128x256xf32, #tpu.memory_space<vmem>>, vector<16xf32>,
        %get3A_2208 = arith.index_cast %add3A_2117 : i32 to index
        %get3A_2209 = arith.constant 176 : index
        %get3A_2210 = tpu.vector_load %arg10[%get3A_2208, %get3A_2209] {strides = array<i32>} : memref<128x256xf32, #tpu.memory_space<vmem>>, vector<16xf32>,
        %mul3A_2211 = arith.mulf %get3A_2207, %get3A_2210 : vector<16xf32>
        %add3A_2212 = arith.addf %add3A_2204, %mul3A_2211 : vector<16xf32>
        %get3A_2213 = arith.index_cast %add3A_2117 : i32 to index
        %get3A_2214 = arith.constant 192 : index
        %get3A_2215 = tpu.vector_load %arg9[%get3A_2213, %get3A_2214] {strides = array<i32>} : memref<128x256xf32, #tpu.memory_space<vmem>>, vector<16xf32>,
        %get3A_2216 = arith.index_cast %add3A_2117 : i32 to index
        %get3A_2217 = arith.constant 192 : index
        %get3A_2218 = tpu.vector_load %arg10[%get3A_2216, %get3A_2217] {strides = array<i32>} : memref<128x256xf32, #tpu.memory_space<vmem>>, vector<16xf32>,
        %mul3A_2219 = arith.mulf %get3A_2215, %get3A_2218 : vector<16xf32>
        %add3A_2220 = arith.addf %add3A_2212, %mul3A_2219 : vector<16xf32>
        %get3A_2221 = arith.index_cast %add3A_2117 : i32 to index
        %get3A_2222 = arith.constant 208 : index
        %get3A_2223 = tpu.vector_load %arg9[%get3A_2221, %get3A_2222] {strides = array<i32>} : memref<128x256xf32, #tpu.memory_space<vmem>>, vector<16xf32>,
        %get3A_2224 = arith.index_cast %add3A_2117 : i32 to index
        %get3A_2225 = arith.constant 208 : index
        %get3A_2226 = tpu.vector_load %arg10[%get3A_2224, %get3A_2225] {strides = array<i32>} : memref<128x256xf32, #tpu.memory_space<vmem>>, vector<16xf32>,
        %mul3A_2227 = arith.mulf %get3A_2223, %get3A_2226 : vector<16xf32>
        %add3A_2228 = arith.addf %add3A_2220, %mul3A_2227 : vector<16xf32>
        %get3A_2229 = arith.index_cast %add3A_2117 : i32 to index
        %get3A_2230 = arith.constant 224 : index
        %get3A_2231 = tpu.vector_load %arg9[%get3A_2229, %get3A_2230] {strides = array<i32>} : memref<128x256xf32, #tpu.memory_space<vmem>>, vector<16xf32>,
        %get3A_2232 = arith.index_cast %add3A_2117 : i32 to index
        %get3A_2233 = arith.constant 224 : index
        %get3A_2234 = tpu.vector_load %arg10[%get3A_2232, %get3A_2233] {strides = array<i32>} : memref<128x256xf32, #tpu.memory_space<vmem>>, vector<16xf32>,
        %mul3A_2235 = arith.mulf %get3A_2231, %get3A_2234 : vector<16xf32>
        %add3A_2236 = arith.addf %add3A_2228, %mul3A_2235 : vector<16xf32>
        %get3A_2237 = arith.index_cast %add3A_2117 : i32 to index
        %get3A_2238 = arith.constant 240 : index
        %get3A_2239 = tpu.vector_load %arg9[%get3A_2237, %get3A_2238] {strides = array<i32>} : memref<128x256xf32, #tpu.memory_space<vmem>>, vector<16xf32>,
        %get3A_2240 = arith.index_cast %add3A_2117 : i32 to index
        %get3A_2241 = arith.constant 240 : index
        %get3A_2242 = tpu.vector_load %arg10[%get3A_2240, %get3A_2241] {strides = array<i32>} : memref<128x256xf32, #tpu.memory_space<vmem>>, vector<16xf32>,
        %mul3A_2243 = arith.mulf %get3A_2239, %get3A_2242 : vector<16xf32>
        %add3A_2244 = arith.addf %add3A_2236, %mul3A_2243 : vector<16xf32>
        %add3A_2245 = arith.constant 15 : i32
        %add3A_2246 = vector.broadcast %add3A_2245 : i32 to vector<16xi32>
        %add3A_2247 = arith.addi %add3A_8, %add3A_2246 : vector<16xi32>
        tpu.vector_store_idx %arg11[%add3A_2247], %add3A_2244 : memref<5312xf32, #tpu.memory_space<vmem>>[vector<16xi32>], vector<16xf32>,
        %get3A_2248 = arith.constant 5056 : index
        %get3A_2249 = tpu.vector_load %arg11[%get3A_2248] {strides = array<i32>} : memref<5312xf32, #tpu.memory_space<vmem>>, vector<16xf32>,
        %get3A_2250 = arith.constant 5072 : index
        %get3A_2251 = tpu.vector_load %arg11[%get3A_2250] {strides = array<i32>} : memref<5312xf32, #tpu.memory_space<vmem>>, vector<16xf32>,
        %add3A_2252 = arith.addf %get3A_2249, %get3A_2251 : vector<16xf32>
        %get3A_2253 = arith.constant 5088 : index
        %get3A_2254 = tpu.vector_load %arg11[%get3A_2253] {strides = array<i32>} : memref<5312xf32, #tpu.memory_space<vmem>>, vector<16xf32>,
        %add3A_2255 = arith.addf %add3A_2252, %get3A_2254 : vector<16xf32>
        %get3A_2256 = arith.constant 5104 : index
        %get3A_2257 = tpu.vector_load %arg11[%get3A_2256] {strides = array<i32>} : memref<5312xf32, #tpu.memory_space<vmem>>, vector<16xf32>,
        %add3A_2258 = arith.addf %add3A_2255, %get3A_2257 : vector<16xf32>
        %get3A_2259 = arith.constant 5120 : index
        %get3A_2260 = tpu.vector_load %arg11[%get3A_2259] {strides = array<i32>} : memref<5312xf32, #tpu.memory_space<vmem>>, vector<16xf32>,
        %add3A_2261 = arith.addf %add3A_2258, %get3A_2260 : vector<16xf32>
        %get3A_2262 = arith.constant 5136 : index
        %get3A_2263 = tpu.vector_load %arg11[%get3A_2262] {strides = array<i32>} : memref<5312xf32, #tpu.memory_space<vmem>>, vector<16xf32>,
        %add3A_2264 = arith.addf %add3A_2261, %get3A_2263 : vector<16xf32>
        %get3A_2265 = arith.constant 5152 : index
        %get3A_2266 = tpu.vector_load %arg11[%get3A_2265] {strides = array<i32>} : memref<5312xf32, #tpu.memory_space<vmem>>, vector<16xf32>,
        %add3A_2267 = arith.addf %add3A_2264, %get3A_2266 : vector<16xf32>
        %get3A_2268 = arith.constant 5168 : index
        %get3A_2269 = tpu.vector_load %arg11[%get3A_2268] {strides = array<i32>} : memref<5312xf32, #tpu.memory_space<vmem>>, vector<16xf32>,
        %add3A_2270 = arith.addf %add3A_2267, %get3A_2269 : vector<16xf32>
        %get3A_2271 = arith.constant 5184 : index
        %get3A_2272 = tpu.vector_load %arg11[%get3A_2271] {strides = array<i32>} : memref<5312xf32, #tpu.memory_space<vmem>>, vector<16xf32>,
        %add3A_2273 = arith.addf %add3A_2270, %get3A_2272 : vector<16xf32>
        %get3A_2274 = arith.constant 5200 : index
        %get3A_2275 = tpu.vector_load %arg11[%get3A_2274] {strides = array<i32>} : memref<5312xf32, #tpu.memory_space<vmem>>, vector<16xf32>,
        %add3A_2276 = arith.addf %add3A_2273, %get3A_2275 : vector<16xf32>
        %get3A_2277 = arith.constant 5216 : index
        %get3A_2278 = tpu.vector_load %arg11[%get3A_2277] {strides = array<i32>} : memref<5312xf32, #tpu.memory_space<vmem>>, vector<16xf32>,
        %add3A_2279 = arith.addf %add3A_2276, %get3A_2278 : vector<16xf32>
        %get3A_2280 = arith.constant 5232 : index
        %get3A_2281 = tpu.vector_load %arg11[%get3A_2280] {strides = array<i32>} : memref<5312xf32, #tpu.memory_space<vmem>>, vector<16xf32>,
        %add3A_2282 = arith.addf %add3A_2279, %get3A_2281 : vector<16xf32>
        %get3A_2283 = arith.constant 5248 : index
        %get3A_2284 = tpu.vector_load %arg11[%get3A_2283] {strides = array<i32>} : memref<5312xf32, #tpu.memory_space<vmem>>, vector<16xf32>,
        %add3A_2285 = arith.addf %add3A_2282, %get3A_2284 : vector<16xf32>
        %get3A_2286 = arith.constant 5264 : index
        %get3A_2287 = tpu.vector_load %arg11[%get3A_2286] {strides = array<i32>} : memref<5312xf32, #tpu.memory_space<vmem>>, vector<16xf32>,
        %add3A_2288 = arith.addf %add3A_2285, %get3A_2287 : vector<16xf32>
        %get3A_2289 = arith.constant 5280 : index
        %get3A_2290 = tpu.vector_load %arg11[%get3A_2289] {strides = array<i32>} : memref<5312xf32, #tpu.memory_space<vmem>>, vector<16xf32>,
        %add3A_2291 = arith.addf %add3A_2288, %get3A_2290 : vector<16xf32>
        %get3A_2292 = arith.constant 5296 : index
        %get3A_2293 = tpu.vector_load %arg11[%get3A_2292] {strides = array<i32>} : memref<5312xf32, #tpu.memory_space<vmem>>, vector<16xf32>,
        %add3A_2294 = arith.addf %add3A_2291, %get3A_2293 : vector<16xf32>
        %swap3A = arith.index_cast %add3A_88 : i32 to index
        %swap3A_2295 = tpu.vector_load %arg11[%swap3A] {strides = array<i32>} : memref<5312xf32, #tpu.memory_space<vmem>>, vector<16xf32>,
        tpu.vector_store %arg11[%swap3A], %add3A_2294 {strides = array<i32>} : memref<5312xf32, #tpu.memory_space<vmem>>, vector<16xf32>,
      }
      %scan3A_82 = arith.constant 4 : i32
    }
    %scan3A_28 = arith.constant 79 : i32
    "tpu.region"() ({
      %run_scoped3A = tpu.sem_alloc : memref<!tpu.dma_semaphore, #tpu.memory_space<semaphore_mem>>
      %dma_start3A_29 = arith.constant 0 : i32
      %dma_start3A_30 = tpu.memref_slice %arg11[%dma_start3A_29] : memref<5312xf32, #tpu.memory_space<vmem>> -> memref<5056xf32, #tpu.memory_space<vmem>>
      %dma_start3A_31 = tpu.memref_slice %arg6[%mul3A_2] : memref<161792xf32, #tpu.memory_space<hbm>> -> memref<5056xf32, #tpu.memory_space<hbm>>
      %dma_start3A_32 = tpu.memref_slice %arg6[%mul3A_2] : memref<161792xf32, #tpu.memory_space<hbm>> -> memref<5056xf32, #tpu.memory_space<hbm>>
      %dma_start3A_33 = arith.constant 0 : i32
      %dma_start3A_34 = tpu.memref_slice %arg11[%dma_start3A_33] : memref<5312xf32, #tpu.memory_space<vmem>> -> memref<5056xf32, #tpu.memory_space<vmem>>
      tpu.enqueue_dma source(%dma_start3A_34 : memref<5056xf32, #tpu.memory_space<vmem>>) target(%dma_start3A_32 : memref<5056xf32, #tpu.memory_space<hbm>>) target_semaphore(%run_scoped3A : memref<!tpu.dma_semaphore, #tpu.memory_space<semaphore_mem>>)
      %dma_wait3A = arith.constant 0 : i32
      %dma_wait3A_35 = tpu.memref_slice %arg11[%dma_wait3A] : memref<5312xf32, #tpu.memory_space<vmem>> -> memref<5056xf32, #tpu.memory_space<vmem>>
      %dma_wait3A_36 = tpu.memref_slice %arg6[%mul3A_2] : memref<161792xf32, #tpu.memory_space<hbm>> -> memref<5056xf32, #tpu.memory_space<hbm>>
      %dma_wait3A_37 = tpu.memref_slice %arg6[%mul3A_2] : memref<161792xf32, #tpu.memory_space<hbm>> -> memref<5056xf32, #tpu.memory_space<hbm>>
      %dma_wait3A_38 = arith.constant 0 : i32
      %dma_wait3A_39 = tpu.memref_slice %arg11[%dma_wait3A_38] : memref<5312xf32, #tpu.memory_space<vmem>> -> memref<5056xf32, #tpu.memory_space<vmem>>
      tpu.wait_dma2 semaphore(%run_scoped3A : memref<!tpu.dma_semaphore, #tpu.memory_space<semaphore_mem>>) src(%dma_wait3A_39 : memref<5056xf32, #tpu.memory_space<vmem>>) dst(%dma_wait3A_37 : memref<5056xf32, #tpu.memory_space<hbm>>)
      tpu.yield
    }) : () -> ()
    return
  }
}

</mosaic_0001>

<sc_bundles>
// kernel: _decode.3.cloned.1.call-start
scs
__scs_entry_jumppad:
0x0: {  	(pc) =	sbr.rel $0x88, $3  }
0x1: {  	(tag) =	ssettag $0x0;
	lr =	simm.s32 $0x1  }
0x2: {  	[smem:$0x3F9D] =	sst lr;
	_ =	strace $0xD0000000  }
0x3: {  	_ = 	snop  }
0x4: {  	_ = 	snop  }
0x5: {  	_ = 	snop  }
0x6: {  	_ = 	snop  }
0x7: {  	_ = 	snop  }
__scs_overlays_trampoline_lowered:
0x8: {  	[smem:$0x3FAC] =	sst s0  }
0x9: {  	[smem:$0x3FAD] =	sst s1  }
0xa: {  	[smem:$0x3FAE] =	sst s2  }
0xb: {  	[smem:$0x3FAF] =	sst s3  }
0xc: {  	[smem:$0x3FB0] =	sst s4  }
0xd: {  	[smem:$0x3FB1] =	sst s5  }
0xe: {  	[smem:$0x3FB2] =	sst s6  }
0xf: {  	[smem:$0x3FB3] =	sst s7  }
0x10: {  	[smem:$0x3FB4] =	sst s8  }
0x11: {  	[smem:$0x3FB5] =	sst s9;
	s0 =	simm.s32 @!p0 $0x0  }
0x12: {  	s1 =	sld [smem:$0x3F9B];
	s0 =	simm.s32 @p0 $0x1  }
0x13: {  	[smem:$0x3FB6] =	sst s0;
	s0 =	simm.s32 @!p1 $0x0  }
0x14: {  	s2 =	sld [smem:$0x3F9A];
	s0 =	simm.s32 @p1 $0x1  }
0x15: {  	[smem:$0x3FB7] =	sst s0;
	s0 =	simm.s32 @!p2 $0x0  }
0x16: {  	s3 =	sld [smem:$0x3FDB];
	s0 =	simm.s32 @p2 $0x1  }
0x17: {  	s4 =	simm.s32 $0x1BF5;
	[smem:$0x3FB9] =	sst s0  }
0x18: {  	s0 =	sld [smem:$0x3F9C];
	_ =	swait.ge [sflag:s4], $0x0  }
0x19: {  	s7 =	sld [smem:$0x3F9D]  }
0x1a: {  	s8 =	sadd.s32 $0xFFFFE003, lr  }
0x1b: {  	s9 =	sadd.s32 $0xFFFFFEF7, lr;
	s5 =	simm.s32 $0xFFFFFFFF;
	p2 =	slt.u32 s8, $0xFFFFF086  }
0x1c: {  	p1 =	slt.u32 s9, $0xF7A;
	s5 =	simm.s32 @!p2 $0x0  }
0x1d: {  	s5 =	simm.s32 @p1 $0x1;
	p0 =	seq.s32 s7, s2  }
0x1e: {  	s7 =	smul.u32 @!p0 $0xF7A, s2;
	p2 =	seq.s32 @!p0 s5, $0x0  }
0x1f: {  	s9 =	smul.u32 $0xF7A, s1;
	s8 =	simm.s32 @!p0 $0x1BF5;
	p2 =	por !p2, p0  }
0x20: {  	[sflag:s8] =	ssyncset.s32 @!p0 $0xFFFFF086;
	s6 =	sadd.s32 @!p0 s3, s7;
	s7 =	simm.s32 @!p0 $0x108  }
0x21: {  	s3 =	sadd.s32 s3, s9;
	s6 =	sadd.s32 @!p0 $0x88, s6;
	s7 =	simm.s32 @p2 $0x1082  }
0x22: {  	[simem:s7], [sflag:s8] =	dma.local @!p0 [hbm:s6], $0xF7A  }
0x23: {  	s9 =	sor.u32 $0xD0000000, s2;
	s6 =	simm.s32 $0x108;
	_ =	swait.ge @!p0 [sflag:s8], $0x0  }
0x24: {  	s3 =	sadd.s32 $0x88, s3;
	s6 =	simm.s32 @!p1 $0x1082;
	[sflag:s4] =	ssyncset.s32 $0xFFFFF086  }
0x25: {  	[simem:s6], [sflag:s4] =	dma.local [hbm:s3], $0xF7A  }
0x26: {  	[smem:$0x3F9D] =	sst s1;
	(tag) =	ssettag s2;
	_ =	strace s9  }
0x27: {  	s1 =	sld [smem:$0x3FAD]  }
0x28: {  	s2 =	sld [smem:$0x3FAE]  }
0x29: {  	s4 =	sld [smem:$0x3FB0]  }
0x2a: {  	p0 =	seq.s32 s5, $0x0;
	s5 =	sld [smem:$0x3FB1]  }
0x2b: {  	s6 =	sld [smem:$0x3FB2]  }
0x2c: {  	s7 =	sld [smem:$0x3FB3]  }
0x2d: {  	s3 =	simm.s32 $0x108;
	s8 =	sld [smem:$0x3FB4]  }
0x2e: {  	s3 =	simm.s32 @!p0 $0x1082;
	s9 =	sld [smem:$0x3FB5]  }
0x2f: {  	lr =	sadd.s32 s0, s3;
	s0 =	sld [smem:$0x3FAC]  }
0x30: {  	s3 =	sld [smem:$0x3FAF]  }
0x31: {  	[smem:$0x3FB8] =	sst s10  }
0x32: {  	s10 =	sld [smem:$0x3FB6];
	_ =	sdelay $0x3  }
0x33: {  	p0 =	seq.s32 s10, $0x1;
	s10 =	sld [smem:$0x3FB8];
	_ =	sdelay $0x3  }
0x34: {  	[smem:$0x3FB8] =	sst s10  }
0x35: {  	s10 =	sld [smem:$0x3FB7];
	_ =	sdelay $0x3  }
0x36: {  	p1 =	seq.s32 s10, $0x1;
	s10 =	sld [smem:$0x3FB8];
	_ =	sdelay $0x3  }
0x37: {  	[smem:$0x3FB8] =	sst s10  }
0x38: {  	s10 =	sld [smem:$0x3FB9]  }
0x39: {  	_ = 	snop;
	(pc) =	sbr.ind lr, $3  }
0x3a: {  	_ = 	snop  }
0x3b: {  	_ = 	snop  }
0x3c: {  	p2 =	seq.s32 s10, $0x1;
	s10 =	sld [smem:$0x3FB8]  }
0x3d: {  	_ =	shalt  }
0x3e: {  	_ =	shalt  }
0x3f: {  	_ =	shalt  }
0x40: {  	_ =	shalt  }
0x41: {  	_ =	shalt  }
0x42: {  	_ =	shalt  }
0x43: {  	_ =	shalt  }
0x44: {  	_ =	shalt  }
0x45: {  	_ =	shalt  }
0x46: {  	_ =	shalt  }
0x47: {  	_ =	shalt  }
0x48: {  	_ =	shalt  }
0x49: {  	_ =	shalt  }
0x4a: {  	_ =	shalt  }
0x4b: {  	_ =	shalt  }
0x4c: {  	_ =	shalt  }
0x4d: {  	_ =	shalt  }
0x4e: {  	_ =	shalt  }
0x4f: {  	_ =	shalt  }
0x50: {  	_ =	shalt  }
0x51: {  	_ =	shalt  }
0x52: {  	_ =	shalt  }
0x53: {  	_ =	shalt  }
0x54: {  	_ =	shalt  }
0x55: {  	_ =	shalt  }
0x56: {  	_ =	shalt  }
0x57: {  	_ =	shalt  }
0x58: {  	_ =	shalt  }
0x59: {  	_ =	shalt  }
0x5a: {  	_ =	shalt  }
0x5b: {  	_ =	shalt  }
0x5c: {  	_ =	shalt  }
0x5d: {  	_ =	shalt  }
0x5e: {  	_ =	shalt  }
0x5f: {  	_ =	shalt  }
0x60: {  	_ =	shalt  }
0x61: {  	_ =	shalt  }
0x62: {  	_ =	shalt  }
0x63: {  	_ =	shalt  }
0x64: {  	_ =	shalt  }
0x65: {  	_ =	shalt  }
0x66: {  	_ =	shalt  }
0x67: {  	_ =	shalt  }
0x68: {  	_ =	shalt  }
0x69: {  	_ =	shalt  }
0x6a: {  	_ =	shalt  }
0x6b: {  	_ =	shalt  }
0x6c: {  	_ =	shalt  }
0x6d: {  	_ =	shalt  }
0x6e: {  	_ =	shalt  }
0x6f: {  	_ =	shalt  }
0x70: {  	_ =	shalt  }
0x71: {  	_ =	shalt  }
0x72: {  	_ =	shalt  }
0x73: {  	_ =	shalt  }
0x74: {  	_ =	shalt  }
0x75: {  	_ =	shalt  }
0x76: {  	_ =	shalt  }
0x77: {  	_ =	shalt  }
0x78: {  	_ =	shalt  }
0x79: {  	_ =	shalt  }
0x7a: {  	_ =	shalt  }
0x7b: {  	_ =	shalt  }
0x7c: {  	_ =	shalt  }
0x7d: {  	_ =	shalt  }
0x7e: {  	_ =	shalt  }
0x7f: {  	_ =	shalt  }
0x80: {  	_ =	shalt  }
0x81: {  	_ =	shalt  }
0x82: {  	_ =	shalt  }
0x83: {  	_ =	shalt  }
0x84: {  	_ =	shalt  }
0x85: {  	_ =	shalt  }
0x86: {  	_ =	shalt  }
0x87: {  	_ =	shalt  }
.Lfunc_end0:
.L_simem_size_0:
called_computation_lowered:
.L_overlay_start_0:
0x88: {  	s2 =	sld [smem:$0x3FD9]  }
0x89: {  	s3 =	sld [smem:$0x3FFE];
	_ =	sdelay $0x1  }
0x8a: {  	s1 =	srdreg.scid  }
0x8b: {  	s0 =	sand.u32 $0x1, s1  }
0x8c: {  	s18 =	sshll.u32 s0, $0xA;
	s2 =	sadd.s32 s3, s2  }
0x8d: {  	s2 =	sadd.s32 s2, s18  }
0x8e: {  	[smem:$0x3FC4] =	sst s2  }
0x8f: {  	_ = 	snop  }
0x90: {  	s2 =	sld [smem:$0x3FC9]  }
0x91: {  	s19 =	sld [smem:$0x3FC8]  }
0x92: {  	s4 =	sld [smem:$0x3FC7]  }
0x93: {  	s5 =	sld [smem:$0x3FC6]  }
0x94: {  	s6 =	sld [smem:$0x3FD0];
	(tm) =	ssettm $0x1  }
0x95: {  	s7 =	sld [smem:$0x3FFB];
	_ =	sdelay $0x3  }
0x96: {  	_ =	strace s7  }
0x97: {  	s7 =	sld [smem:$0x3FFC];
	_ =	sdelay $0x3  }
0x98: {  	_ =	strace s7  }
0x99: {  	s7 =	sld [smem:$0x3FFD];
	_ =	sdelay $0x3  }
0x9a: {  	_ =	strace s7  }
0x9b: {  	_ =	strace $0x8FFFFFFF  }
0x9c: {  	s20 =	sld [smem:$0x3FDB];
	_ =	sdelay $0x1  }
0x9d: {  	s8 =	simm.s32 $_scs_section_size  }
0x9e: {  	s9 =	simm.s32 $_size__tile_overlayer_lowered;
	s10 =	simm.s32 $_tile_overlayer_lowered  }
0x9f: {  	s23 =	simm.s32 $0x1BFF;
	s22 =	sshll.u32 s10, $0x1;
	s7 =	sadd.s32 s8, s20  }
0xa0: {  	s11 =	simm.s32 $0x0;
	s21 =	sshll.u32 s9, $0x1;
	s9 =	sadd.s32 s22, s7  }
0xa1: {  	[timem:s11], [sflag:s23] =	dma.local [hbm:s9], s21  }
0xa2: {  	_ =	swait.ge [sflag:s23], s21  }
0xa3: {  	s8 =	ssub.s32 $0x0, s21;
	[sflag:s23] =	ssyncset.done $0x0  }
0xa4: {  	[sflag:s23] =	ssyncadd.s32 s8;
	_ =	sdelay $0x1  }
0xa5: {  	s24 =	simm.s32 $0x1B8B  }
0xa6: {  	_ =	swait.ge [sflag:s24], $0x1  }
0xa7: {  	[sflag:s24] =	ssyncset.done $0x0  }
0xa8: {  	s25 =	simm.s32 $0x1B8E;
	[sflag:s24] =	ssyncadd.s32 $0xFFFFFFFF  }
0xa9: {  	s26 =	simm.s32 $execute0_lowered;
	[smem:$0x3FD2] =	sst s25  }
0xaa: {  	s8 =	sshll.u32 s26, $0x1;
	_ =	strace $0x80000046;
	[dreg:$0x1] =	wrdreg $0xFFFFFFFF  }
0xab: {  	s28 =	simm.s32 $_size_execute0_lowered;
	s7 =	sadd.s32 s7, s8;
	[dreg:$0x0] =	wrdreg $0x0  }
0xac: {  	s8 =	sshll.u32 s28, $0x1;
	[dreg:$0x2] =	wrdreg s7  }
0xad: {  	[dreg:$0x3] =	wrdreg s8  }
0xae: {  	[dreg:$0x4] =	wrdreg $0xC0  }
0xaf: {  	_ =	task [dreg:s11], $0x5FFFF  }
0xb0: {  	[dreg:$0x1] =	wrdreg $0xFFFFFFFF  }
0xb1: {  	[dreg:$0x0] =	wrdreg $0x60  }
0xb2: {  	[dreg:$0x2] =	wrdreg s2  }
0xb3: {  	[dreg:$0x3] =	wrdreg s19  }
0xb4: {  	[dreg:$0x4] =	wrdreg s4  }
0xb5: {  	[dreg:$0x5] =	wrdreg s5  }
0xb6: {  	[dreg:$0x6] =	wrdreg s6  }
0xb7: {  	[dreg:$0x7] =	wrdreg $0x9  }
0xb8: {  	_ =	task.clear_ibuf [dreg:s11], $0x8FFFF;
	_ =	strace $0x90000046  }
0xb9: {  	s29 =	simm.s32 $0x9;
	_ =	strace $0x80000048  }
0xba: {  	_ =	swait.ge [sflag:s29], $0x1  }
0xbb: {  	[sflag:s29] =	ssyncadd.s32 $0xFFFFFFFF  }
0xbc: {  	_ =	strace $0x90000048  }
0xbd: {  	_ =	sfence  }
0xbe: {  	s30 =	sld [smem:$0x0];
	_ =	sdelay $0x2  }
0xbf: {  	s31 =	sshll.u32 s1, $0xD;
	s1 =	sshrl.u32 s1, $0x2  }
0xc0: {  	s3 =	sand.u32 $0x4000, s31;
	s1 =	sadd.s32 s1, s30  }
0xc1: {  	s0 =	sor.u32 s3, s0;
	s1 =	sshll.u32 s1, $0x11  }
0xc2: {  	s0 =	sor.u32 s1, s0  }
0xc3: {  	s0 =	sadd.s32 $0x8F2B, s0  }
0xc4: {  	[sflag:s0] =	ssyncadd.remote.s32 $0x1  }
0xc5: {  	_ =	sfence.sel $0xFFFF  }
0xc6: {  	[dreg:$0x0] =	wrdreg $0xFFFFFFFF;
	(pc) =	sbr.abs _section_cstart, $3  }
0xc7: {  	[dreg:$0x1] =	wrdreg $0xFFFFFFFF  }
0xc8: {  	_ =	task.clear_ibuf [dreg:s11], $0x2FFFF;
	_ =	strace $0x9FFFFFFF  }
0xc9: {  	(tm) =	ssettm $0x7FFFFFFF  }
tec
execute0_lowered:
.L_overlay_start_1:
0x0: {  	(tag) =	ssettag $0x1  }
0x1: {  	s0 =	rddreg [dreg:$0x0]  }
0x2: {  	s2 =	rddreg [dreg:$0x1]  }
0x3: {  	s1 =	rddreg [dreg:$0x2]  }
0x4: {  	s3 =	rddreg [dreg:$0x3];
	s4 =	srdreg.scid  }
0x5: {  	s6 =	stileid.u32;
	s7 =	rddreg [dreg:$0x4]  }
0x6: {  	s13 =	simm.s32 $0x3800;
	s14 =	simm.s32 $0x4000;
	s15 =	simm.s32 $0x4800  }
0x7: {  	s16 =	simm.s32 $0x5000;
	s17 =	simm.s32 $0x5800;
	s18 =	simm.s32 $0x6000  }
0x8: {  	v2 =	vlaneseq.u32;
	s19 =	simm.s32 $0xA800;
	s20 =	simm.s32 $0xB000;
	s21 =	simm.s32 $0xB800  }
0x9: {  	s22 =	simm.s32 $0xC000;
	s23 =	simm.s32 $0xC800;
	s24 =	simm.s32 $0xD000;
	v18 =	vmul.u32 $0x10, v2  }
0xa: {  	vm0 =	vmmov $0xffff;
	s25 =	simm.s32 $0xD800;
	s28 =	simm.s32 $0x1;
	s29 =	simm.s32 $0x2;
	v1 =	vshrl.u32 v2, $0x3;
	v0 =	vand.u32 $0x7, v2  }
0xb: {  	s30 =	simm.s32 $0x12800;
	s5 =	sand.u32 $0x1, s4;
	s6 =	sshll.u32 s6, $0x1;
	v2 =	vor.u32 $0x8, v2;
	v1 =	vmul.u32 $0x8, v1;
	v3 =	vadd.s32 $0x13C0, v18  }
0xc: {  	s4 =	simm.s32 $0x0;
	s6 =	sor.u32 s5, s6;
	s5 =	ssub.s32 $0x2, s5;
	v4 =	vadd.s32 $0x13C1, v18;
	v5 =	vadd.s32 $0x13C2, v18;
	v6 =	vadd.s32 $0x13C3, v18  }
0xd: {  	[smem:$0x7FF] =	sst s4;
	s8 =	smul.u32 $0x278, s6;
	s26 =	sshrl.u32 s5, $0x1;
	v7 =	vadd.s32 $0x13C4, v18;
	v8 =	vadd.s32 $0x13C5, v18;
	v9 =	vadd.s32 $0x13C6, v18  }
0xe: {  	s31 =	simm.s32 $0x0;
	_ =	strace $0x80000047;
	v10 =	vadd.s32 $0x13C7, v18;
	v11 =	vadd.s32 $0x13C8, v18;
	v12 =	vadd.s32 $0x13C9, v18;
	s9 =	ssub.s32 s5, s26  }
0xf: {  	v13 =	vadd.s32 $0x13CA, v18;
	v14 =	vadd.s32 $0x13CB, v18;
	v15 =	vadd.s32 $0x13CC, v18;
	s26 =	simm.s32 $0xE000;
	s5 =	sadd.s32 s0, s8;
	s6 =	sadd.s32 s2, s8  }
0x10: {  	v16 =	vadd.s32 $0x13CD, v18;
	v17 =	vadd.s32 $0x13CE, v18;
	v18 =	vadd.s32 $0x13CF, v18;
	s7 =	sadd.s32 s7, s8;
	s8 =	smax.u32 s9, $0x1;
	s9 =	simm.s32 $0x3  }
.LBB2_1:
0x11: {  	[tilespmem:s4], [sflag:$0x3] =	stream.linear.gather [hbm4b:s5+s4], $0x13C0, $0x38;
	[tilespmem:$0x13D00] =	vst v63  }
0x12: {  	_ =	swait.ge [sflag:s9], $0x13C0  }
0x13: {  	[sflag:s9] =	ssyncset.done $0x0  }
0x14: {  	s0 =	simm.s32 $0x1400;
	[sflag:s9] =	ssyncadd.s32 $0xFFFFEC40  }
0x15: {  	[tilespmem:s0], [sflag:$0x3] =	stream.linear.gather [hbm4b:s6+s4], $0x13C0, $0x38;
	[tilespmem:$0x13D00] =	vst v63  }
0x16: {  	_ =	swait.ge [sflag:s9], $0x13C0  }
0x17: {  	[sflag:s9] =	ssyncset.done $0x0  }
0x18: {  	[sflag:s9] =	ssyncadd.s32 $0xFFFFEC40  }
0x19: {  	v19 =	vld [tilespmem:$0x0];
	_ =	sdelay $0x4  }
0x1a: {  	v20 =	vshll.u32 v19, $0x1  }
0x1b: {  	v19 =	vand.u32 $0x7, v19;
	v20 =	vand.u32 $0xFFFFFFF0, v20  }
0x1c: {  	v19 =	vor.u32 v19, v20  }
0x1d: {  	v20 =	vperm.xlane v19, v0;
	_ =	sdelay $0x1  }
0x1e: {  	v19 =	vperm.xlane v19, v2;
	v20 =	vadd.s32 v1, v20;
	_ =	sdelay $0x1  }
0x1f: {  	v19 =	vadd.s32 v1, v19;
	_ =	sdelay $0x1  }
0x20: {  	s11 =	simm.s32 $0x2800  }
0x21: {  	[tilespmem:s11], [sflag:$0x1] =	stream.indirect_vreg.gather [hbm4b:s1+s4], $0x80, v20, vm0, $0xb8;
	[tilespmem:$0x13D00] =	vst v63  }
0x22: {  	s12 =	simm.s32 $0x3000  }
0x23: {  	[tilespmem:s12], [sflag:$0x1] =	stream.indirect_vreg.gather [hbm4b:s1+s4], $0x80, v19, vm0, $0xb8;
	[tilespmem:$0x13D00] =	vst v63  }
0x24: {  	v19 =	vld [tilespmem:$0x10];
	_ =	sdelay $0x4  }
0x25: {  	v20 =	vshll.u32 v19, $0x1  }
0x26: {  	v19 =	vand.u32 $0x7, v19;
	v20 =	vand.u32 $0xFFFFFFF0, v20  }
0x27: {  	v19 =	vor.u32 v19, v20  }
0x28: {  	v20 =	vperm.xlane v19, v0;
	_ =	sdelay $0x1  }
0x29: {  	v19 =	vperm.xlane v19, v2;
	v20 =	vadd.s32 v1, v20;
	_ =	sdelay $0x1  }
0x2a: {  	v19 =	vadd.s32 v1, v19;
	_ =	sdelay $0x2  }
0x2b: {  	[tilespmem:s13], [sflag:$0x1] =	stream.indirect_vreg.gather [hbm4b:s1+s4], $0x80, v20, vm0, $0xb8;
	[tilespmem:$0x13D00] =	vst v63  }
0x2c: {  	_ = 	snop  }
0x2d: {  	[tilespmem:s14], [sflag:$0x1] =	stream.indirect_vreg.gather [hbm4b:s1+s4], $0x80, v19, vm0, $0xb8;
	[tilespmem:$0x13D00] =	vst v63  }
0x2e: {  	v19 =	vld [tilespmem:$0x20];
	_ =	sdelay $0x4  }
0x2f: {  	v20 =	vshll.u32 v19, $0x1  }
0x30: {  	v19 =	vand.u32 $0x7, v19;
	v20 =	vand.u32 $0xFFFFFFF0, v20  }
0x31: {  	v19 =	vor.u32 v19, v20  }
0x32: {  	v20 =	vperm.xlane v19, v0;
	_ =	sdelay $0x1  }
0x33: {  	v19 =	vperm.xlane v19, v2;
	v20 =	vadd.s32 v1, v20;
	_ =	sdelay $0x1  }
0x34: {  	v19 =	vadd.s32 v1, v19;
	_ =	sdelay $0x2  }
0x35: {  	[tilespmem:s15], [sflag:$0x1] =	stream.indirect_vreg.gather [hbm4b:s1+s4], $0x80, v20, vm0, $0xb8;
	[tilespmem:$0x13D00] =	vst v63  }
0x36: {  	_ = 	snop  }
0x37: {  	[tilespmem:s16], [sflag:$0x1] =	stream.indirect_vreg.gather [hbm4b:s1+s4], $0x80, v19, vm0, $0xb8;
	[tilespmem:$0x13D00] =	vst v63  }
0x38: {  	v19 =	vld [tilespmem:$0x30];
	_ =	sdelay $0x4  }
0x39: {  	v20 =	vshll.u32 v19, $0x1  }
0x3a: {  	v19 =	vand.u32 $0x7, v19;
	v20 =	vand.u32 $0xFFFFFFF0, v20  }
0x3b: {  	v19 =	vor.u32 v19, v20  }
0x3c: {  	v20 =	vperm.xlane v19, v0;
	_ =	sdelay $0x1  }
0x3d: {  	v19 =	vperm.xlane v19, v2;
	v20 =	vadd.s32 v1, v20;
	_ =	sdelay $0x1  }
0x3e: {  	v19 =	vadd.s32 v1, v19;
	_ =	sdelay $0x2  }
0x3f: {  	[tilespmem:s17], [sflag:$0x1] =	stream.indirect_vreg.gather [hbm4b:s1+s4], $0x80, v20, vm0, $0xb8;
	[tilespmem:$0x13D00] =	vst v63  }
0x40: {  	_ = 	snop  }
0x41: {  	[tilespmem:s18], [sflag:$0x1] =	stream.indirect_vreg.gather [hbm4b:s1+s4], $0x80, v19, vm0, $0xb8;
	[tilespmem:$0x13D00] =	vst v63  }
0x42: {  	v19 =	vld [tilespmem:$0x1400];
	_ =	sdelay $0x4  }
0x43: {  	v20 =	vshll.u32 v19, $0x1  }
0x44: {  	v19 =	vand.u32 $0x7, v19;
	v20 =	vand.u32 $0xFFFFFFF0, v20  }
0x45: {  	v19 =	vor.u32 v19, v20  }
0x46: {  	v20 =	vperm.xlane v19, v0;
	_ =	sdelay $0x1  }
0x47: {  	v19 =	vperm.xlane v19, v2;
	v20 =	vadd.s32 v1, v20;
	_ =	sdelay $0x1  }
0x48: {  	v19 =	vadd.s32 v1, v19;
	_ =	sdelay $0x2  }
0x49: {  	[tilespmem:s19], [sflag:$0x2] =	stream.indirect_vreg.gather [hbm4b:s3+s4], $0x80, v20, vm0, $0xb8;
	[tilespmem:$0x13D00] =	vst v63  }
0x4a: {  	_ = 	snop  }
0x4b: {  	[tilespmem:s20], [sflag:$0x2] =	stream.indirect_vreg.gather [hbm4b:s3+s4], $0x80, v19, vm0, $0xb8;
	[tilespmem:$0x13D00] =	vst v63  }
0x4c: {  	v19 =	vld [tilespmem:$0x1410];
	_ =	sdelay $0x4  }
0x4d: {  	v20 =	vshll.u32 v19, $0x1  }
0x4e: {  	v19 =	vand.u32 $0x7, v19;
	v20 =	vand.u32 $0xFFFFFFF0, v20  }
0x4f: {  	v19 =	vor.u32 v19, v20  }
0x50: {  	v20 =	vperm.xlane v19, v0;
	_ =	sdelay $0x1  }
0x51: {  	v19 =	vperm.xlane v19, v2;
	v20 =	vadd.s32 v1, v20;
	_ =	sdelay $0x1  }
0x52: {  	v19 =	vadd.s32 v1, v19;
	_ =	sdelay $0x2  }
0x53: {  	[tilespmem:s21], [sflag:$0x2] =	stream.indirect_vreg.gather [hbm4b:s3+s4], $0x80, v20, vm0, $0xb8;
	[tilespmem:$0x13D00] =	vst v63  }
0x54: {  	_ = 	snop  }
0x55: {  	[tilespmem:s22], [sflag:$0x2] =	stream.indirect_vreg.gather [hbm4b:s3+s4], $0x80, v19, vm0, $0xb8;
	[tilespmem:$0x13D00] =	vst v63  }
0x56: {  	v19 =	vld [tilespmem:$0x1420];
	_ =	sdelay $0x4  }
0x57: {  	v20 =	vshll.u32 v19, $0x1  }
0x58: {  	v19 =	vand.u32 $0x7, v19;
	v20 =	vand.u32 $0xFFFFFFF0, v20  }
0x59: {  	v19 =	vor.u32 v19, v20  }
0x5a: {  	v20 =	vperm.xlane v19, v0;
	_ =	sdelay $0x1  }
0x5b: {  	v19 =	vperm.xlane v19, v2;
	v20 =	vadd.s32 v1, v20;
	_ =	sdelay $0x1  }
0x5c: {  	v19 =	vadd.s32 v1, v19;
	_ =	sdelay $0x2  }
0x5d: {  	[tilespmem:s23], [sflag:$0x2] =	stream.indirect_vreg.gather [hbm4b:s3+s4], $0x80, v20, vm0, $0xb8;
	[tilespmem:$0x13D00] =	vst v63  }
0x5e: {  	_ = 	snop  }
0x5f: {  	[tilespmem:s24], [sflag:$0x2] =	stream.indirect_vreg.gather [hbm4b:s3+s4], $0x80, v19, vm0, $0xb8;
	[tilespmem:$0x13D00] =	vst v63  }
0x60: {  	v19 =	vld [tilespmem:$0x1430];
	_ =	sdelay $0x4  }
0x61: {  	v20 =	vshll.u32 v19, $0x1  }
0x62: {  	v19 =	vand.u32 $0x7, v19;
	v20 =	vand.u32 $0xFFFFFFF0, v20  }
0x63: {  	v19 =	vor.u32 v19, v20  }
0x64: {  	v20 =	vperm.xlane v19, v0;
	_ =	sdelay $0x1  }
0x65: {  	v19 =	vperm.xlane v19, v2;
	v20 =	vadd.s32 v1, v20;
	_ =	sdelay $0x1  }
0x66: {  	v19 =	vadd.s32 v1, v19;
	_ =	sdelay $0x2  }
0x67: {  	[tilespmem:s25], [sflag:$0x2] =	stream.indirect_vreg.gather [hbm4b:s3+s4], $0x80, v20, vm0, $0xb8;
	[tilespmem:$0x13D00] =	vst v63  }
0x68: {  	s0 =	simm.s32 $0x0  }
0x69: {  	[tilespmem:s26], [sflag:$0x2] =	stream.indirect_vreg.gather [hbm4b:s3+s4], $0x80, v19, vm0, $0xb8;
	[tilespmem:$0x13D00] =	vst v63  }
.LBB2_3:
0x6a: {  	p0 =	seq.s32 s0, $0x4E  }
.Ltmp0:
0x6b: {  	_ = 	snop;
	(pc) =	sbr.rel @p0 .LBB2_5-.Ltmp0, $2  }
0x6c: {  	_ =	sdelay $0x2  }
0x6d: {  	s2 =	sadd.s32 $0x1, s0  }
0x6e: {  	s10 =	sshll.u32 s2, $0x6  }
0x6f: {  	v19 =	vld [tilespmem:s10+$0x0];
	_ =	sdelay $0x4  }
0x70: {  	v20 =	vshll.u32 v19, $0x1  }
0x71: {  	v19 =	vand.u32 $0x7, v19;
	v20 =	vand.u32 $0xFFFFFFF0, v20  }
0x72: {  	v19 =	vor.u32 v19, v20  }
0x73: {  	v20 =	vperm.xlane v19, v0;
	_ =	sdelay $0x1  }
0x74: {  	v19 =	vperm.xlane v19, v2;
	v20 =	vadd.s32 v1, v20;
	_ =	sdelay $0x1  }
0x75: {  	s11 =	sshll.u32 s2, $0xE;
	v19 =	vadd.s32 v1, v19  }
0x76: {  	s11 =	sand.u32 $0x4000, s11  }
0x77: {  	s12 =	sor.u32 $0x2800, s11  }
0x78: {  	[tilespmem:s12], [sflag:$0x1] =	stream.indirect_vreg.gather [hbm4b:s1+s4], $0x80, v20, vm0, $0xb8;
	[tilespmem:$0x13D00] =	vst v63  }
0x79: {  	s12 =	sor.u32 $0x3000, s11  }
0x7a: {  	[tilespmem:s12], [sflag:$0x1] =	stream.indirect_vreg.gather [hbm4b:s1+s4], $0x80, v19, vm0, $0xb8;
	[tilespmem:$0x13D00] =	vst v63  }
0x7b: {  	v19 =	vld [tilespmem:s10+$0x10];
	_ =	sdelay $0x4  }
0x7c: {  	v20 =	vshll.u32 v19, $0x1  }
0x7d: {  	v19 =	vand.u32 $0x7, v19;
	v20 =	vand.u32 $0xFFFFFFF0, v20  }
0x7e: {  	v19 =	vor.u32 v19, v20  }
0x7f: {  	v20 =	vperm.xlane v19, v0;
	_ =	sdelay $0x1  }
0x80: {  	v19 =	vperm.xlane v19, v2;
	v20 =	vadd.s32 v1, v20;
	_ =	sdelay $0x1  }
0x81: {  	v19 =	vadd.s32 v1, v19;
	_ =	sdelay $0x1  }
0x82: {  	s12 =	sor.u32 $0x3800, s11  }
0x83: {  	[tilespmem:s12], [sflag:$0x1] =	stream.indirect_vreg.gather [hbm4b:s1+s4], $0x80, v20, vm0, $0xb8;
	[tilespmem:$0x13D00] =	vst v63  }
0x84: {  	s12 =	sadd.s32 $0x4000, s11  }
0x85: {  	[tilespmem:s12], [sflag:$0x1] =	stream.indirect_vreg.gather [hbm4b:s1+s4], $0x80, v19, vm0, $0xb8;
	[tilespmem:$0x13D00] =	vst v63  }
0x86: {  	v19 =	vld [tilespmem:s10+$0x20];
	_ =	sdelay $0x4  }
0x87: {  	v20 =	vshll.u32 v19, $0x1  }
0x88: {  	v19 =	vand.u32 $0x7, v19;
	v20 =	vand.u32 $0xFFFFFFF0, v20  }
0x89: {  	v19 =	vor.u32 v19, v20  }
0x8a: {  	v20 =	vperm.xlane v19, v0;
	_ =	sdelay $0x1  }
0x8b: {  	v19 =	vperm.xlane v19, v2;
	v20 =	vadd.s32 v1, v20;
	_ =	sdelay $0x1  }
0x8c: {  	v19 =	vadd.s32 v1, v19;
	_ =	sdelay $0x1  }
0x8d: {  	s12 =	sadd.s32 $0x4800, s11  }
0x8e: {  	[tilespmem:s12], [sflag:$0x1] =	stream.indirect_vreg.gather [hbm4b:s1+s4], $0x80, v20, vm0, $0xb8;
	[tilespmem:$0x13D00] =	vst v63  }
0x8f: {  	s12 =	sadd.s32 $0x5000, s11  }
0x90: {  	[tilespmem:s12], [sflag:$0x1] =	stream.indirect_vreg.gather [hbm4b:s1+s4], $0x80, v19, vm0, $0xb8;
	[tilespmem:$0x13D00] =	vst v63  }
0x91: {  	v19 =	vld [tilespmem:s10+$0x30];
	_ =	sdelay $0x4  }
0x92: {  	v20 =	vshll.u32 v19, $0x1  }
0x93: {  	v19 =	vand.u32 $0x7, v19;
	v20 =	vand.u32 $0xFFFFFFF0, v20  }
0x94: {  	v19 =	vor.u32 v19, v20  }
0x95: {  	v20 =	vperm.xlane v19, v0;
	_ =	sdelay $0x1  }
0x96: {  	v19 =	vperm.xlane v19, v2;
	v20 =	vadd.s32 v1, v20;
	_ =	sdelay $0x1  }
0x97: {  	v19 =	vadd.s32 v1, v19;
	_ =	sdelay $0x1  }
0x98: {  	s12 =	sadd.s32 $0x5800, s11  }
0x99: {  	[tilespmem:s12], [sflag:$0x1] =	stream.indirect_vreg.gather [hbm4b:s1+s4], $0x80, v20, vm0, $0xb8;
	[tilespmem:$0x13D00] =	vst v63  }
0x9a: {  	s12 =	sadd.s32 $0x6000, s11  }
0x9b: {  	[tilespmem:s12], [sflag:$0x1] =	stream.indirect_vreg.gather [hbm4b:s1+s4], $0x80, v19, vm0, $0xb8;
	[tilespmem:$0x13D00] =	vst v63  }
0x9c: {  	v19 =	vld [tilespmem:s10+$0x1400];
	_ =	sdelay $0x4  }
0x9d: {  	v20 =	vshll.u32 v19, $0x1  }
0x9e: {  	v19 =	vand.u32 $0x7, v19;
	v20 =	vand.u32 $0xFFFFFFF0, v20  }
0x9f: {  	v19 =	vor.u32 v19, v20  }
0xa0: {  	v20 =	vperm.xlane v19, v0;
	_ =	sdelay $0x1  }
0xa1: {  	v19 =	vperm.xlane v19, v2;
	v20 =	vadd.s32 v1, v20;
	_ =	sdelay $0x1  }
0xa2: {  	v19 =	vadd.s32 v1, v19;
	_ =	sdelay $0x1  }
0xa3: {  	s12 =	sor.u32 $0xA800, s11  }
0xa4: {  	[tilespmem:s12], [sflag:$0x2] =	stream.indirect_vreg.gather [hbm4b:s3+s4], $0x80, v20, vm0, $0xb8;
	[tilespmem:$0x13D00] =	vst v63  }
0xa5: {  	s12 =	sor.u32 $0xB000, s11  }
0xa6: {  	[tilespmem:s12], [sflag:$0x2] =	stream.indirect_vreg.gather [hbm4b:s3+s4], $0x80, v19, vm0, $0xb8;
	[tilespmem:$0x13D00] =	vst v63  }
0xa7: {  	v19 =	vld [tilespmem:s10+$0x1410];
	_ =	sdelay $0x4  }
0xa8: {  	v20 =	vshll.u32 v19, $0x1  }
0xa9: {  	v19 =	vand.u32 $0x7, v19;
	v20 =	vand.u32 $0xFFFFFFF0, v20  }
0xaa: {  	v19 =	vor.u32 v19, v20  }
0xab: {  	v20 =	vperm.xlane v19, v0;
	_ =	sdelay $0x1  }
0xac: {  	v19 =	vperm.xlane v19, v2;
	v20 =	vadd.s32 v1, v20;
	_ =	sdelay $0x1  }
0xad: {  	v19 =	vadd.s32 v1, v19;
	_ =	sdelay $0x1  }
0xae: {  	s12 =	sor.u32 $0xB800, s11  }
0xaf: {  	[tilespmem:s12], [sflag:$0x2] =	stream.indirect_vreg.gather [hbm4b:s3+s4], $0x80, v20, vm0, $0xb8;
	[tilespmem:$0x13D00] =	vst v63  }
0xb0: {  	s12 =	sadd.s32 $0xC000, s11  }
0xb1: {  	[tilespmem:s12], [sflag:$0x2] =	stream.indirect_vreg.gather [hbm4b:s3+s4], $0x80, v19, vm0, $0xb8;
	[tilespmem:$0x13D00] =	vst v63  }
0xb2: {  	v19 =	vld [tilespmem:s10+$0x1420];
	_ =	sdelay $0x4  }
0xb3: {  	v20 =	vshll.u32 v19, $0x1  }
0xb4: {  	v19 =	vand.u32 $0x7, v19;
	v20 =	vand.u32 $0xFFFFFFF0, v20  }
0xb5: {  	v19 =	vor.u32 v19, v20  }
0xb6: {  	v20 =	vperm.xlane v19, v0;
	_ =	sdelay $0x1  }
0xb7: {  	v19 =	vperm.xlane v19, v2;
	v20 =	vadd.s32 v1, v20;
	_ =	sdelay $0x1  }
0xb8: {  	v19 =	vadd.s32 v1, v19;
	_ =	sdelay $0x1  }
0xb9: {  	s12 =	sadd.s32 $0xC800, s11  }
0xba: {  	[tilespmem:s12], [sflag:$0x2] =	stream.indirect_vreg.gather [hbm4b:s3+s4], $0x80, v20, vm0, $0xb8;
	[tilespmem:$0x13D00] =	vst v63  }
0xbb: {  	s12 =	sadd.s32 $0xD000, s11  }
0xbc: {  	[tilespmem:s12], [sflag:$0x2] =	stream.indirect_vreg.gather [hbm4b:s3+s4], $0x80, v19, vm0, $0xb8;
	[tilespmem:$0x13D00] =	vst v63  }
0xbd: {  	v19 =	vld [tilespmem:s10+$0x1430];
	_ =	sdelay $0x4  }
0xbe: {  	v20 =	vshll.u32 v19, $0x1  }
0xbf: {  	v19 =	vand.u32 $0x7, v19;
	v20 =	vand.u32 $0xFFFFFFF0, v20  }
0xc0: {  	v19 =	vor.u32 v19, v20  }
0xc1: {  	v20 =	vperm.xlane v19, v0;
	_ =	sdelay $0x1  }
0xc2: {  	v19 =	vperm.xlane v19, v2;
	v20 =	vadd.s32 v1, v20;
	_ =	sdelay $0x1  }
0xc3: {  	v19 =	vadd.s32 v1, v19;
	_ =	sdelay $0x1  }
0xc4: {  	s12 =	sadd.s32 $0xD800, s11  }
0xc5: {  	[tilespmem:s12], [sflag:$0x2] =	stream.indirect_vreg.gather [hbm4b:s3+s4], $0x80, v20, vm0, $0xb8;
	[tilespmem:$0x13D00] =	vst v63  }
0xc6: {  	s12 =	sadd.s32 $0xE000, s11  }
0xc7: {  	[tilespmem:s12], [sflag:$0x2] =	stream.indirect_vreg.gather [hbm4b:s3+s4], $0x80, v19, vm0, $0xb8;
	[tilespmem:$0x13D00] =	vst v63  }
.LBB2_5:
0xc8: {  	_ =	swait.ge [sflag:s28], $0x4000  }
0xc9: {  	[sflag:s28] =	ssyncset.done $0x0  }
0xca: {  	s0 =	sshll.u32 s0, $0x6;
	[sflag:s28] =	ssyncadd.s32 $0xFFFFC000  }
0xcb: {  	s10 =	sand.u32 $0x3FFFFFC0, s0;
	_ =	swait.ge [sflag:s29], $0x4000  }
0xcc: {  	s11 =	sadd.s32 $0x12800, s10;
	[sflag:s29] =	ssyncset.done $0x0  }
0xcd: {  	s0 =	sand.u32 $0x40, s0;
	s10 =	simm.s32 $0x0;
	v19 =	vmov s11;
	[sflag:s29] =	ssyncadd.s32 $0xFFFFC000  }
.LBB2_6:
0xce: {  	s11 =	sshll.u32 s10, $0x4  }
0xcf: {  	s12 =	sor.u32 s0, s11  }
0xd0: {  	s12 =	sshll.u32 s12, $0x8  }
0xd1: {  	v20 =	vld [tilespmem:s12+$0x2800]  }
0xd2: {  	v21 =	vld [tilespmem:s12+$0xA800]  }
0xd3: {  	v22 =	vld [tilespmem:s12+$0x2810]  }
0xd4: {  	v23 =	vld [tilespmem:s12+$0xA810]  }
0xd5: {  	v24 =	vld [tilespmem:s12+$0x2820]  }
0xd6: {  	v25 =	vld [tilespmem:s12+$0xA820]  }
0xd7: {  	v26 =	vld [tilespmem:s12+$0x2830]  }
0xd8: {  	v27 =	vld [tilespmem:s12+$0xA830]  }
0xd9: {  	v39 =	vld [tilespmem:s12+$0x2840];
	v20 =	vmul.f32 v21, v20;
	v38 =	vmul.f32 v23, v22  }
0xda: {  	v40 =	vld [tilespmem:s12+$0xA840]  }
0xdb: {  	v42 =	vld [tilespmem:s12+$0x2850];
	v41 =	vmul.f32 v25, v24;
	v20 =	vadd.f32 v38, v20  }
0xdc: {  	v43 =	vld [tilespmem:s12+$0xA850]  }
0xdd: {  	v45 =	vld [tilespmem:s12+$0x2860];
	v44 =	vmul.f32 v27, v26;
	v20 =	vadd.f32 v41, v20  }
0xde: {  	v46 =	vld [tilespmem:s12+$0xA860]  }
0xdf: {  	v48 =	vld [tilespmem:s12+$0x2870];
	v47 =	vmul.f32 v40, v39;
	v20 =	vadd.f32 v44, v20  }
0xe0: {  	v49 =	vld [tilespmem:s12+$0xA870]  }
0xe1: {  	v51 =	vld [tilespmem:s12+$0x2C00];
	v50 =	vmul.f32 v43, v42;
	v20 =	vadd.f32 v47, v20  }
0xe2: {  	v52 =	vld [tilespmem:s12+$0xAC00]  }
0xe3: {  	v54 =	vld [tilespmem:s12+$0x2C10];
	v53 =	vmul.f32 v46, v45;
	v20 =	vadd.f32 v50, v20  }
0xe4: {  	v55 =	vld [tilespmem:s12+$0xAC10]  }
0xe5: {  	v57 =	vld [tilespmem:s12+$0x2C20];
	v56 =	vmul.f32 v49, v48;
	v20 =	vadd.f32 v53, v20  }
0xe6: {  	v58 =	vld [tilespmem:s12+$0xAC20]  }
0xe7: {  	v60 =	vld [tilespmem:s12+$0x2C30];
	v59 =	vmul.f32 v52, v51;
	v20 =	vadd.f32 v56, v20  }
0xe8: {  	v61 =	vld [tilespmem:s12+$0xAC30]  }
0xe9: {  	v63 =	vld [tilespmem:s12+$0x2C40];
	v62 =	vmul.f32 v55, v54;
	v20 =	vadd.f32 v59, v20  }
0xea: {  	v30 =	vld [tilespmem:s12+$0xAC40]  }
0xeb: {  	v32 =	vld [tilespmem:s12+$0x2C50];
	v31 =	vmul.f32 v58, v57;
	v20 =	vadd.f32 v62, v20  }
0xec: {  	v33 =	vld [tilespmem:s12+$0xAC50]  }
0xed: {  	v35 =	vld [tilespmem:s12+$0x2C60];
	v34 =	vmul.f32 v61, v60;
	v20 =	vadd.f32 v31, v20  }
0xee: {  	v36 =	vld [tilespmem:s12+$0xAC60]  }
0xef: {  	v37 =	vmul.f32 v30, v63;
	v39 =	vld [tilespmem:s12+$0xAC70];
	v20 =	vadd.f32 v34, v20  }
0xf0: {  	v38 =	vld [tilespmem:s12+$0x2C70]  }
0xf1: {  	v40 =	vmul.f32 v33, v32;
	v20 =	vadd.f32 v37, v20;
	_ =	sdelay $0x1  }
0xf2: {  	v41 =	vmul.f32 v36, v35;
	v20 =	vadd.f32 v40, v20;
	_ =	sdelay $0x1  }
0xf3: {  	v42 =	vmul.f32 v39, v38;
	v20 =	vadd.f32 v41, v20;
	_ =	sdelay $0x1  }
0xf4: {  	v20 =	vadd.f32 v42, v20;
	_ =	sdelay $0x1  }
0xf5: {  	[tilespmem:v3+s30+$0x0] =	vst.idx.msk $0xffff, v20  }
0xf6: {  	v20 =	vld [tilespmem:s12+$0x2880]  }
0xf7: {  	v43 =	vld [tilespmem:s12+$0xA880]  }
0xf8: {  	v44 =	vld [tilespmem:s12+$0x2890]  }
0xf9: {  	v45 =	vld [tilespmem:s12+$0xA890]  }
0xfa: {  	v46 =	vld [tilespmem:s12+$0x28A0]  }
0xfb: {  	v47 =	vld [tilespmem:s12+$0xA8A0]  }
0xfc: {  	v48 =	vld [tilespmem:s12+$0x28B0]  }
0xfd: {  	v49 =	vld [tilespmem:s12+$0xA8B0]  }
0xfe: {  	v51 =	vld [tilespmem:s12+$0x28C0];
	v20 =	vmul.f32 v43, v20;
	v50 =	vmul.f32 v45, v44  }
0xff: {  	v52 =	vld [tilespmem:s12+$0xA8C0]  }
0x100: {  	v54 =	vld [tilespmem:s12+$0x28D0];
	v53 =	vmul.f32 v47, v46;
	v20 =	vadd.f32 v50, v20  }
0x101: {  	v55 =	vld [tilespmem:s12+$0xA8D0]  }
0x102: {  	v57 =	vld [tilespmem:s12+$0x28E0];
	v56 =	vmul.f32 v49, v48;
	v20 =	vadd.f32 v53, v20  }
0x103: {  	v58 =	vld [tilespmem:s12+$0xA8E0]  }
0x104: {  	v60 =	vld [tilespmem:s12+$0x28F0];
	v59 =	vmul.f32 v52, v51;
	v20 =	vadd.f32 v56, v20  }
0x105: {  	v61 =	vld [tilespmem:s12+$0xA8F0]  }
0x106: {  	v63 =	vld [tilespmem:s12+$0x2C80];
	v62 =	vmul.f32 v55, v54;
	v20 =	vadd.f32 v59, v20  }
0x107: {  	v30 =	vld [tilespmem:s12+$0xAC80]  }
0x108: {  	v32 =	vld [tilespmem:s12+$0x2C90];
	v31 =	vmul.f32 v58, v57;
	v20 =	vadd.f32 v62, v20  }
0x109: {  	v33 =	vld [tilespmem:s12+$0xAC90]  }
0x10a: {  	v35 =	vld [tilespmem:s12+$0x2CA0];
	v34 =	vmul.f32 v61, v60;
	v20 =	vadd.f32 v31, v20  }
0x10b: {  	v36 =	vld [tilespmem:s12+$0xACA0]  }
0x10c: {  	v38 =	vld [tilespmem:s12+$0x2CB0];
	v37 =	vmul.f32 v30, v63;
	v20 =	vadd.f32 v34, v20  }
0x10d: {  	v39 =	vld [tilespmem:s12+$0xACB0]  }
0x10e: {  	v41 =	vld [tilespmem:s12+$0x2CC0];
	v40 =	vmul.f32 v33, v32;
	v20 =	vadd.f32 v37, v20  }
0x10f: {  	v42 =	vld [tilespmem:s12+$0xACC0]  }
0x110: {  	v43 =	vmul.f32 v36, v35;
	v44 =	vld [tilespmem:s12+$0x2CD0];
	v20 =	vadd.f32 v40, v20  }
0x111: {  	v45 =	vld [tilespmem:s12+$0xACD0]  }
0x112: {  	v46 =	vmul.f32 v39, v38;
	v47 =	vld [tilespmem:s12+$0x2CE0];
	v20 =	vadd.f32 v43, v20  }
0x113: {  	v48 =	vld [tilespmem:s12+$0xACE0]  }
0x114: {  	v49 =	vmul.f32 v42, v41;
	v51 =	vld [tilespmem:s12+$0xACF0];
	v20 =	vadd.f32 v46, v20  }
0x115: {  	v50 =	vld [tilespmem:s12+$0x2CF0]  }
0x116: {  	v52 =	vmul.f32 v45, v44;
	v20 =	vadd.f32 v49, v20;
	_ =	sdelay $0x1  }
0x117: {  	v53 =	vmul.f32 v48, v47;
	v20 =	vadd.f32 v52, v20;
	_ =	sdelay $0x1  }
0x118: {  	v54 =	vmul.f32 v51, v50;
	v20 =	vadd.f32 v53, v20;
	_ =	sdelay $0x1  }
0x119: {  	v20 =	vadd.f32 v54, v20;
	_ =	sdelay $0x1  }
0x11a: {  	[tilespmem:v4+s30+$0x0] =	vst.idx.msk $0xffff, v20  }
0x11b: {  	v20 =	vld [tilespmem:s12+$0x2900]  }
0x11c: {  	v55 =	vld [tilespmem:s12+$0xA900]  }
0x11d: {  	v56 =	vld [tilespmem:s12+$0x2910]  }
0x11e: {  	v57 =	vld [tilespmem:s12+$0xA910]  }
0x11f: {  	v58 =	vld [tilespmem:s12+$0x2920]  }
0x120: {  	v59 =	vld [tilespmem:s12+$0xA920]  }
0x121: {  	v60 =	vld [tilespmem:s12+$0x2930]  }
0x122: {  	v61 =	vld [tilespmem:s12+$0xA930]  }
0x123: {  	v63 =	vld [tilespmem:s12+$0x2940];
	v20 =	vmul.f32 v55, v20;
	v62 =	vmul.f32 v57, v56  }
0x124: {  	v30 =	vld [tilespmem:s12+$0xA940]  }
0x125: {  	v32 =	vld [tilespmem:s12+$0x2950];
	v31 =	vmul.f32 v59, v58;
	v20 =	vadd.f32 v62, v20  }
0x126: {  	v33 =	vld [tilespmem:s12+$0xA950]  }
0x127: {  	v35 =	vld [tilespmem:s12+$0x2960];
	v34 =	vmul.f32 v61, v60;
	v20 =	vadd.f32 v31, v20  }
0x128: {  	v36 =	vld [tilespmem:s12+$0xA960]  }
0x129: {  	v38 =	vld [tilespmem:s12+$0x2970];
	v37 =	vmul.f32 v30, v63;
	v20 =	vadd.f32 v34, v20  }
0x12a: {  	v39 =	vld [tilespmem:s12+$0xA970]  }
0x12b: {  	v41 =	vld [tilespmem:s12+$0x2D00];
	v40 =	vmul.f32 v33, v32;
	v20 =	vadd.f32 v37, v20  }
0x12c: {  	v42 =	vld [tilespmem:s12+$0xAD00]  }
0x12d: {  	v44 =	vld [tilespmem:s12+$0x2D10];
	v43 =	vmul.f32 v36, v35;
	v20 =	vadd.f32 v40, v20  }
0x12e: {  	v45 =	vld [tilespmem:s12+$0xAD10]  }
0x12f: {  	v47 =	vld [tilespmem:s12+$0x2D20];
	v46 =	vmul.f32 v39, v38;
	v20 =	vadd.f32 v43, v20  }
0x130: {  	v48 =	vld [tilespmem:s12+$0xAD20]  }
0x131: {  	v50 =	vld [tilespmem:s12+$0x2D30];
	v49 =	vmul.f32 v42, v41;
	v20 =	vadd.f32 v46, v20  }
0x132: {  	v51 =	vld [tilespmem:s12+$0xAD30]  }
0x133: {  	v53 =	vld [tilespmem:s12+$0x2D40];
	v52 =	vmul.f32 v45, v44;
	v20 =	vadd.f32 v49, v20  }
0x134: {  	v54 =	vld [tilespmem:s12+$0xAD40]  }
0x135: {  	v55 =	vmul.f32 v48, v47;
	v56 =	vld [tilespmem:s12+$0x2D50];
	v20 =	vadd.f32 v52, v20  }
0x136: {  	v57 =	vld [tilespmem:s12+$0xAD50]  }
0x137: {  	v58 =	vmul.f32 v51, v50;
	v59 =	vld [tilespmem:s12+$0x2D60];
	v20 =	vadd.f32 v55, v20  }
0x138: {  	v60 =	vld [tilespmem:s12+$0xAD60]  }
0x139: {  	v61 =	vmul.f32 v54, v53;
	v63 =	vld [tilespmem:s12+$0xAD70];
	v20 =	vadd.f32 v58, v20  }
0x13a: {  	v62 =	vld [tilespmem:s12+$0x2D70]  }
0x13b: {  	v28 =	vmul.f32 v57, v56;
	v20 =	vadd.f32 v61, v20;
	_ =	sdelay $0x1  }
0x13c: {  	v29 =	vmul.f32 v60, v59;
	v20 =	vadd.f32 v28, v20;
	_ =	sdelay $0x1  }
0x13d: {  	v30 =	vmul.f32 v63, v62;
	v20 =	vadd.f32 v29, v20;
	_ =	sdelay $0x1  }
0x13e: {  	v20 =	vadd.f32 v30, v20;
	_ =	sdelay $0x1  }
0x13f: {  	[tilespmem:v5+s30+$0x0] =	vst.idx.msk $0xffff, v20  }
0x140: {  	v20 =	vld [tilespmem:s12+$0x2980]  }
0x141: {  	v31 =	vld [tilespmem:s12+$0xA980]  }
0x142: {  	v32 =	vld [tilespmem:s12+$0x2990]  }
0x143: {  	v33 =	vld [tilespmem:s12+$0xA990]  }
0x144: {  	v34 =	vld [tilespmem:s12+$0x29A0]  }
0x145: {  	v35 =	vld [tilespmem:s12+$0xA9A0]  }
0x146: {  	v36 =	vld [tilespmem:s12+$0x29B0]  }
0x147: {  	v37 =	vld [tilespmem:s12+$0xA9B0]  }
0x148: {  	v39 =	vld [tilespmem:s12+$0x29C0];
	v20 =	vmul.f32 v31, v20;
	v38 =	vmul.f32 v33, v32  }
0x149: {  	v40 =	vld [tilespmem:s12+$0xA9C0]  }
0x14a: {  	v42 =	vld [tilespmem:s12+$0x29D0];
	v41 =	vmul.f32 v35, v34;
	v20 =	vadd.f32 v38, v20  }
0x14b: {  	v43 =	vld [tilespmem:s12+$0xA9D0]  }
0x14c: {  	v45 =	vld [tilespmem:s12+$0x29E0];
	v44 =	vmul.f32 v37, v36;
	v20 =	vadd.f32 v41, v20  }
0x14d: {  	v46 =	vld [tilespmem:s12+$0xA9E0]  }
0x14e: {  	v48 =	vld [tilespmem:s12+$0x29F0];
	v47 =	vmul.f32 v40, v39;
	v20 =	vadd.f32 v44, v20  }
0x14f: {  	v49 =	vld [tilespmem:s12+$0xA9F0]  }
0x150: {  	v51 =	vld [tilespmem:s12+$0x2D80];
	v50 =	vmul.f32 v43, v42;
	v20 =	vadd.f32 v47, v20  }
0x151: {  	v52 =	vld [tilespmem:s12+$0xAD80]  }
0x152: {  	v54 =	vld [tilespmem:s12+$0x2D90];
	v53 =	vmul.f32 v46, v45;
	v20 =	vadd.f32 v50, v20  }
0x153: {  	v55 =	vld [tilespmem:s12+$0xAD90]  }
0x154: {  	v57 =	vld [tilespmem:s12+$0x2DA0];
	v56 =	vmul.f32 v49, v48;
	v20 =	vadd.f32 v53, v20  }
0x155: {  	v58 =	vld [tilespmem:s12+$0xADA0]  }
0x156: {  	v60 =	vld [tilespmem:s12+$0x2DB0];
	v59 =	vmul.f32 v52, v51;
	v20 =	vadd.f32 v56, v20  }
0x157: {  	v61 =	vld [tilespmem:s12+$0xADB0]  }
0x158: {  	v63 =	vld [tilespmem:s12+$0x2DC0];
	v62 =	vmul.f32 v55, v54;
	v20 =	vadd.f32 v59, v20  }
0x159: {  	v30 =	vld [tilespmem:s12+$0xADC0]  }
0x15a: {  	v31 =	vmul.f32 v58, v57;
	v32 =	vld [tilespmem:s12+$0x2DD0];
	v20 =	vadd.f32 v62, v20  }
0x15b: {  	v33 =	vld [tilespmem:s12+$0xADD0]  }
0x15c: {  	v34 =	vmul.f32 v61, v60;
	v35 =	vld [tilespmem:s12+$0x2DE0];
	v20 =	vadd.f32 v31, v20  }
0x15d: {  	v36 =	vld [tilespmem:s12+$0xADE0]  }
0x15e: {  	v37 =	vmul.f32 v30, v63;
	v39 =	vld [tilespmem:s12+$0xADF0];
	v20 =	vadd.f32 v34, v20  }
0x15f: {  	v38 =	vld [tilespmem:s12+$0x2DF0]  }
0x160: {  	v40 =	vmul.f32 v33, v32;
	v20 =	vadd.f32 v37, v20;
	_ =	sdelay $0x1  }
0x161: {  	v41 =	vmul.f32 v36, v35;
	v20 =	vadd.f32 v40, v20;
	_ =	sdelay $0x1  }
0x162: {  	v42 =	vmul.f32 v39, v38;
	v20 =	vadd.f32 v41, v20;
	_ =	sdelay $0x1  }
0x163: {  	v20 =	vadd.f32 v42, v20;
	_ =	sdelay $0x1  }
0x164: {  	[tilespmem:v6+s30+$0x0] =	vst.idx.msk $0xffff, v20  }
0x165: {  	v20 =	vld [tilespmem:s12+$0x2A00]  }
0x166: {  	v43 =	vld [tilespmem:s12+$0xAA00]  }
0x167: {  	v44 =	vld [tilespmem:s12+$0x2A10]  }
0x168: {  	v45 =	vld [tilespmem:s12+$0xAA10]  }
0x169: {  	v46 =	vld [tilespmem:s12+$0x2A20]  }
0x16a: {  	v47 =	vld [tilespmem:s12+$0xAA20]  }
0x16b: {  	v48 =	vld [tilespmem:s12+$0x2A30]  }
0x16c: {  	v49 =	vld [tilespmem:s12+$0xAA30]  }
0x16d: {  	v51 =	vld [tilespmem:s12+$0x2A40];
	v20 =	vmul.f32 v43, v20;
	v50 =	vmul.f32 v45, v44  }
0x16e: {  	v52 =	vld [tilespmem:s12+$0xAA40]  }
0x16f: {  	v54 =	vld [tilespmem:s12+$0x2A50];
	v53 =	vmul.f32 v47, v46;
	v20 =	vadd.f32 v50, v20  }
0x170: {  	v55 =	vld [tilespmem:s12+$0xAA50]  }
0x171: {  	v57 =	vld [tilespmem:s12+$0x2A60];
	v56 =	vmul.f32 v49, v48;
	v20 =	vadd.f32 v53, v20  }
0x172: {  	v58 =	vld [tilespmem:s12+$0xAA60]  }
0x173: {  	v60 =	vld [tilespmem:s12+$0x2A70];
	v59 =	vmul.f32 v52, v51;
	v20 =	vadd.f32 v56, v20  }
0x174: {  	v61 =	vld [tilespmem:s12+$0xAA70]  }
0x175: {  	v63 =	vld [tilespmem:s12+$0x2E00];
	v62 =	vmul.f32 v55, v54;
	v20 =	vadd.f32 v59, v20  }
0x176: {  	v30 =	vld [tilespmem:s12+$0xAE00]  }
0x177: {  	v32 =	vld [tilespmem:s12+$0x2E10];
	v31 =	vmul.f32 v58, v57;
	v20 =	vadd.f32 v62, v20  }
0x178: {  	v33 =	vld [tilespmem:s12+$0xAE10]  }
0x179: {  	v35 =	vld [tilespmem:s12+$0x2E20];
	v34 =	vmul.f32 v61, v60;
	v20 =	vadd.f32 v31, v20  }
0x17a: {  	v36 =	vld [tilespmem:s12+$0xAE20]  }
0x17b: {  	v38 =	vld [tilespmem:s12+$0x2E30];
	v37 =	vmul.f32 v30, v63;
	v20 =	vadd.f32 v34, v20  }
0x17c: {  	v39 =	vld [tilespmem:s12+$0xAE30]  }
0x17d: {  	v41 =	vld [tilespmem:s12+$0x2E40];
	v40 =	vmul.f32 v33, v32;
	v20 =	vadd.f32 v37, v20  }
0x17e: {  	v42 =	vld [tilespmem:s12+$0xAE40]  }
0x17f: {  	v43 =	vmul.f32 v36, v35;
	v44 =	vld [tilespmem:s12+$0x2E50];
	v20 =	vadd.f32 v40, v20  }
0x180: {  	v45 =	vld [tilespmem:s12+$0xAE50]  }
0x181: {  	v46 =	vmul.f32 v39, v38;
	v47 =	vld [tilespmem:s12+$0x2E60];
	v20 =	vadd.f32 v43, v20  }
0x182: {  	v48 =	vld [tilespmem:s12+$0xAE60]  }
0x183: {  	v49 =	vmul.f32 v42, v41;
	v51 =	vld [tilespmem:s12+$0xAE70];
	v20 =	vadd.f32 v46, v20  }
0x184: {  	v50 =	vld [tilespmem:s12+$0x2E70]  }
0x185: {  	v52 =	vmul.f32 v45, v44;
	v20 =	vadd.f32 v49, v20;
	_ =	sdelay $0x1  }
0x186: {  	v53 =	vmul.f32 v48, v47;
	v20 =	vadd.f32 v52, v20;
	_ =	sdelay $0x1  }
0x187: {  	v54 =	vmul.f32 v51, v50;
	v20 =	vadd.f32 v53, v20;
	_ =	sdelay $0x1  }
0x188: {  	v20 =	vadd.f32 v54, v20;
	_ =	sdelay $0x1  }
0x189: {  	[tilespmem:v7+s30+$0x0] =	vst.idx.msk $0xffff, v20  }
0x18a: {  	v20 =	vld [tilespmem:s12+$0x2A80]  }
0x18b: {  	v55 =	vld [tilespmem:s12+$0xAA80]  }
0x18c: {  	v56 =	vld [tilespmem:s12+$0x2A90]  }
0x18d: {  	v57 =	vld [tilespmem:s12+$0xAA90]  }
0x18e: {  	v58 =	vld [tilespmem:s12+$0x2AA0]  }
0x18f: {  	v59 =	vld [tilespmem:s12+$0xAAA0]  }
0x190: {  	v60 =	vld [tilespmem:s12+$0x2AB0]  }
0x191: {  	v61 =	vld [tilespmem:s12+$0xAAB0]  }
0x192: {  	v63 =	vld [tilespmem:s12+$0x2AC0];
	v20 =	vmul.f32 v55, v20;
	v62 =	vmul.f32 v57, v56  }
0x193: {  	v30 =	vld [tilespmem:s12+$0xAAC0]  }
0x194: {  	v32 =	vld [tilespmem:s12+$0x2AD0];
	v31 =	vmul.f32 v59, v58;
	v20 =	vadd.f32 v62, v20  }
0x195: {  	v33 =	vld [tilespmem:s12+$0xAAD0]  }
0x196: {  	v35 =	vld [tilespmem:s12+$0x2AE0];
	v34 =	vmul.f32 v61, v60;
	v20 =	vadd.f32 v31, v20  }
0x197: {  	v36 =	vld [tilespmem:s12+$0xAAE0]  }
0x198: {  	v38 =	vld [tilespmem:s12+$0x2AF0];
	v37 =	vmul.f32 v30, v63;
	v20 =	vadd.f32 v34, v20  }
0x199: {  	v39 =	vld [tilespmem:s12+$0xAAF0]  }
0x19a: {  	v41 =	vld [tilespmem:s12+$0x2E80];
	v40 =	vmul.f32 v33, v32;
	v20 =	vadd.f32 v37, v20  }
0x19b: {  	v42 =	vld [tilespmem:s12+$0xAE80]  }
0x19c: {  	v44 =	vld [tilespmem:s12+$0x2E90];
	v43 =	vmul.f32 v36, v35;
	v20 =	vadd.f32 v40, v20  }
0x19d: {  	v45 =	vld [tilespmem:s12+$0xAE90]  }
0x19e: {  	v47 =	vld [tilespmem:s12+$0x2EA0];
	v46 =	vmul.f32 v39, v38;
	v20 =	vadd.f32 v43, v20  }
0x19f: {  	v48 =	vld [tilespmem:s12+$0xAEA0]  }
0x1a0: {  	v50 =	vld [tilespmem:s12+$0x2EB0];
	v49 =	vmul.f32 v42, v41;
	v20 =	vadd.f32 v46, v20  }
0x1a1: {  	v51 =	vld [tilespmem:s12+$0xAEB0]  }
0x1a2: {  	v53 =	vld [tilespmem:s12+$0x2EC0];
	v52 =	vmul.f32 v45, v44;
	v20 =	vadd.f32 v49, v20  }
0x1a3: {  	v54 =	vld [tilespmem:s12+$0xAEC0]  }
0x1a4: {  	v55 =	vmul.f32 v48, v47;
	v56 =	vld [tilespmem:s12+$0x2ED0];
	v20 =	vadd.f32 v52, v20  }
0x1a5: {  	v57 =	vld [tilespmem:s12+$0xAED0]  }
0x1a6: {  	v58 =	vmul.f32 v51, v50;
	v59 =	vld [tilespmem:s12+$0x2EE0];
	v20 =	vadd.f32 v55, v20  }
0x1a7: {  	v60 =	vld [tilespmem:s12+$0xAEE0]  }
0x1a8: {  	v61 =	vmul.f32 v54, v53;
	v63 =	vld [tilespmem:s12+$0xAEF0];
	v20 =	vadd.f32 v58, v20  }
0x1a9: {  	v62 =	vld [tilespmem:s12+$0x2EF0]  }
0x1aa: {  	v30 =	vmul.f32 v57, v56;
	v20 =	vadd.f32 v61, v20;
	_ =	sdelay $0x1  }
0x1ab: {  	v31 =	vmul.f32 v60, v59;
	v20 =	vadd.f32 v30, v20;
	_ =	sdelay $0x1  }
0x1ac: {  	v32 =	vmul.f32 v63, v62;
	v20 =	vadd.f32 v31, v20;
	_ =	sdelay $0x1  }
0x1ad: {  	v20 =	vadd.f32 v32, v20;
	_ =	sdelay $0x1  }
0x1ae: {  	[tilespmem:v8+s30+$0x0] =	vst.idx.msk $0xffff, v20  }
0x1af: {  	v20 =	vld [tilespmem:s12+$0x2B00]  }
0x1b0: {  	v33 =	vld [tilespmem:s12+$0xAB00]  }
0x1b1: {  	v34 =	vld [tilespmem:s12+$0x2B10]  }
0x1b2: {  	v35 =	vld [tilespmem:s12+$0xAB10]  }
0x1b3: {  	v36 =	vld [tilespmem:s12+$0x2B20]  }
0x1b4: {  	v37 =	vld [tilespmem:s12+$0xAB20]  }
0x1b5: {  	v38 =	vld [tilespmem:s12+$0x2B30]  }
0x1b6: {  	v39 =	vld [tilespmem:s12+$0xAB30]  }
0x1b7: {  	v41 =	vld [tilespmem:s12+$0x2B40];
	v20 =	vmul.f32 v33, v20;
	v40 =	vmul.f32 v35, v34  }
0x1b8: {  	v42 =	vld [tilespmem:s12+$0xAB40]  }
0x1b9: {  	v44 =	vld [tilespmem:s12+$0x2B50];
	v43 =	vmul.f32 v37, v36;
	v20 =	vadd.f32 v40, v20  }
0x1ba: {  	v45 =	vld [tilespmem:s12+$0xAB50]  }
0x1bb: {  	v47 =	vld [tilespmem:s12+$0x2B60];
	v46 =	vmul.f32 v39, v38;
	v20 =	vadd.f32 v43, v20  }
0x1bc: {  	v48 =	vld [tilespmem:s12+$0xAB60]  }
0x1bd: {  	v50 =	vld [tilespmem:s12+$0x2B70];
	v49 =	vmul.f32 v42, v41;
	v20 =	vadd.f32 v46, v20  }
0x1be: {  	v51 =	vld [tilespmem:s12+$0xAB70]  }
0x1bf: {  	v53 =	vld [tilespmem:s12+$0x2F00];
	v52 =	vmul.f32 v45, v44;
	v20 =	vadd.f32 v49, v20  }
0x1c0: {  	v54 =	vld [tilespmem:s12+$0xAF00]  }
0x1c1: {  	v56 =	vld [tilespmem:s12+$0x2F10];
	v55 =	vmul.f32 v48, v47;
	v20 =	vadd.f32 v52, v20  }
0x1c2: {  	v57 =	vld [tilespmem:s12+$0xAF10]  }
0x1c3: {  	v59 =	vld [tilespmem:s12+$0x2F20];
	v58 =	vmul.f32 v51, v50;
	v20 =	vadd.f32 v55, v20  }
0x1c4: {  	v60 =	vld [tilespmem:s12+$0xAF20]  }
0x1c5: {  	v62 =	vld [tilespmem:s12+$0x2F30];
	v61 =	vmul.f32 v54, v53;
	v20 =	vadd.f32 v58, v20  }
0x1c6: {  	v63 =	vld [tilespmem:s12+$0xAF30]  }
0x1c7: {  	v31 =	vld [tilespmem:s12+$0x2F40];
	v30 =	vmul.f32 v57, v56;
	v20 =	vadd.f32 v61, v20  }
0x1c8: {  	v32 =	vld [tilespmem:s12+$0xAF40]  }
0x1c9: {  	v33 =	vmul.f32 v60, v59;
	v34 =	vld [tilespmem:s12+$0x2F50];
	v20 =	vadd.f32 v30, v20  }
0x1ca: {  	v35 =	vld [tilespmem:s12+$0xAF50]  }
0x1cb: {  	v36 =	vmul.f32 v63, v62;
	v37 =	vld [tilespmem:s12+$0x2F60];
	v20 =	vadd.f32 v33, v20  }
0x1cc: {  	v38 =	vld [tilespmem:s12+$0xAF60]  }
0x1cd: {  	v39 =	vmul.f32 v32, v31;
	v41 =	vld [tilespmem:s12+$0xAF70];
	v20 =	vadd.f32 v36, v20  }
0x1ce: {  	v40 =	vld [tilespmem:s12+$0x2F70]  }
0x1cf: {  	v42 =	vmul.f32 v35, v34;
	v20 =	vadd.f32 v39, v20;
	_ =	sdelay $0x1  }
0x1d0: {  	v43 =	vmul.f32 v38, v37;
	v20 =	vadd.f32 v42, v20;
	_ =	sdelay $0x1  }
0x1d1: {  	v44 =	vmul.f32 v41, v40;
	v20 =	vadd.f32 v43, v20;
	_ =	sdelay $0x1  }
0x1d2: {  	v20 =	vadd.f32 v44, v20;
	_ =	sdelay $0x1  }
0x1d3: {  	[tilespmem:v9+s30+$0x0] =	vst.idx.msk $0xffff, v20  }
0x1d4: {  	v20 =	vld [tilespmem:s12+$0x2B80]  }
0x1d5: {  	v45 =	vld [tilespmem:s12+$0xAB80]  }
0x1d6: {  	v46 =	vld [tilespmem:s12+$0x2B90]  }
0x1d7: {  	v47 =	vld [tilespmem:s12+$0xAB90]  }
0x1d8: {  	v48 =	vld [tilespmem:s12+$0x2BA0]  }
0x1d9: {  	v49 =	vld [tilespmem:s12+$0xABA0]  }
0x1da: {  	v50 =	vld [tilespmem:s12+$0x2BB0]  }
0x1db: {  	v51 =	vld [tilespmem:s12+$0xABB0]  }
0x1dc: {  	v53 =	vld [tilespmem:s12+$0x2BC0];
	v20 =	vmul.f32 v45, v20;
	v52 =	vmul.f32 v47, v46  }
0x1dd: {  	v54 =	vld [tilespmem:s12+$0xABC0]  }
0x1de: {  	v56 =	vld [tilespmem:s12+$0x2BD0];
	v55 =	vmul.f32 v49, v48;
	v20 =	vadd.f32 v52, v20  }
0x1df: {  	v57 =	vld [tilespmem:s12+$0xABD0]  }
0x1e0: {  	v59 =	vld [tilespmem:s12+$0x2BE0];
	v58 =	vmul.f32 v51, v50;
	v20 =	vadd.f32 v55, v20  }
0x1e1: {  	v60 =	vld [tilespmem:s12+$0xABE0]  }
0x1e2: {  	v62 =	vld [tilespmem:s12+$0x2BF0];
	v61 =	vmul.f32 v54, v53;
	v20 =	vadd.f32 v58, v20  }
0x1e3: {  	v63 =	vld [tilespmem:s12+$0xABF0]  }
0x1e4: {  	v31 =	vld [tilespmem:s12+$0x2F80];
	v30 =	vmul.f32 v57, v56;
	v20 =	vadd.f32 v61, v20  }
0x1e5: {  	v32 =	vld [tilespmem:s12+$0xAF80]  }
0x1e6: {  	v34 =	vld [tilespmem:s12+$0x2F90];
	v33 =	vmul.f32 v60, v59;
	v20 =	vadd.f32 v30, v20  }
0x1e7: {  	v35 =	vld [tilespmem:s12+$0xAF90]  }
0x1e8: {  	v37 =	vld [tilespmem:s12+$0x2FA0];
	v36 =	vmul.f32 v63, v62;
	v20 =	vadd.f32 v33, v20  }
0x1e9: {  	v38 =	vld [tilespmem:s12+$0xAFA0]  }
0x1ea: {  	v40 =	vld [tilespmem:s12+$0x2FB0];
	v39 =	vmul.f32 v32, v31;
	v20 =	vadd.f32 v36, v20  }
0x1eb: {  	v41 =	vld [tilespmem:s12+$0xAFB0]  }
0x1ec: {  	v43 =	vld [tilespmem:s12+$0x2FC0];
	v42 =	vmul.f32 v35, v34;
	v20 =	vadd.f32 v39, v20  }
0x1ed: {  	v44 =	vld [tilespmem:s12+$0xAFC0]  }
0x1ee: {  	v45 =	vmul.f32 v38, v37;
	v46 =	vld [tilespmem:s12+$0x2FD0];
	v20 =	vadd.f32 v42, v20  }
0x1ef: {  	v47 =	vld [tilespmem:s12+$0xAFD0]  }
0x1f0: {  	v48 =	vmul.f32 v41, v40;
	v49 =	vld [tilespmem:s12+$0x2FE0];
	v20 =	vadd.f32 v45, v20  }
0x1f1: {  	v50 =	vld [tilespmem:s12+$0xAFE0]  }
0x1f2: {  	v51 =	vmul.f32 v44, v43;
	v53 =	vld [tilespmem:s12+$0xAFF0];
	v20 =	vadd.f32 v48, v20  }
0x1f3: {  	v52 =	vld [tilespmem:s12+$0x2FF0]  }
0x1f4: {  	v54 =	vmul.f32 v47, v46;
	v20 =	vadd.f32 v51, v20;
	_ =	sdelay $0x1  }
0x1f5: {  	v55 =	vmul.f32 v50, v49;
	v20 =	vadd.f32 v54, v20;
	_ =	sdelay $0x1  }
0x1f6: {  	v56 =	vmul.f32 v53, v52;
	v20 =	vadd.f32 v55, v20;
	_ =	sdelay $0x1  }
0x1f7: {  	v20 =	vadd.f32 v56, v20;
	_ =	sdelay $0x1  }
0x1f8: {  	[tilespmem:v10+s30+$0x0] =	vst.idx.msk $0xffff, v20  }
0x1f9: {  	v20 =	vld [tilespmem:s12+$0x3000]  }
0x1fa: {  	v57 =	vld [tilespmem:s12+$0xB000]  }
0x1fb: {  	v58 =	vld [tilespmem:s12+$0x3010]  }
0x1fc: {  	v59 =	vld [tilespmem:s12+$0xB010]  }
0x1fd: {  	v60 =	vld [tilespmem:s12+$0x3020]  }
0x1fe: {  	v61 =	vld [tilespmem:s12+$0xB020]  }
0x1ff: {  	v62 =	vld [tilespmem:s12+$0x3030]  }
0x200: {  	v63 =	vld [tilespmem:s12+$0xB030]  }
0x201: {  	v30 =	vld [tilespmem:s12+$0x3040];
	v20 =	vmul.f32 v57, v20;
	v29 =	vmul.f32 v59, v58  }
0x202: {  	v31 =	vld [tilespmem:s12+$0xB040]  }
0x203: {  	v33 =	vld [tilespmem:s12+$0x3050];
	v32 =	vmul.f32 v61, v60;
	v20 =	vadd.f32 v29, v20  }
0x204: {  	v34 =	vld [tilespmem:s12+$0xB050]  }
0x205: {  	v36 =	vld [tilespmem:s12+$0x3060];
	v35 =	vmul.f32 v63, v62;
	v20 =	vadd.f32 v32, v20  }
0x206: {  	v37 =	vld [tilespmem:s12+$0xB060]  }
0x207: {  	v39 =	vld [tilespmem:s12+$0x3070];
	v38 =	vmul.f32 v31, v30;
	v20 =	vadd.f32 v35, v20  }
0x208: {  	v40 =	vld [tilespmem:s12+$0xB070]  }
0x209: {  	v42 =	vld [tilespmem:s12+$0x3400];
	v41 =	vmul.f32 v34, v33;
	v20 =	vadd.f32 v38, v20  }
0x20a: {  	v43 =	vld [tilespmem:s12+$0xB400]  }
0x20b: {  	v45 =	vld [tilespmem:s12+$0x3410];
	v44 =	vmul.f32 v37, v36;
	v20 =	vadd.f32 v41, v20  }
0x20c: {  	v46 =	vld [tilespmem:s12+$0xB410]  }
0x20d: {  	v48 =	vld [tilespmem:s12+$0x3420];
	v47 =	vmul.f32 v40, v39;
	v20 =	vadd.f32 v44, v20  }
0x20e: {  	v49 =	vld [tilespmem:s12+$0xB420]  }
0x20f: {  	v51 =	vld [tilespmem:s12+$0x3430];
	v50 =	vmul.f32 v43, v42;
	v20 =	vadd.f32 v47, v20  }
0x210: {  	v52 =	vld [tilespmem:s12+$0xB430]  }
0x211: {  	v54 =	vld [tilespmem:s12+$0x3440];
	v53 =	vmul.f32 v46, v45;
	v20 =	vadd.f32 v50, v20  }
0x212: {  	v55 =	vld [tilespmem:s12+$0xB440]  }
0x213: {  	v56 =	vmul.f32 v49, v48;
	v57 =	vld [tilespmem:s12+$0x3450];
	v20 =	vadd.f32 v53, v20  }
0x214: {  	v58 =	vld [tilespmem:s12+$0xB450]  }
0x215: {  	v59 =	vmul.f32 v52, v51;
	v60 =	vld [tilespmem:s12+$0x3460];
	v20 =	vadd.f32 v56, v20  }
0x216: {  	v61 =	vld [tilespmem:s12+$0xB460]  }
0x217: {  	v62 =	vmul.f32 v55, v54;
	v63 =	vld [tilespmem:s12+$0x3470];
	v20 =	vadd.f32 v59, v20  }
0x218: {  	v30 =	vld [tilespmem:s12+$0xB470]  }
0x219: {  	v31 =	vmul.f32 v58, v57;
	v20 =	vadd.f32 v62, v20;
	_ =	sdelay $0x1  }
0x21a: {  	v32 =	vmul.f32 v61, v60;
	v20 =	vadd.f32 v31, v20;
	_ =	sdelay $0x1  }
0x21b: {  	v33 =	vmul.f32 v30, v63;
	v20 =	vadd.f32 v32, v20;
	_ =	sdelay $0x1  }
0x21c: {  	v20 =	vadd.f32 v33, v20;
	_ =	sdelay $0x1  }
0x21d: {  	[tilespmem:v11+s30+$0x0] =	vst.idx.msk $0xffff, v20  }
0x21e: {  	v20 =	vld [tilespmem:s12+$0x3080]  }
0x21f: {  	v34 =	vld [tilespmem:s12+$0xB080]  }
0x220: {  	v35 =	vld [tilespmem:s12+$0x3090]  }
0x221: {  	v36 =	vld [tilespmem:s12+$0xB090]  }
0x222: {  	v37 =	vld [tilespmem:s12+$0x30A0]  }
0x223: {  	v38 =	vld [tilespmem:s12+$0xB0A0]  }
0x224: {  	v39 =	vld [tilespmem:s12+$0x30B0]  }
0x225: {  	v40 =	vld [tilespmem:s12+$0xB0B0]  }
0x226: {  	v42 =	vld [tilespmem:s12+$0x30C0];
	v20 =	vmul.f32 v34, v20;
	v41 =	vmul.f32 v36, v35  }
0x227: {  	v43 =	vld [tilespmem:s12+$0xB0C0]  }
0x228: {  	v45 =	vld [tilespmem:s12+$0x30D0];
	v44 =	vmul.f32 v38, v37;
	v20 =	vadd.f32 v41, v20  }
0x229: {  	v46 =	vld [tilespmem:s12+$0xB0D0]  }
0x22a: {  	v48 =	vld [tilespmem:s12+$0x30E0];
	v47 =	vmul.f32 v40, v39;
	v20 =	vadd.f32 v44, v20  }
0x22b: {  	v49 =	vld [tilespmem:s12+$0xB0E0]  }
0x22c: {  	v51 =	vld [tilespmem:s12+$0x30F0];
	v50 =	vmul.f32 v43, v42;
	v20 =	vadd.f32 v47, v20  }
0x22d: {  	v52 =	vld [tilespmem:s12+$0xB0F0]  }
0x22e: {  	v54 =	vld [tilespmem:s12+$0x3480];
	v53 =	vmul.f32 v46, v45;
	v20 =	vadd.f32 v50, v20  }
0x22f: {  	v55 =	vld [tilespmem:s12+$0xB480]  }
0x230: {  	v57 =	vld [tilespmem:s12+$0x3490];
	v56 =	vmul.f32 v49, v48;
	v20 =	vadd.f32 v53, v20  }
0x231: {  	v58 =	vld [tilespmem:s12+$0xB490]  }
0x232: {  	v60 =	vld [tilespmem:s12+$0x34A0];
	v59 =	vmul.f32 v52, v51;
	v20 =	vadd.f32 v56, v20  }
0x233: {  	v61 =	vld [tilespmem:s12+$0xB4A0]  }
0x234: {  	v63 =	vld [tilespmem:s12+$0x34B0];
	v62 =	vmul.f32 v55, v54;
	v20 =	vadd.f32 v59, v20  }
0x235: {  	v30 =	vld [tilespmem:s12+$0xB4B0]  }
0x236: {  	v32 =	vld [tilespmem:s12+$0x34C0];
	v31 =	vmul.f32 v58, v57;
	v20 =	vadd.f32 v62, v20  }
0x237: {  	v33 =	vld [tilespmem:s12+$0xB4C0]  }
0x238: {  	v34 =	vmul.f32 v61, v60;
	v35 =	vld [tilespmem:s12+$0x34D0];
	v20 =	vadd.f32 v31, v20  }
0x239: {  	v36 =	vld [tilespmem:s12+$0xB4D0]  }
0x23a: {  	v37 =	vmul.f32 v30, v63;
	v38 =	vld [tilespmem:s12+$0x34E0];
	v20 =	vadd.f32 v34, v20  }
0x23b: {  	v39 =	vld [tilespmem:s12+$0xB4E0]  }
0x23c: {  	v40 =	vmul.f32 v33, v32;
	v42 =	vld [tilespmem:s12+$0xB4F0];
	v20 =	vadd.f32 v37, v20  }
0x23d: {  	v41 =	vld [tilespmem:s12+$0x34F0]  }
0x23e: {  	v43 =	vmul.f32 v36, v35;
	v20 =	vadd.f32 v40, v20;
	_ =	sdelay $0x1  }
0x23f: {  	v44 =	vmul.f32 v39, v38;
	v20 =	vadd.f32 v43, v20;
	_ =	sdelay $0x1  }
0x240: {  	v45 =	vmul.f32 v42, v41;
	v20 =	vadd.f32 v44, v20;
	_ =	sdelay $0x1  }
0x241: {  	v20 =	vadd.f32 v45, v20;
	_ =	sdelay $0x1  }
0x242: {  	[tilespmem:v12+s30+$0x0] =	vst.idx.msk $0xffff, v20  }
0x243: {  	v20 =	vld [tilespmem:s12+$0x3100]  }
0x244: {  	v46 =	vld [tilespmem:s12+$0xB100]  }
0x245: {  	v47 =	vld [tilespmem:s12+$0x3110]  }
0x246: {  	v48 =	vld [tilespmem:s12+$0xB110]  }
0x247: {  	v49 =	vld [tilespmem:s12+$0x3120]  }
0x248: {  	v50 =	vld [tilespmem:s12+$0xB120]  }
0x249: {  	v51 =	vld [tilespmem:s12+$0x3130]  }
0x24a: {  	v52 =	vld [tilespmem:s12+$0xB130]  }
0x24b: {  	v54 =	vld [tilespmem:s12+$0x3140];
	v20 =	vmul.f32 v46, v20;
	v53 =	vmul.f32 v48, v47  }
0x24c: {  	v55 =	vld [tilespmem:s12+$0xB140]  }
0x24d: {  	v57 =	vld [tilespmem:s12+$0x3150];
	v56 =	vmul.f32 v50, v49;
	v20 =	vadd.f32 v53, v20  }
0x24e: {  	v58 =	vld [tilespmem:s12+$0xB150]  }
0x24f: {  	v60 =	vld [tilespmem:s12+$0x3160];
	v59 =	vmul.f32 v52, v51;
	v20 =	vadd.f32 v56, v20  }
0x250: {  	v61 =	vld [tilespmem:s12+$0xB160]  }
0x251: {  	v63 =	vld [tilespmem:s12+$0x3170];
	v62 =	vmul.f32 v55, v54;
	v20 =	vadd.f32 v59, v20  }
0x252: {  	v30 =	vld [tilespmem:s12+$0xB170]  }
0x253: {  	v32 =	vld [tilespmem:s12+$0x3500];
	v31 =	vmul.f32 v58, v57;
	v20 =	vadd.f32 v62, v20  }
0x254: {  	v33 =	vld [tilespmem:s12+$0xB500]  }
0x255: {  	v35 =	vld [tilespmem:s12+$0x3510];
	v34 =	vmul.f32 v61, v60;
	v20 =	vadd.f32 v31, v20  }
0x256: {  	v36 =	vld [tilespmem:s12+$0xB510]  }
0x257: {  	v38 =	vld [tilespmem:s12+$0x3520];
	v37 =	vmul.f32 v30, v63;
	v20 =	vadd.f32 v34, v20  }
0x258: {  	v39 =	vld [tilespmem:s12+$0xB520]  }
0x259: {  	v41 =	vld [tilespmem:s12+$0x3530];
	v40 =	vmul.f32 v33, v32;
	v20 =	vadd.f32 v37, v20  }
0x25a: {  	v42 =	vld [tilespmem:s12+$0xB530]  }
0x25b: {  	v44 =	vld [tilespmem:s12+$0x3540];
	v43 =	vmul.f32 v36, v35;
	v20 =	vadd.f32 v40, v20  }
0x25c: {  	v45 =	vld [tilespmem:s12+$0xB540]  }
0x25d: {  	v46 =	vmul.f32 v39, v38;
	v47 =	vld [tilespmem:s12+$0x3550];
	v20 =	vadd.f32 v43, v20  }
0x25e: {  	v48 =	vld [tilespmem:s12+$0xB550]  }
0x25f: {  	v49 =	vmul.f32 v42, v41;
	v50 =	vld [tilespmem:s12+$0x3560];
	v20 =	vadd.f32 v46, v20  }
0x260: {  	v51 =	vld [tilespmem:s12+$0xB560]  }
0x261: {  	v52 =	vmul.f32 v45, v44;
	v54 =	vld [tilespmem:s12+$0xB570];
	v20 =	vadd.f32 v49, v20  }
0x262: {  	v53 =	vld [tilespmem:s12+$0x3570]  }
0x263: {  	v55 =	vmul.f32 v48, v47;
	v20 =	vadd.f32 v52, v20;
	_ =	sdelay $0x1  }
0x264: {  	v56 =	vmul.f32 v51, v50;
	v20 =	vadd.f32 v55, v20;
	_ =	sdelay $0x1  }
0x265: {  	v57 =	vmul.f32 v54, v53;
	v20 =	vadd.f32 v56, v20;
	_ =	sdelay $0x1  }
0x266: {  	v20 =	vadd.f32 v57, v20;
	_ =	sdelay $0x1  }
0x267: {  	[tilespmem:v13+s30+$0x0] =	vst.idx.msk $0xffff, v20  }
0x268: {  	v20 =	vld [tilespmem:s12+$0x3180]  }
0x269: {  	v58 =	vld [tilespmem:s12+$0xB180]  }
0x26a: {  	v59 =	vld [tilespmem:s12+$0x3190]  }
0x26b: {  	v60 =	vld [tilespmem:s12+$0xB190]  }
0x26c: {  	v61 =	vld [tilespmem:s12+$0x31A0]  }
0x26d: {  	v62 =	vld [tilespmem:s12+$0xB1A0]  }
0x26e: {  	v63 =	vld [tilespmem:s12+$0x31B0]  }
0x26f: {  	v30 =	vld [tilespmem:s12+$0xB1B0]  }
0x270: {  	v32 =	vld [tilespmem:s12+$0x31C0];
	v20 =	vmul.f32 v58, v20;
	v31 =	vmul.f32 v60, v59  }
0x271: {  	v33 =	vld [tilespmem:s12+$0xB1C0]  }
0x272: {  	v35 =	vld [tilespmem:s12+$0x31D0];
	v34 =	vmul.f32 v62, v61;
	v20 =	vadd.f32 v31, v20  }
0x273: {  	v36 =	vld [tilespmem:s12+$0xB1D0]  }
0x274: {  	v38 =	vld [tilespmem:s12+$0x31E0];
	v37 =	vmul.f32 v30, v63;
	v20 =	vadd.f32 v34, v20  }
0x275: {  	v39 =	vld [tilespmem:s12+$0xB1E0]  }
0x276: {  	v41 =	vld [tilespmem:s12+$0x31F0];
	v40 =	vmul.f32 v33, v32;
	v20 =	vadd.f32 v37, v20  }
0x277: {  	v42 =	vld [tilespmem:s12+$0xB1F0]  }
0x278: {  	v44 =	vld [tilespmem:s12+$0x3580];
	v43 =	vmul.f32 v36, v35;
	v20 =	vadd.f32 v40, v20  }
0x279: {  	v45 =	vld [tilespmem:s12+$0xB580]  }
0x27a: {  	v47 =	vld [tilespmem:s12+$0x3590];
	v46 =	vmul.f32 v39, v38;
	v20 =	vadd.f32 v43, v20  }
0x27b: {  	v48 =	vld [tilespmem:s12+$0xB590]  }
0x27c: {  	v50 =	vld [tilespmem:s12+$0x35A0];
	v49 =	vmul.f32 v42, v41;
	v20 =	vadd.f32 v46, v20  }
0x27d: {  	v51 =	vld [tilespmem:s12+$0xB5A0]  }
0x27e: {  	v53 =	vld [tilespmem:s12+$0x35B0];
	v52 =	vmul.f32 v45, v44;
	v20 =	vadd.f32 v49, v20  }
0x27f: {  	v54 =	vld [tilespmem:s12+$0xB5B0]  }
0x280: {  	v56 =	vld [tilespmem:s12+$0x35C0];
	v55 =	vmul.f32 v48, v47;
	v20 =	vadd.f32 v52, v20  }
0x281: {  	v57 =	vld [tilespmem:s12+$0xB5C0]  }
0x282: {  	v58 =	vmul.f32 v51, v50;
	v59 =	vld [tilespmem:s12+$0x35D0];
	v20 =	vadd.f32 v55, v20  }
0x283: {  	v60 =	vld [tilespmem:s12+$0xB5D0]  }
0x284: {  	v61 =	vmul.f32 v54, v53;
	v62 =	vld [tilespmem:s12+$0x35E0];
	v20 =	vadd.f32 v58, v20  }
0x285: {  	v63 =	vld [tilespmem:s12+$0xB5E0]  }
0x286: {  	v30 =	vmul.f32 v57, v56;
	v32 =	vld [tilespmem:s12+$0xB5F0];
	v20 =	vadd.f32 v61, v20  }
0x287: {  	v31 =	vld [tilespmem:s12+$0x35F0]  }
0x288: {  	v33 =	vmul.f32 v60, v59;
	v20 =	vadd.f32 v30, v20;
	_ =	sdelay $0x1  }
0x289: {  	v34 =	vmul.f32 v63, v62;
	v20 =	vadd.f32 v33, v20;
	_ =	sdelay $0x1  }
0x28a: {  	v35 =	vmul.f32 v32, v31;
	v20 =	vadd.f32 v34, v20;
	_ =	sdelay $0x1  }
0x28b: {  	v20 =	vadd.f32 v35, v20;
	_ =	sdelay $0x1  }
0x28c: {  	[tilespmem:v14+s30+$0x0] =	vst.idx.msk $0xffff, v20  }
0x28d: {  	v20 =	vld [tilespmem:s12+$0x3200]  }
0x28e: {  	v36 =	vld [tilespmem:s12+$0xB200]  }
0x28f: {  	v37 =	vld [tilespmem:s12+$0x3210]  }
0x290: {  	v38 =	vld [tilespmem:s12+$0xB210]  }
0x291: {  	v39 =	vld [tilespmem:s12+$0x3220]  }
0x292: {  	v40 =	vld [tilespmem:s12+$0xB220]  }
0x293: {  	v41 =	vld [tilespmem:s12+$0x3230]  }
0x294: {  	v42 =	vld [tilespmem:s12+$0xB230]  }
0x295: {  	v44 =	vld [tilespmem:s12+$0x3240];
	v20 =	vmul.f32 v36, v20;
	v43 =	vmul.f32 v38, v37  }
0x296: {  	v45 =	vld [tilespmem:s12+$0xB240]  }
0x297: {  	v47 =	vld [tilespmem:s12+$0x3250];
	v46 =	vmul.f32 v40, v39;
	v20 =	vadd.f32 v43, v20  }
0x298: {  	v48 =	vld [tilespmem:s12+$0xB250]  }
0x299: {  	v50 =	vld [tilespmem:s12+$0x3260];
	v49 =	vmul.f32 v42, v41;
	v20 =	vadd.f32 v46, v20  }
0x29a: {  	v51 =	vld [tilespmem:s12+$0xB260]  }
0x29b: {  	v53 =	vld [tilespmem:s12+$0x3270];
	v52 =	vmul.f32 v45, v44;
	v20 =	vadd.f32 v49, v20  }
0x29c: {  	v54 =	vld [tilespmem:s12+$0xB270]  }
0x29d: {  	v56 =	vld [tilespmem:s12+$0x3600];
	v55 =	vmul.f32 v48, v47;
	v20 =	vadd.f32 v52, v20  }
0x29e: {  	v57 =	vld [tilespmem:s12+$0xB600]  }
0x29f: {  	v59 =	vld [tilespmem:s12+$0x3610];
	v58 =	vmul.f32 v51, v50;
	v20 =	vadd.f32 v55, v20  }
0x2a0: {  	v60 =	vld [tilespmem:s12+$0xB610]  }
0x2a1: {  	v62 =	vld [tilespmem:s12+$0x3620];
	v61 =	vmul.f32 v54, v53;
	v20 =	vadd.f32 v58, v20  }
0x2a2: {  	v63 =	vld [tilespmem:s12+$0xB620]  }
0x2a3: {  	v31 =	vld [tilespmem:s12+$0x3630];
	v30 =	vmul.f32 v57, v56;
	v20 =	vadd.f32 v61, v20  }
0x2a4: {  	v32 =	vld [tilespmem:s12+$0xB630]  }
0x2a5: {  	v34 =	vld [tilespmem:s12+$0x3640];
	v33 =	vmul.f32 v60, v59;
	v20 =	vadd.f32 v30, v20  }
0x2a6: {  	v35 =	vld [tilespmem:s12+$0xB640]  }
0x2a7: {  	v36 =	vmul.f32 v63, v62;
	v37 =	vld [tilespmem:s12+$0x3650];
	v20 =	vadd.f32 v33, v20  }
0x2a8: {  	v38 =	vld [tilespmem:s12+$0xB650]  }
0x2a9: {  	v39 =	vmul.f32 v32, v31;
	v40 =	vld [tilespmem:s12+$0x3660];
	v20 =	vadd.f32 v36, v20  }
0x2aa: {  	v41 =	vld [tilespmem:s12+$0xB660]  }
0x2ab: {  	v42 =	vmul.f32 v35, v34;
	v44 =	vld [tilespmem:s12+$0xB670];
	v20 =	vadd.f32 v39, v20  }
0x2ac: {  	v43 =	vld [tilespmem:s12+$0x3670]  }
0x2ad: {  	v45 =	vmul.f32 v38, v37;
	v20 =	vadd.f32 v42, v20;
	_ =	sdelay $0x1  }
0x2ae: {  	v46 =	vmul.f32 v41, v40;
	v20 =	vadd.f32 v45, v20;
	_ =	sdelay $0x1  }
0x2af: {  	v47 =	vmul.f32 v44, v43;
	v20 =	vadd.f32 v46, v20;
	_ =	sdelay $0x1  }
0x2b0: {  	v20 =	vadd.f32 v47, v20;
	_ =	sdelay $0x1  }
0x2b1: {  	[tilespmem:v15+s30+$0x0] =	vst.idx.msk $0xffff, v20  }
0x2b2: {  	v20 =	vld [tilespmem:s12+$0x3280]  }
0x2b3: {  	v48 =	vld [tilespmem:s12+$0xB280]  }
0x2b4: {  	v49 =	vld [tilespmem:s12+$0x3290]  }
0x2b5: {  	v50 =	vld [tilespmem:s12+$0xB290]  }
0x2b6: {  	v51 =	vld [tilespmem:s12+$0x32A0]  }
0x2b7: {  	v52 =	vld [tilespmem:s12+$0xB2A0]  }
0x2b8: {  	v53 =	vld [tilespmem:s12+$0x32B0]  }
0x2b9: {  	v54 =	vld [tilespmem:s12+$0xB2B0]  }
0x2ba: {  	v56 =	vld [tilespmem:s12+$0x32C0];
	v20 =	vmul.f32 v48, v20;
	v55 =	vmul.f32 v50, v49  }
0x2bb: {  	v57 =	vld [tilespmem:s12+$0xB2C0]  }
0x2bc: {  	v59 =	vld [tilespmem:s12+$0x32D0];
	v58 =	vmul.f32 v52, v51;
	v20 =	vadd.f32 v55, v20  }
0x2bd: {  	v60 =	vld [tilespmem:s12+$0xB2D0]  }
0x2be: {  	v62 =	vld [tilespmem:s12+$0x32E0];
	v61 =	vmul.f32 v54, v53;
	v20 =	vadd.f32 v58, v20  }
0x2bf: {  	v63 =	vld [tilespmem:s12+$0xB2E0]  }
0x2c0: {  	v30 =	vld [tilespmem:s12+$0x32F0];
	v29 =	vmul.f32 v57, v56;
	v20 =	vadd.f32 v61, v20  }
0x2c1: {  	v31 =	vld [tilespmem:s12+$0xB2F0]  }
0x2c2: {  	v33 =	vld [tilespmem:s12+$0x3680];
	v32 =	vmul.f32 v60, v59;
	v20 =	vadd.f32 v29, v20  }
0x2c3: {  	v34 =	vld [tilespmem:s12+$0xB680]  }
0x2c4: {  	v36 =	vld [tilespmem:s12+$0x3690];
	v35 =	vmul.f32 v63, v62;
	v20 =	vadd.f32 v32, v20  }
0x2c5: {  	v37 =	vld [tilespmem:s12+$0xB690]  }
0x2c6: {  	v39 =	vld [tilespmem:s12+$0x36A0];
	v38 =	vmul.f32 v31, v30;
	v20 =	vadd.f32 v35, v20  }
0x2c7: {  	v40 =	vld [tilespmem:s12+$0xB6A0]  }
0x2c8: {  	v42 =	vld [tilespmem:s12+$0x36B0];
	v41 =	vmul.f32 v34, v33;
	v20 =	vadd.f32 v38, v20  }
0x2c9: {  	v43 =	vld [tilespmem:s12+$0xB6B0]  }
0x2ca: {  	v45 =	vld [tilespmem:s12+$0x36C0];
	v44 =	vmul.f32 v37, v36;
	v20 =	vadd.f32 v41, v20  }
0x2cb: {  	v46 =	vld [tilespmem:s12+$0xB6C0]  }
0x2cc: {  	v47 =	vmul.f32 v40, v39;
	v48 =	vld [tilespmem:s12+$0x36D0];
	v20 =	vadd.f32 v44, v20  }
0x2cd: {  	v49 =	vld [tilespmem:s12+$0xB6D0]  }
0x2ce: {  	v50 =	vmul.f32 v43, v42;
	v51 =	vld [tilespmem:s12+$0x36E0];
	v20 =	vadd.f32 v47, v20  }
0x2cf: {  	v52 =	vld [tilespmem:s12+$0xB6E0]  }
0x2d0: {  	v53 =	vmul.f32 v46, v45;
	v54 =	vld [tilespmem:s12+$0x36F0];
	v20 =	vadd.f32 v50, v20  }
0x2d1: {  	v55 =	vld [tilespmem:s12+$0xB6F0]  }
0x2d2: {  	v56 =	vmul.f32 v49, v48;
	v20 =	vadd.f32 v53, v20;
	_ =	sdelay $0x1  }
0x2d3: {  	v57 =	vmul.f32 v52, v51;
	v20 =	vadd.f32 v56, v20;
	_ =	sdelay $0x1  }
0x2d4: {  	v58 =	vmul.f32 v55, v54;
	v20 =	vadd.f32 v57, v20;
	_ =	sdelay $0x1  }
0x2d5: {  	v20 =	vadd.f32 v58, v20;
	_ =	sdelay $0x1  }
0x2d6: {  	[tilespmem:v16+s30+$0x0] =	vst.idx.msk $0xffff, v20  }
0x2d7: {  	v20 =	vld [tilespmem:s12+$0x3300]  }
0x2d8: {  	v59 =	vld [tilespmem:s12+$0xB300]  }
0x2d9: {  	v60 =	vld [tilespmem:s12+$0x3310]  }
0x2da: {  	v61 =	vld [tilespmem:s12+$0xB310]  }
0x2db: {  	v62 =	vld [tilespmem:s12+$0x3320]  }
0x2dc: {  	v63 =	vld [tilespmem:s12+$0xB320]  }
0x2dd: {  	v30 =	vld [tilespmem:s12+$0x3330]  }
0x2de: {  	v31 =	vld [tilespmem:s12+$0xB330]  }
0x2df: {  	v33 =	vld [tilespmem:s12+$0x3340];
	v20 =	vmul.f32 v59, v20;
	v32 =	vmul.f32 v61, v60  }
0x2e0: {  	v34 =	vld [tilespmem:s12+$0xB340]  }
0x2e1: {  	v36 =	vld [tilespmem:s12+$0x3350];
	v35 =	vmul.f32 v63, v62;
	v20 =	vadd.f32 v32, v20  }
0x2e2: {  	v37 =	vld [tilespmem:s12+$0xB350]  }
0x2e3: {  	v39 =	vld [tilespmem:s12+$0x3360];
	v38 =	vmul.f32 v31, v30;
	v20 =	vadd.f32 v35, v20  }
0x2e4: {  	v40 =	vld [tilespmem:s12+$0xB360]  }
0x2e5: {  	v42 =	vld [tilespmem:s12+$0x3370];
	v41 =	vmul.f32 v34, v33;
	v20 =	vadd.f32 v38, v20  }
0x2e6: {  	v43 =	vld [tilespmem:s12+$0xB370]  }
0x2e7: {  	v45 =	vld [tilespmem:s12+$0x3700];
	v44 =	vmul.f32 v37, v36;
	v20 =	vadd.f32 v41, v20  }
0x2e8: {  	v46 =	vld [tilespmem:s12+$0xB700]  }
0x2e9: {  	v48 =	vld [tilespmem:s12+$0x3710];
	v47 =	vmul.f32 v40, v39;
	v20 =	vadd.f32 v44, v20  }
0x2ea: {  	v49 =	vld [tilespmem:s12+$0xB710]  }
0x2eb: {  	v51 =	vld [tilespmem:s12+$0x3720];
	v50 =	vmul.f32 v43, v42;
	v20 =	vadd.f32 v47, v20  }
0x2ec: {  	v52 =	vld [tilespmem:s12+$0xB720]  }
0x2ed: {  	v54 =	vld [tilespmem:s12+$0x3730];
	v53 =	vmul.f32 v46, v45;
	v20 =	vadd.f32 v50, v20  }
0x2ee: {  	v55 =	vld [tilespmem:s12+$0xB730]  }
0x2ef: {  	v57 =	vld [tilespmem:s12+$0x3740];
	v56 =	vmul.f32 v49, v48;
	v20 =	vadd.f32 v53, v20  }
0x2f0: {  	v58 =	vld [tilespmem:s12+$0xB740]  }
0x2f1: {  	v59 =	vmul.f32 v52, v51;
	v60 =	vld [tilespmem:s12+$0x3750];
	v20 =	vadd.f32 v56, v20  }
0x2f2: {  	v61 =	vld [tilespmem:s12+$0xB750]  }
0x2f3: {  	v62 =	vmul.f32 v55, v54;
	v63 =	vld [tilespmem:s12+$0x3760];
	v20 =	vadd.f32 v59, v20  }
0x2f4: {  	v30 =	vld [tilespmem:s12+$0xB760]  }
0x2f5: {  	v31 =	vmul.f32 v58, v57;
	v33 =	vld [tilespmem:s12+$0xB770];
	v20 =	vadd.f32 v62, v20  }
0x2f6: {  	v32 =	vld [tilespmem:s12+$0x3770]  }
0x2f7: {  	v34 =	vmul.f32 v61, v60;
	v20 =	vadd.f32 v31, v20;
	_ =	sdelay $0x1  }
0x2f8: {  	v35 =	vmul.f32 v30, v63;
	v20 =	vadd.f32 v34, v20;
	_ =	sdelay $0x1  }
0x2f9: {  	v36 =	vmul.f32 v33, v32;
	v20 =	vadd.f32 v35, v20;
	_ =	sdelay $0x1  }
0x2fa: {  	v20 =	vadd.f32 v36, v20;
	_ =	sdelay $0x1  }
0x2fb: {  	[tilespmem:v17+s30+$0x0] =	vst.idx.msk $0xffff, v20  }
0x2fc: {  	v20 =	vld [tilespmem:s12+$0x3380]  }
0x2fd: {  	v37 =	vld [tilespmem:s12+$0xB380]  }
0x2fe: {  	v38 =	vld [tilespmem:s12+$0x3390]  }
0x2ff: {  	v39 =	vld [tilespmem:s12+$0xB390]  }
0x300: {  	v40 =	vld [tilespmem:s12+$0x33A0]  }
0x301: {  	v41 =	vld [tilespmem:s12+$0xB3A0]  }
0x302: {  	v42 =	vld [tilespmem:s12+$0x33B0]  }
0x303: {  	v43 =	vld [tilespmem:s12+$0xB3B0]  }
0x304: {  	v45 =	vld [tilespmem:s12+$0x33C0];
	v20 =	vmul.f32 v37, v20;
	v44 =	vmul.f32 v39, v38  }
0x305: {  	v46 =	vld [tilespmem:s12+$0xB3C0]  }
0x306: {  	v48 =	vld [tilespmem:s12+$0x33D0];
	v47 =	vmul.f32 v41, v40;
	v20 =	vadd.f32 v44, v20  }
0x307: {  	v49 =	vld [tilespmem:s12+$0xB3D0]  }
0x308: {  	v51 =	vld [tilespmem:s12+$0x33E0];
	v50 =	vmul.f32 v43, v42;
	v20 =	vadd.f32 v47, v20  }
0x309: {  	v52 =	vld [tilespmem:s12+$0xB3E0]  }
0x30a: {  	v54 =	vld [tilespmem:s12+$0x33F0];
	v53 =	vmul.f32 v46, v45;
	v20 =	vadd.f32 v50, v20  }
0x30b: {  	v55 =	vld [tilespmem:s12+$0xB3F0]  }
0x30c: {  	v57 =	vld [tilespmem:s12+$0x3780];
	v56 =	vmul.f32 v49, v48;
	v20 =	vadd.f32 v53, v20  }
0x30d: {  	v58 =	vld [tilespmem:s12+$0xB780]  }
0x30e: {  	v60 =	vld [tilespmem:s12+$0x3790];
	v59 =	vmul.f32 v52, v51;
	v20 =	vadd.f32 v56, v20  }
0x30f: {  	v61 =	vld [tilespmem:s12+$0xB790]  }
0x310: {  	v63 =	vld [tilespmem:s12+$0x37A0];
	v62 =	vmul.f32 v55, v54;
	v20 =	vadd.f32 v59, v20  }
0x311: {  	v30 =	vld [tilespmem:s12+$0xB7A0]  }
0x312: {  	v32 =	vld [tilespmem:s12+$0x37B0];
	v31 =	vmul.f32 v58, v57;
	v20 =	vadd.f32 v62, v20  }
0x313: {  	v33 =	vld [tilespmem:s12+$0xB7B0]  }
0x314: {  	v35 =	vld [tilespmem:s12+$0x37C0];
	v34 =	vmul.f32 v61, v60;
	v20 =	vadd.f32 v31, v20  }
0x315: {  	v36 =	vld [tilespmem:s12+$0xB7C0]  }
0x316: {  	v37 =	vmul.f32 v30, v63;
	v38 =	vld [tilespmem:s12+$0x37D0];
	v20 =	vadd.f32 v34, v20  }
0x317: {  	v39 =	vld [tilespmem:s12+$0xB7D0]  }
0x318: {  	v40 =	vmul.f32 v33, v32;
	v41 =	vld [tilespmem:s12+$0x37E0];
	v20 =	vadd.f32 v37, v20  }
0x319: {  	v42 =	vld [tilespmem:s12+$0xB7E0]  }
0x31a: {  	v43 =	vmul.f32 v36, v35;
	v45 =	vld [tilespmem:s12+$0xB7F0];
	v20 =	vadd.f32 v40, v20  }
0x31b: {  	v44 =	vld [tilespmem:s12+$0x37F0]  }
0x31c: {  	v46 =	vmul.f32 v39, v38;
	v20 =	vadd.f32 v43, v20;
	_ =	sdelay $0x1  }
0x31d: {  	v47 =	vmul.f32 v42, v41;
	v20 =	vadd.f32 v46, v20;
	_ =	sdelay $0x1  }
0x31e: {  	v48 =	vmul.f32 v45, v44;
	v20 =	vadd.f32 v47, v20;
	_ =	sdelay $0x1  }
0x31f: {  	v20 =	vadd.f32 v48, v20;
	_ =	sdelay $0x1  }
0x320: {  	[tilespmem:v18+s30+$0x0] =	vst.idx.msk $0xffff, v20  }
0x321: {  	v20 =	vld [tilespmem:$0x13BC0]  }
0x322: {  	v49 =	vld [tilespmem:$0x13BD0];
	_ =	sdelay $0x1  }
0x323: {  	v50 =	vld [tilespmem:$0x13BE0];
	_ =	sdelay $0x1  }
0x324: {  	v51 =	vld [tilespmem:$0x13BF0]  }
0x325: {  	v20 =	vadd.f32 v49, v20  }
0x326: {  	v52 =	vld [tilespmem:$0x13C00]  }
0x327: {  	v20 =	vadd.f32 v50, v20  }
0x328: {  	v53 =	vld [tilespmem:$0x13C10]  }
0x329: {  	v20 =	vadd.f32 v51, v20  }
0x32a: {  	v54 =	vld [tilespmem:$0x13C20]  }
0x32b: {  	v20 =	vadd.f32 v52, v20  }
0x32c: {  	v55 =	vld [tilespmem:$0x13C30]  }
0x32d: {  	v20 =	vadd.f32 v53, v20  }
0x32e: {  	v56 =	vld [tilespmem:$0x13C40]  }
0x32f: {  	v20 =	vadd.f32 v54, v20  }
0x330: {  	v57 =	vld [tilespmem:$0x13C50]  }
0x331: {  	v20 =	vadd.f32 v55, v20  }
0x332: {  	v58 =	vld [tilespmem:$0x13C60]  }
0x333: {  	v20 =	vadd.f32 v56, v20  }
0x334: {  	v59 =	vld [tilespmem:$0x13C70]  }
0x335: {  	v20 =	vadd.f32 v57, v20  }
0x336: {  	v60 =	vld [tilespmem:$0x13C80]  }
0x337: {  	v20 =	vadd.f32 v58, v20  }
0x338: {  	v61 =	vld [tilespmem:$0x13C90]  }
0x339: {  	v20 =	vadd.f32 v59, v20  }
0x33a: {  	v62 =	vld [tilespmem:$0x13CA0]  }
0x33b: {  	v20 =	vadd.f32 v60, v20  }
0x33c: {  	v63 =	vld [tilespmem:$0x13CB0]  }
0x33d: {  	v20 =	vadd.f32 v61, v20  }
0x33e: {  	p0 =	seq.s32 s10, $0x3  }
.Ltmp1:
0x33f: {  	v20 =	vadd.f32 v62, v20;
	(pc) =	sbr.rel @!p0 .LBB2_6-.Ltmp1, $3  }
0x340: {  	_ = 	snop  }
0x341: {  	v20 =	vadd.f32 v63, v20;
	_ =	sdelay $0x1  }
0x342: {  	s10 =	sadd.s32 $0x1, s10;
	[tilespmem:v19+s11+$0x0 ss:$0x1] =	vst.idx.msk $0xffff, v20  }
0x343: {  	p0 =	seq.s32 s2, $0x4F  }
.Ltmp2:
0x344: {  	_ = 	snop;
	(pc) =	sbr.rel @!p0 .LBB2_3-.Ltmp2, $2  }
0x345: {  	_ =	sdelay $0x2  }
0x346: {  	s0 =	smov.u32 s2  }
0x347: {  	s31 =	sadd.s32 $0x1, s31  }
0x348: {  	p0 =	sne.s32 s31, s8  }
.Ltmp3:
0x349: {  	_ = 	snop;
	(pc) =	sbr.rel @p0 .LBB2_1-.Ltmp3, $4  }
0x34a: {  	[hbm4b:s7+s4] =	stream.linear.scatter [tilespmem:s30], [sflag:$0x3], $0x13C0, $0x38;
	[tilespmem:$0x13D00] =	vst v63  }
0x34b: {  	_ =	swait.ge [sflag:s9], $0x13C0  }
0x34c: {  	[sflag:s9] =	ssyncset.done $0x0  }
0x34d: {  	[sflag:s9] =	ssyncadd.s32 $0xFFFFEC40  }
0x34e: {  	_ =	sfence.sel $0x180000  }
0x34f: {  	[bflag:$0x0] =	sbarrier.arrive $0xFFFF  }
0x350: {  	_ =	strace $0x90000047  }
0x351: {  	s0 =	stileid.u32;
	[bflag:$0x2] =	sbarrier.arrive $0xFFFF  }
0x352: {  	p0 =	sne.s32 s0, $0x0;
	s0 =	rddreg [dreg:$0x5]  }
0x353: {  	s0 =	sadd.s32 @!p0 $0x100000, s0  }
0x354: {  	[sflag:s0] =	ssyncadd.tile.s32 @!p0 $0x1;
	_ =	shalt  }
.Lfunc_end2:
_tile_overlayer_lowered:
.L_overlay_start_2:
0x355: {  	(tag) =	ssettag $0x2  }
0x356: {  	s0 =	rddreg [dreg:$0x0];
	s2 =	stileid.u32  }
0x357: {  	s1 =	rddreg [dreg:$0x1];
	p0 =	sne.s32 s2, $0x0  }
0x358: {  	s3 =	rddreg [dreg:$0x2];
	[bflag:$0x3] =	sbarrier.arrive $0xFFFF;
	s2 =	simm.s32 @!p0 $0x1C03  }
0x359: {  	[timem:s3], [sflag:s2] =	dma.local @!p0 [hbm:s0], s1  }
0x35a: {  	s0 =	simm.s32 @!p0 $0x3  }
0x35b: {  	_ =	swait.ge @!p0 [sflag:s0], s1  }
0x35c: {  	s1 =	ssub.s32 @!p0 $0x0, s1;
	[sflag:s0] =	ssyncset.done @!p0 $0x0  }
0x35d: {  	[sflag:s0] =	ssyncadd.s32 @!p0 s1  }
0x35e: {  	[bflag:$0x3] =	sbarrier.arrive $0xFFFF  }
0x35f: {  	_ =	shalt  }

</sc_bundles>
